<compile_context>
chip_gen: v7x
topology: tpu7x:2x2x1
jax: 0.10.2.dev20260603
libtpu: 0.0.44.dev20260713+nightly
codegen_flags: <defaults>
</compile_context>

<pallas_src>
import functools

import jax
import jax.numpy as jnp
from jax import lax
from jax.experimental import pallas as pl
from jax.experimental.pallas import tpu as pltpu
from jax.experimental.pallas import tpu_sc as plsc

DIM = 64
NBUF = 2
CHUNK = 128


def _emb_call(idx, wt128, num_rows):
    info = plsc.get_sparse_core_info()
    nc, ns = info.num_cores, info.num_subcores
    nw = nc * ns
    rows_per_w = num_rows // nw
    n_chunks = rows_per_w // CHUNK
    n_outer = n_chunks // NBUF

    mesh = plsc.VectorSubcoreMesh(core_axis_name="c", subcore_axis_name="s")

    @functools.partial(
        pl.kernel,
        mesh=mesh,
        out_type=jax.ShapeDtypeStruct((num_rows, DIM), jnp.float32),
        scratch_types=[
            pltpu.VMEM((NBUF, CHUNK + 16), jnp.int32),
            pltpu.VMEM((NBUF, CHUNK), jnp.int32),
            pltpu.VMEM((NBUF, CHUNK, 128), jnp.float32),
            pltpu.VMEM((NBUF, CHUNK, DIM), jnp.float32),
            [pltpu.SemaphoreType.DMA] * NBUF,
            [pltpu.SemaphoreType.DMA] * NBUF,
        ],
    )
    def emb(idx_hbm, wt_hbm, out_hbm, idxc, gv, rows_v, outb, gsems, ssems):
        wid = lax.axis_index("s") * nc + lax.axis_index("c")
        base = wid * rows_per_w

        def outer(g, carry):
            for k in range(NBUF):
                i = g * NBUF + k
                off = base + i * CHUNK

                @pl.when(g > 0)
                def _wait_store():
                    off_prev = base + (i - NBUF) * CHUNK
                    pltpu.make_async_copy(
                        outb.at[k], out_hbm.at[pl.ds(off_prev, CHUNK)], ssems[k]
                    ).wait()

                pltpu.sync_copy(
                    idx_hbm.at[pl.ds(off, CHUNK)], idxc.at[k, pl.ds(0, CHUNK)]
                )
                for jb in range(CHUNK // 16):
                    t = idxc[k, pl.ds(jb * 16, 16)]
                    gv[k, pl.ds(jb * 16, 16)] = lax.shift_right_logical(t, 1)
                pltpu.async_copy(wt_hbm.at[gv.at[k]], rows_v.at[k], gsems[k])
            for k in range(NBUF):
                i = g * NBUF + k
                off = base + i * CHUNK
                pltpu.make_async_copy(
                    wt_hbm.at[gv.at[k]], rows_v.at[k], gsems[k]
                ).wait()

                def fix(jb, fcarry):
                    j0 = pl.multiple_of(jb * 16, 16)
                    tv = idxc[k, pl.ds(j0, 16)]
                    for l in range(16):
                        j = j0 + l
                        h = (tv[l] & 1) * DIM
                        for c4 in range(DIM // 16):
                            outb[k, j, pl.ds(c4 * 16, 16)] = rows_v[
                                k, j, pl.ds(pl.multiple_of(h + c4 * 16, 16), 16)
                            ]
                    return fcarry

                lax.fori_loop(0, CHUNK // 16, fix, 0)
                pltpu.async_copy(
                    outb.at[k], out_hbm.at[pl.ds(off, CHUNK)], ssems[k]
                )
            return carry

        lax.fori_loop(0, n_outer, outer, 0)

        for k in range(NBUF):
            i = (n_outer - 1) * NBUF + k
            off = base + i * CHUNK
            pltpu.make_async_copy(
                outb.at[k], out_hbm.at[pl.ds(off, CHUNK)], ssems[k]
            ).wait()

    return emb(idx, wt128)


def kernel(tokens, weight):
    b, s = tokens.shape
    num_rows = b * s
    idx = tokens.reshape(num_rows).astype(jnp.int32)
    wt128 = jnp.reshape(weight, (weight.shape[0] // 2, 128))
    out = _emb_call(idx, wt128, num_rows)
    return out.reshape(b, s, DIM)

# --- scband reference (transcript-rebuilt; emitter-appended) ---
"""Pipeline reference for scband-embedding-33131377721618 (READ-ONLY COPY).

The authoritative reference and input builder live on the scoring server;
editing this copy changes nothing except your own understanding.
"""

import jax, jax.numpy as jnp
import numpy as np

VOCAB = 1000000
DIM = 64
PAD_IDX = 0

def setup_inputs(seed: int = 0) -> dict:
    key = jax.random.key(seed)
    k_tok, k_w = jax.random.split(key)
    tokens = jax.random.randint(k_tok, (4096, 200), 0, VOCAB, dtype=jnp.int64) if jax.config.jax_enable_x64 else jax.random.randint(k_tok, (4096, 200), 0, VOCAB, dtype=jnp.int32)
    std = DIM ** (-0.5)
    weight = jax.random.normal(k_w, (VOCAB, DIM), dtype=jnp.float32) * std
    # padding_idx row is zeroed, matching nn.Embedding(padding_idx=...)
    weight = weight.at[PAD_IDX].set(0.0)
    return {"tokens": tokens, "weight": weight}

def reference(tokens, weight):
    # Faithful translation of nn.Embedding forward: a row gather.
    x = jnp.take(weight, tokens, axis=0)
    return x

if __name__ == "__main__":
    import jax
    _d = setup_inputs()
    print(jax.jit(kernel)(*tuple(_d.values())))

</pallas_src>

<mosaic_0001>
#map = affine_map<(d0, d1) -> (0)>
#map1 = affine_map<(d0, d1) -> (0, 0)>
module attributes {stable_mosaic.version = 14 : i64} {
  func.func @emb(%arg0: i32, %arg1: i32, %arg2: memref<819200xi32, #tpu.memory_space<hbm>>, %arg3: memref<500000x128xf32, #tpu.memory_space<hbm>>, %arg4: memref<819200x64xf32, #tpu.memory_space<hbm>>, %arg5: memref<2x144xi32, #tpu.memory_space<vmem>>, %arg6: memref<2x128xi32, #tpu.memory_space<vmem>>, %arg7: memref<2x128x128xf32, #tpu.memory_space<vmem>>, %arg8: memref<2x128x64xf32, #tpu.memory_space<vmem>>, %arg9: memref<!tpu.dma_semaphore, #tpu.memory_space<semaphore_mem>>, %arg10: memref<!tpu.dma_semaphore, #tpu.memory_space<semaphore_mem>>, %arg11: memref<!tpu.dma_semaphore, #tpu.memory_space<semaphore_mem>>, %arg12: memref<!tpu.dma_semaphore, #tpu.memory_space<semaphore_mem>>) attributes {dimension_semantics = [#tpu.dimension_semantics<core_parallel>, #tpu.dimension_semantics<subcore_parallel>], iteration_bounds = array<i64: 2, 16>, scalar_prefetch = 0 : i64, scratch_operands = 8 : i64, tpu.core_type = #tpu.core_type<sc_vector_subcore>, window_params = [{transform_indices = #map}, {transform_indices = #map1}, {transform_indices = #map1}]} {
    %mul3A = arith.constant 2 : i32
    %mul3A_0 = arith.muli %arg1, %mul3A : i32
    %add3A = arith.addi %mul3A_0, %arg0 : i32
    %mul3A_1 = arith.constant 25600 : i32
    %mul3A_2 = arith.muli %add3A, %mul3A_1 : i32
    %scan3A = arith.constant 0 : i32
    %scan3A_3 = arith.constant 0 : i32
    %scan3A_4 = arith.constant 100 : i32
    %scan3A_5 = arith.addi %scan3A_3, %scan3A_4 : i32
    %scan3A_6 = arith.constant 1 : i32
    scf.for %scan3A_37 = %scan3A_3 to %scan3A_5 step %scan3A_6  : i32 {
      %mul3A_38 = arith.constant 2 : i32
      %mul3A_39 = arith.muli %scan3A_37, %mul3A_38 : i32
      %add3A_40 = arith.constant 0 : i32
      %add3A_41 = arith.addi %mul3A_39, %add3A_40 : i32
      %mul3A_42 = arith.constant 128 : i32
      %mul3A_43 = arith.muli %add3A_41, %mul3A_42 : i32
      %add3A_44 = arith.addi %mul3A_2, %mul3A_43 : i32
      %gt3A = arith.constant 0 : i32
      %gt3A_45 = arith.cmpi sgt, %scan3A_37, %gt3A : i32
      %convert_element_type3A = arith.extui %gt3A_45 : i1 to i32
      %cond3A = arith.constant 0 : i32
      %cond3A_46 = arith.cmpi ne, %convert_element_type3A, %cond3A : i32
      scf.if %cond3A_46 {
        %sub3A = arith.constant 2 : i32
        %sub3A_380 = arith.subi %add3A_41, %sub3A : i32
        %mul3A_381 = arith.constant 128 : i32
        %mul3A_382 = arith.muli %sub3A_380, %mul3A_381 : i32
        %add3A_383 = arith.addi %mul3A_2, %mul3A_382 : i32
        %dma_wait3A_384 = arith.constant 0 : i32
        %dma_wait3A_385 = arith.constant 0 : i32
        %dma_wait3A_386 = arith.constant 0 : i32
        %dma_wait3A_387 = tpu.memref_slice %arg8[%dma_wait3A_384, %dma_wait3A_385, %dma_wait3A_386] : memref<2x128x64xf32, #tpu.memory_space<vmem>> -> memref<1x128x64xf32, #tpu.memory_space<vmem>>
        %dma_wait3A_388 = tpu.memref_squeeze %dma_wait3A_387 : memref<1x128x64xf32, #tpu.memory_space<vmem>> -> memref<128x64xf32, #tpu.memory_space<vmem>>
        %dma_wait3A_389 = arith.constant 0 : i32
        %dma_wait3A_390 = tpu.memref_slice %arg4[%add3A_383, %dma_wait3A_389] : memref<819200x64xf32, #tpu.memory_space<hbm>> -> memref<128x64xf32, #tpu.memory_space<hbm>>
        %dma_wait3A_391 = arith.constant 0 : i32
        %dma_wait3A_392 = tpu.memref_slice %arg4[%add3A_383, %dma_wait3A_391] : memref<819200x64xf32, #tpu.memory_space<hbm>> -> memref<128x64xf32, #tpu.memory_space<hbm>>
        %dma_wait3A_393 = arith.constant 0 : i32
        %dma_wait3A_394 = arith.constant 0 : i32
        %dma_wait3A_395 = tpu.memref_slice %arg8[%dma_wait3A_384, %dma_wait3A_393, %dma_wait3A_394] : memref<2x128x64xf32, #tpu.memory_space<vmem>> -> memref<1x128x64xf32, #tpu.memory_space<vmem>>
        %dma_wait3A_396 = tpu.memref_squeeze %dma_wait3A_395 : memref<1x128x64xf32, #tpu.memory_space<vmem>> -> memref<128x64xf32, #tpu.memory_space<vmem>>
        tpu.wait_dma2 semaphore(%arg11 : memref<!tpu.dma_semaphore, #tpu.memory_space<semaphore_mem>>) src(%dma_wait3A_396 : memref<128x64xf32, #tpu.memory_space<vmem>>) dst(%dma_wait3A_392 : memref<128x64xf32, #tpu.memory_space<hbm>>)
      } else {
      }
      %run_scoped3A = arith.constant 0 : i32
      "tpu.region"() ({
        %run_scoped3A_380 = tpu.sem_alloc : memref<!tpu.dma_semaphore, #tpu.memory_space<semaphore_mem>>
        %dma_start3A_381 = arith.constant 0 : i32
        %dma_start3A_382 = tpu.memref_slice %arg5[%run_scoped3A, %dma_start3A_381] : memref<2x144xi32, #tpu.memory_space<vmem>> -> memref<1x128xi32, #tpu.memory_space<vmem>>
        %dma_start3A_383 = tpu.memref_squeeze %dma_start3A_382 : memref<1x128xi32, #tpu.memory_space<vmem>> -> memref<128xi32, #tpu.memory_space<vmem>>
        %dma_start3A_384 = tpu.memref_slice %arg2[%add3A_44] : memref<819200xi32, #tpu.memory_space<hbm>> -> memref<128xi32, #tpu.memory_space<hbm>>
        %dma_start3A_385 = arith.constant 0 : i32
        %dma_start3A_386 = tpu.memref_slice %arg5[%run_scoped3A, %dma_start3A_385] : memref<2x144xi32, #tpu.memory_space<vmem>> -> memref<1x128xi32, #tpu.memory_space<vmem>>
        %dma_start3A_387 = tpu.memref_squeeze %dma_start3A_386 : memref<1x128xi32, #tpu.memory_space<vmem>> -> memref<128xi32, #tpu.memory_space<vmem>>
        %dma_start3A_388 = tpu.memref_slice %arg2[%add3A_44] : memref<819200xi32, #tpu.memory_space<hbm>> -> memref<128xi32, #tpu.memory_space<hbm>>
        tpu.enqueue_dma source(%dma_start3A_388 : memref<128xi32, #tpu.memory_space<hbm>>) target(%dma_start3A_387 : memref<128xi32, #tpu.memory_space<vmem>>) target_semaphore(%run_scoped3A_380 : memref<!tpu.dma_semaphore, #tpu.memory_space<semaphore_mem>>)
        %dma_wait3A_389 = arith.constant 0 : i32
        %dma_wait3A_390 = tpu.memref_slice %arg5[%run_scoped3A, %dma_wait3A_389] : memref<2x144xi32, #tpu.memory_space<vmem>> -> memref<1x128xi32, #tpu.memory_space<vmem>>
        %dma_wait3A_391 = tpu.memref_squeeze %dma_wait3A_390 : memref<1x128xi32, #tpu.memory_space<vmem>> -> memref<128xi32, #tpu.memory_space<vmem>>
        %dma_wait3A_392 = tpu.memref_slice %arg2[%add3A_44] : memref<819200xi32, #tpu.memory_space<hbm>> -> memref<128xi32, #tpu.memory_space<hbm>>
        %dma_wait3A_393 = arith.constant 0 : i32
        %dma_wait3A_394 = tpu.memref_slice %arg5[%run_scoped3A, %dma_wait3A_393] : memref<2x144xi32, #tpu.memory_space<vmem>> -> memref<1x128xi32, #tpu.memory_space<vmem>>
        %dma_wait3A_395 = tpu.memref_squeeze %dma_wait3A_394 : memref<1x128xi32, #tpu.memory_space<vmem>> -> memref<128xi32, #tpu.memory_space<vmem>>
        %dma_wait3A_396 = tpu.memref_slice %arg2[%add3A_44] : memref<819200xi32, #tpu.memory_space<hbm>> -> memref<128xi32, #tpu.memory_space<hbm>>
        tpu.wait_dma2 semaphore(%run_scoped3A_380 : memref<!tpu.dma_semaphore, #tpu.memory_space<semaphore_mem>>) src(%dma_wait3A_396 : memref<128xi32, #tpu.memory_space<hbm>>) dst(%dma_wait3A_395 : memref<128xi32, #tpu.memory_space<vmem>>)
        tpu.yield
      }) : () -> ()
      %get3A = arith.constant 0 : i32
      %get3A_47 = arith.index_cast %get3A : i32 to index
      %get3A_48 = arith.constant 0 : index
      %get3A_49 = tpu.vector_load %arg5[%get3A_47, %get3A_48] {strides = array<i32>} : memref<2x144xi32, #tpu.memory_space<vmem>>, vector<1x16xi32>,
      %get3A_50 = vector.shape_cast %get3A_49 : vector<1x16xi32> to vector<16xi32>
      %shift_right_logical3A = arith.constant 1 : i32
      %shift_right_logical3A_51 = vector.broadcast %shift_right_logical3A : i32 to vector<16xi32>
      %shift_right_logical3A_52 = arith.shrui %get3A_50, %shift_right_logical3A_51 : vector<16xi32>
      %swap3A = arith.constant 0 : i32
      %swap3A_53 = arith.index_cast %swap3A : i32 to index
      %swap3A_54 = arith.constant 0 : index
      %swap3A_55 = tpu.vector_load %arg6[%swap3A_53, %swap3A_54] {strides = array<i32>} : memref<2x128xi32, #tpu.memory_space<vmem>>, vector<1x16xi32>,
      %swap3A_56 = vector.shape_cast %swap3A_55 : vector<1x16xi32> to vector<16xi32>
      %swap3A_57 = vector.shape_cast %shift_right_logical3A_52 : vector<16xi32> to vector<1x16xi32>
      tpu.vector_store %arg6[%swap3A_53, %swap3A_54], %swap3A_57 {strides = array<i32>} : memref<2x128xi32, #tpu.memory_space<vmem>>, vector<1x16xi32>,
      %get3A_58 = arith.constant 0 : i32
      %get3A_59 = arith.index_cast %get3A_58 : i32 to index
      %get3A_60 = arith.constant 16 : index
      %get3A_61 = tpu.vector_load %arg5[%get3A_59, %get3A_60] {strides = array<i32>} : memref<2x144xi32, #tpu.memory_space<vmem>>, vector<1x16xi32>,
      %get3A_62 = vector.shape_cast %get3A_61 : vector<1x16xi32> to vector<16xi32>
      %shift_right_logical3A_63 = arith.constant 1 : i32
      %shift_right_logical3A_64 = vector.broadcast %shift_right_logical3A_63 : i32 to vector<16xi32>
      %shift_right_logical3A_65 = arith.shrui %get3A_62, %shift_right_logical3A_64 : vector<16xi32>
      %swap3A_66 = arith.constant 0 : i32
      %swap3A_67 = arith.index_cast %swap3A_66 : i32 to index
      %swap3A_68 = arith.constant 16 : index
      %swap3A_69 = tpu.vector_load %arg6[%swap3A_67, %swap3A_68] {strides = array<i32>} : memref<2x128xi32, #tpu.memory_space<vmem>>, vector<1x16xi32>,
      %swap3A_70 = vector.shape_cast %swap3A_69 : vector<1x16xi32> to vector<16xi32>
      %swap3A_71 = vector.shape_cast %shift_right_logical3A_65 : vector<16xi32> to vector<1x16xi32>
      tpu.vector_store %arg6[%swap3A_67, %swap3A_68], %swap3A_71 {strides = array<i32>} : memref<2x128xi32, #tpu.memory_space<vmem>>, vector<1x16xi32>,
      %get3A_72 = arith.constant 0 : i32
      %get3A_73 = arith.index_cast %get3A_72 : i32 to index
      %get3A_74 = arith.constant 32 : index
      %get3A_75 = tpu.vector_load %arg5[%get3A_73, %get3A_74] {strides = array<i32>} : memref<2x144xi32, #tpu.memory_space<vmem>>, vector<1x16xi32>,
      %get3A_76 = vector.shape_cast %get3A_75 : vector<1x16xi32> to vector<16xi32>
      %shift_right_logical3A_77 = arith.constant 1 : i32
      %shift_right_logical3A_78 = vector.broadcast %shift_right_logical3A_77 : i32 to vector<16xi32>
      %shift_right_logical3A_79 = arith.shrui %get3A_76, %shift_right_logical3A_78 : vector<16xi32>
      %swap3A_80 = arith.constant 0 : i32
      %swap3A_81 = arith.index_cast %swap3A_80 : i32 to index
      %swap3A_82 = arith.constant 32 : index
      %swap3A_83 = tpu.vector_load %arg6[%swap3A_81, %swap3A_82] {strides = array<i32>} : memref<2x128xi32, #tpu.memory_space<vmem>>, vector<1x16xi32>,
      %swap3A_84 = vector.shape_cast %swap3A_83 : vector<1x16xi32> to vector<16xi32>
      %swap3A_85 = vector.shape_cast %shift_right_logical3A_79 : vector<16xi32> to vector<1x16xi32>
      tpu.vector_store %arg6[%swap3A_81, %swap3A_82], %swap3A_85 {strides = array<i32>} : memref<2x128xi32, #tpu.memory_space<vmem>>, vector<1x16xi32>,
      %get3A_86 = arith.constant 0 : i32
      %get3A_87 = arith.index_cast %get3A_86 : i32 to index
      %get3A_88 = arith.constant 48 : index
      %get3A_89 = tpu.vector_load %arg5[%get3A_87, %get3A_88] {strides = array<i32>} : memref<2x144xi32, #tpu.memory_space<vmem>>, vector<1x16xi32>,
      %get3A_90 = vector.shape_cast %get3A_89 : vector<1x16xi32> to vector<16xi32>
      %shift_right_logical3A_91 = arith.constant 1 : i32
      %shift_right_logical3A_92 = vector.broadcast %shift_right_logical3A_91 : i32 to vector<16xi32>
      %shift_right_logical3A_93 = arith.shrui %get3A_90, %shift_right_logical3A_92 : vector<16xi32>
      %swap3A_94 = arith.constant 0 : i32
      %swap3A_95 = arith.index_cast %swap3A_94 : i32 to index
      %swap3A_96 = arith.constant 48 : index
      %swap3A_97 = tpu.vector_load %arg6[%swap3A_95, %swap3A_96] {strides = array<i32>} : memref<2x128xi32, #tpu.memory_space<vmem>>, vector<1x16xi32>,
      %swap3A_98 = vector.shape_cast %swap3A_97 : vector<1x16xi32> to vector<16xi32>
      %swap3A_99 = vector.shape_cast %shift_right_logical3A_93 : vector<16xi32> to vector<1x16xi32>
      tpu.vector_store %arg6[%swap3A_95, %swap3A_96], %swap3A_99 {strides = array<i32>} : memref<2x128xi32, #tpu.memory_space<vmem>>, vector<1x16xi32>,
      %get3A_100 = arith.constant 0 : i32
      %get3A_101 = arith.index_cast %get3A_100 : i32 to index
      %get3A_102 = arith.constant 64 : index
      %get3A_103 = tpu.vector_load %arg5[%get3A_101, %get3A_102] {strides = array<i32>} : memref<2x144xi32, #tpu.memory_space<vmem>>, vector<1x16xi32>,
      %get3A_104 = vector.shape_cast %get3A_103 : vector<1x16xi32> to vector<16xi32>
      %shift_right_logical3A_105 = arith.constant 1 : i32
      %shift_right_logical3A_106 = vector.broadcast %shift_right_logical3A_105 : i32 to vector<16xi32>
      %shift_right_logical3A_107 = arith.shrui %get3A_104, %shift_right_logical3A_106 : vector<16xi32>
      %swap3A_108 = arith.constant 0 : i32
      %swap3A_109 = arith.index_cast %swap3A_108 : i32 to index
      %swap3A_110 = arith.constant 64 : index
      %swap3A_111 = tpu.vector_load %arg6[%swap3A_109, %swap3A_110] {strides = array<i32>} : memref<2x128xi32, #tpu.memory_space<vmem>>, vector<1x16xi32>,
      %swap3A_112 = vector.shape_cast %swap3A_111 : vector<1x16xi32> to vector<16xi32>
      %swap3A_113 = vector.shape_cast %shift_right_logical3A_107 : vector<16xi32> to vector<1x16xi32>
      tpu.vector_store %arg6[%swap3A_109, %swap3A_110], %swap3A_113 {strides = array<i32>} : memref<2x128xi32, #tpu.memory_space<vmem>>, vector<1x16xi32>,
      %get3A_114 = arith.constant 0 : i32
      %get3A_115 = arith.index_cast %get3A_114 : i32 to index
      %get3A_116 = arith.constant 80 : index
      %get3A_117 = tpu.vector_load %arg5[%get3A_115, %get3A_116] {strides = array<i32>} : memref<2x144xi32, #tpu.memory_space<vmem>>, vector<1x16xi32>,
      %get3A_118 = vector.shape_cast %get3A_117 : vector<1x16xi32> to vector<16xi32>
      %shift_right_logical3A_119 = arith.constant 1 : i32
      %shift_right_logical3A_120 = vector.broadcast %shift_right_logical3A_119 : i32 to vector<16xi32>
      %shift_right_logical3A_121 = arith.shrui %get3A_118, %shift_right_logical3A_120 : vector<16xi32>
      %swap3A_122 = arith.constant 0 : i32
      %swap3A_123 = arith.index_cast %swap3A_122 : i32 to index
      %swap3A_124 = arith.constant 80 : index
      %swap3A_125 = tpu.vector_load %arg6[%swap3A_123, %swap3A_124] {strides = array<i32>} : memref<2x128xi32, #tpu.memory_space<vmem>>, vector<1x16xi32>,
      %swap3A_126 = vector.shape_cast %swap3A_125 : vector<1x16xi32> to vector<16xi32>
      %swap3A_127 = vector.shape_cast %shift_right_logical3A_121 : vector<16xi32> to vector<1x16xi32>
      tpu.vector_store %arg6[%swap3A_123, %swap3A_124], %swap3A_127 {strides = array<i32>} : memref<2x128xi32, #tpu.memory_space<vmem>>, vector<1x16xi32>,
      %get3A_128 = arith.constant 0 : i32
      %get3A_129 = arith.index_cast %get3A_128 : i32 to index
      %get3A_130 = arith.constant 96 : index
      %get3A_131 = tpu.vector_load %arg5[%get3A_129, %get3A_130] {strides = array<i32>} : memref<2x144xi32, #tpu.memory_space<vmem>>, vector<1x16xi32>,
      %get3A_132 = vector.shape_cast %get3A_131 : vector<1x16xi32> to vector<16xi32>
      %shift_right_logical3A_133 = arith.constant 1 : i32
      %shift_right_logical3A_134 = vector.broadcast %shift_right_logical3A_133 : i32 to vector<16xi32>
      %shift_right_logical3A_135 = arith.shrui %get3A_132, %shift_right_logical3A_134 : vector<16xi32>
      %swap3A_136 = arith.constant 0 : i32
      %swap3A_137 = arith.index_cast %swap3A_136 : i32 to index
      %swap3A_138 = arith.constant 96 : index
      %swap3A_139 = tpu.vector_load %arg6[%swap3A_137, %swap3A_138] {strides = array<i32>} : memref<2x128xi32, #tpu.memory_space<vmem>>, vector<1x16xi32>,
      %swap3A_140 = vector.shape_cast %swap3A_139 : vector<1x16xi32> to vector<16xi32>
      %swap3A_141 = vector.shape_cast %shift_right_logical3A_135 : vector<16xi32> to vector<1x16xi32>
      tpu.vector_store %arg6[%swap3A_137, %swap3A_138], %swap3A_141 {strides = array<i32>} : memref<2x128xi32, #tpu.memory_space<vmem>>, vector<1x16xi32>,
      %get3A_142 = arith.constant 0 : i32
      %get3A_143 = arith.index_cast %get3A_142 : i32 to index
      %get3A_144 = arith.constant 112 : index
      %get3A_145 = tpu.vector_load %arg5[%get3A_143, %get3A_144] {strides = array<i32>} : memref<2x144xi32, #tpu.memory_space<vmem>>, vector<1x16xi32>,
      %get3A_146 = vector.shape_cast %get3A_145 : vector<1x16xi32> to vector<16xi32>
      %shift_right_logical3A_147 = arith.constant 1 : i32
      %shift_right_logical3A_148 = vector.broadcast %shift_right_logical3A_147 : i32 to vector<16xi32>
      %shift_right_logical3A_149 = arith.shrui %get3A_146, %shift_right_logical3A_148 : vector<16xi32>
      %swap3A_150 = arith.constant 0 : i32
      %swap3A_151 = arith.index_cast %swap3A_150 : i32 to index
      %swap3A_152 = arith.constant 112 : index
      %swap3A_153 = tpu.vector_load %arg6[%swap3A_151, %swap3A_152] {strides = array<i32>} : memref<2x128xi32, #tpu.memory_space<vmem>>, vector<1x16xi32>,
      %swap3A_154 = vector.shape_cast %swap3A_153 : vector<1x16xi32> to vector<16xi32>
      %swap3A_155 = vector.shape_cast %shift_right_logical3A_149 : vector<16xi32> to vector<1x16xi32>
      tpu.vector_store %arg6[%swap3A_151, %swap3A_152], %swap3A_155 {strides = array<i32>} : memref<2x128xi32, #tpu.memory_space<vmem>>, vector<1x16xi32>,
      %dma_start3A = arith.constant 0 : i32
      %dma_start3A_156 = arith.constant 0 : i32
      %dma_start3A_157 = arith.constant 0 : i32
      %dma_start3A_158 = arith.constant 0 : i32
      %dma_start3A_159 = tpu.memref_slice %arg7[%dma_start3A_156, %dma_start3A_157, %dma_start3A_158] : memref<2x128x128xf32, #tpu.memory_space<vmem>> -> memref<1x128x128xf32, #tpu.memory_space<vmem>>
      %dma_start3A_160 = tpu.memref_squeeze %dma_start3A_159 : memref<1x128x128xf32, #tpu.memory_space<vmem>> -> memref<128x128xf32, #tpu.memory_space<vmem>>
      %dma_start3A_161 = arith.constant 0 : i32
      %dma_start3A_162 = tpu.memref_slice %arg6[%dma_start3A, %dma_start3A_161] : memref<2x128xi32, #tpu.memory_space<vmem>> -> memref<1x128xi32, #tpu.memory_space<vmem>>
      %dma_start3A_163 = tpu.memref_squeeze %dma_start3A_162 : memref<1x128xi32, #tpu.memory_space<vmem>> -> memref<128xi32, #tpu.memory_space<vmem>>
      %dma_start3A_164 = arith.constant 0 : i32
      %dma_start3A_165 = arith.constant 0 : i32
      %dma_start3A_166 = tpu.memref_slice %arg3[%dma_start3A_164, %dma_start3A_165] : memref<500000x128xf32, #tpu.memory_space<hbm>> -> memref<500000x128xf32, #tpu.memory_space<hbm>>
      tpu.enqueue_indirect_dma source(%dma_start3A_166 : memref<500000x128xf32, #tpu.memory_space<hbm>>) target(%dma_start3A_160 : memref<128x128xf32, #tpu.memory_space<vmem>>) offsets(%dma_start3A_163 : memref<128xi32, #tpu.memory_space<vmem>>) semaphore(%arg9 : memref<!tpu.dma_semaphore, #tpu.memory_space<semaphore_mem>>)
      %mul3A_167 = arith.constant 2 : i32
      %mul3A_168 = arith.muli %scan3A_37, %mul3A_167 : i32
      %add3A_169 = arith.constant 1 : i32
      %add3A_170 = arith.addi %mul3A_168, %add3A_169 : i32
      %mul3A_171 = arith.constant 128 : i32
      %mul3A_172 = arith.muli %add3A_170, %mul3A_171 : i32
      %add3A_173 = arith.addi %mul3A_2, %mul3A_172 : i32
      %gt3A_174 = arith.constant 0 : i32
      %gt3A_175 = arith.cmpi sgt, %scan3A_37, %gt3A_174 : i32
      %convert_element_type3A_176 = arith.extui %gt3A_175 : i1 to i32
      %cond3A_177 = arith.constant 0 : i32
      %cond3A_178 = arith.cmpi ne, %convert_element_type3A_176, %cond3A_177 : i32
      scf.if %cond3A_178 {
        %sub3A = arith.constant 2 : i32
        %sub3A_380 = arith.subi %add3A_170, %sub3A : i32
        %mul3A_381 = arith.constant 128 : i32
        %mul3A_382 = arith.muli %sub3A_380, %mul3A_381 : i32
        %add3A_383 = arith.addi %mul3A_2, %mul3A_382 : i32
        %dma_wait3A_384 = arith.constant 1 : i32
        %dma_wait3A_385 = arith.constant 0 : i32
        %dma_wait3A_386 = arith.constant 0 : i32
        %dma_wait3A_387 = tpu.memref_slice %arg8[%dma_wait3A_384, %dma_wait3A_385, %dma_wait3A_386] : memref<2x128x64xf32, #tpu.memory_space<vmem>> -> memref<1x128x64xf32, #tpu.memory_space<vmem>>
        %dma_wait3A_388 = tpu.memref_squeeze %dma_wait3A_387 : memref<1x128x64xf32, #tpu.memory_space<vmem>> -> memref<128x64xf32, #tpu.memory_space<vmem>>
        %dma_wait3A_389 = arith.constant 0 : i32
        %dma_wait3A_390 = tpu.memref_slice %arg4[%add3A_383, %dma_wait3A_389] : memref<819200x64xf32, #tpu.memory_space<hbm>> -> memref<128x64xf32, #tpu.memory_space<hbm>>
        %dma_wait3A_391 = arith.constant 0 : i32
        %dma_wait3A_392 = tpu.memref_slice %arg4[%add3A_383, %dma_wait3A_391] : memref<819200x64xf32, #tpu.memory_space<hbm>> -> memref<128x64xf32, #tpu.memory_space<hbm>>
        %dma_wait3A_393 = arith.constant 0 : i32
        %dma_wait3A_394 = arith.constant 0 : i32
        %dma_wait3A_395 = tpu.memref_slice %arg8[%dma_wait3A_384, %dma_wait3A_393, %dma_wait3A_394] : memref<2x128x64xf32, #tpu.memory_space<vmem>> -> memref<1x128x64xf32, #tpu.memory_space<vmem>>
        %dma_wait3A_396 = tpu.memref_squeeze %dma_wait3A_395 : memref<1x128x64xf32, #tpu.memory_space<vmem>> -> memref<128x64xf32, #tpu.memory_space<vmem>>
        tpu.wait_dma2 semaphore(%arg12 : memref<!tpu.dma_semaphore, #tpu.memory_space<semaphore_mem>>) src(%dma_wait3A_396 : memref<128x64xf32, #tpu.memory_space<vmem>>) dst(%dma_wait3A_392 : memref<128x64xf32, #tpu.memory_space<hbm>>)
      } else {
      }
      %run_scoped3A_179 = arith.constant 1 : i32
      "tpu.region"() ({
        %run_scoped3A_380 = tpu.sem_alloc : memref<!tpu.dma_semaphore, #tpu.memory_space<semaphore_mem>>
        %dma_start3A_381 = arith.constant 0 : i32
        %dma_start3A_382 = tpu.memref_slice %arg5[%run_scoped3A_179, %dma_start3A_381] : memref<2x144xi32, #tpu.memory_space<vmem>> -> memref<1x128xi32, #tpu.memory_space<vmem>>
        %dma_start3A_383 = tpu.memref_squeeze %dma_start3A_382 : memref<1x128xi32, #tpu.memory_space<vmem>> -> memref<128xi32, #tpu.memory_space<vmem>>
        %dma_start3A_384 = tpu.memref_slice %arg2[%add3A_173] : memref<819200xi32, #tpu.memory_space<hbm>> -> memref<128xi32, #tpu.memory_space<hbm>>
        %dma_start3A_385 = arith.constant 0 : i32
        %dma_start3A_386 = tpu.memref_slice %arg5[%run_scoped3A_179, %dma_start3A_385] : memref<2x144xi32, #tpu.memory_space<vmem>> -> memref<1x128xi32, #tpu.memory_space<vmem>>
        %dma_start3A_387 = tpu.memref_squeeze %dma_start3A_386 : memref<1x128xi32, #tpu.memory_space<vmem>> -> memref<128xi32, #tpu.memory_space<vmem>>
        %dma_start3A_388 = tpu.memref_slice %arg2[%add3A_173] : memref<819200xi32, #tpu.memory_space<hbm>> -> memref<128xi32, #tpu.memory_space<hbm>>
        tpu.enqueue_dma source(%dma_start3A_388 : memref<128xi32, #tpu.memory_space<hbm>>) target(%dma_start3A_387 : memref<128xi32, #tpu.memory_space<vmem>>) target_semaphore(%run_scoped3A_380 : memref<!tpu.dma_semaphore, #tpu.memory_space<semaphore_mem>>)
        %dma_wait3A_389 = arith.constant 0 : i32
        %dma_wait3A_390 = tpu.memref_slice %arg5[%run_scoped3A_179, %dma_wait3A_389] : memref<2x144xi32, #tpu.memory_space<vmem>> -> memref<1x128xi32, #tpu.memory_space<vmem>>
        %dma_wait3A_391 = tpu.memref_squeeze %dma_wait3A_390 : memref<1x128xi32, #tpu.memory_space<vmem>> -> memref<128xi32, #tpu.memory_space<vmem>>
        %dma_wait3A_392 = tpu.memref_slice %arg2[%add3A_173] : memref<819200xi32, #tpu.memory_space<hbm>> -> memref<128xi32, #tpu.memory_space<hbm>>
        %dma_wait3A_393 = arith.constant 0 : i32
        %dma_wait3A_394 = tpu.memref_slice %arg5[%run_scoped3A_179, %dma_wait3A_393] : memref<2x144xi32, #tpu.memory_space<vmem>> -> memref<1x128xi32, #tpu.memory_space<vmem>>
        %dma_wait3A_395 = tpu.memref_squeeze %dma_wait3A_394 : memref<1x128xi32, #tpu.memory_space<vmem>> -> memref<128xi32, #tpu.memory_space<vmem>>
        %dma_wait3A_396 = tpu.memref_slice %arg2[%add3A_173] : memref<819200xi32, #tpu.memory_space<hbm>> -> memref<128xi32, #tpu.memory_space<hbm>>
        tpu.wait_dma2 semaphore(%run_scoped3A_380 : memref<!tpu.dma_semaphore, #tpu.memory_space<semaphore_mem>>) src(%dma_wait3A_396 : memref<128xi32, #tpu.memory_space<hbm>>) dst(%dma_wait3A_395 : memref<128xi32, #tpu.memory_space<vmem>>)
        tpu.yield
      }) : () -> ()
      %get3A_180 = arith.constant 1 : i32
      %get3A_181 = arith.index_cast %get3A_180 : i32 to index
      %get3A_182 = arith.constant 0 : index
      %get3A_183 = tpu.vector_load %arg5[%get3A_181, %get3A_182] {strides = array<i32>} : memref<2x144xi32, #tpu.memory_space<vmem>>, vector<1x16xi32>,
      %get3A_184 = vector.shape_cast %get3A_183 : vector<1x16xi32> to vector<16xi32>
      %shift_right_logical3A_185 = arith.constant 1 : i32
      %shift_right_logical3A_186 = vector.broadcast %shift_right_logical3A_185 : i32 to vector<16xi32>
      %shift_right_logical3A_187 = arith.shrui %get3A_184, %shift_right_logical3A_186 : vector<16xi32>
      %swap3A_188 = arith.constant 1 : i32
      %swap3A_189 = arith.index_cast %swap3A_188 : i32 to index
      %swap3A_190 = arith.constant 0 : index
      %swap3A_191 = tpu.vector_load %arg6[%swap3A_189, %swap3A_190] {strides = array<i32>} : memref<2x128xi32, #tpu.memory_space<vmem>>, vector<1x16xi32>,
      %swap3A_192 = vector.shape_cast %swap3A_191 : vector<1x16xi32> to vector<16xi32>
      %swap3A_193 = vector.shape_cast %shift_right_logical3A_187 : vector<16xi32> to vector<1x16xi32>
      tpu.vector_store %arg6[%swap3A_189, %swap3A_190], %swap3A_193 {strides = array<i32>} : memref<2x128xi32, #tpu.memory_space<vmem>>, vector<1x16xi32>,
      %get3A_194 = arith.constant 1 : i32
      %get3A_195 = arith.index_cast %get3A_194 : i32 to index
      %get3A_196 = arith.constant 16 : index
      %get3A_197 = tpu.vector_load %arg5[%get3A_195, %get3A_196] {strides = array<i32>} : memref<2x144xi32, #tpu.memory_space<vmem>>, vector<1x16xi32>,
      %get3A_198 = vector.shape_cast %get3A_197 : vector<1x16xi32> to vector<16xi32>
      %shift_right_logical3A_199 = arith.constant 1 : i32
      %shift_right_logical3A_200 = vector.broadcast %shift_right_logical3A_199 : i32 to vector<16xi32>
      %shift_right_logical3A_201 = arith.shrui %get3A_198, %shift_right_logical3A_200 : vector<16xi32>
      %swap3A_202 = arith.constant 1 : i32
      %swap3A_203 = arith.index_cast %swap3A_202 : i32 to index
      %swap3A_204 = arith.constant 16 : index
      %swap3A_205 = tpu.vector_load %arg6[%swap3A_203, %swap3A_204] {strides = array<i32>} : memref<2x128xi32, #tpu.memory_space<vmem>>, vector<1x16xi32>,
      %swap3A_206 = vector.shape_cast %swap3A_205 : vector<1x16xi32> to vector<16xi32>
      %swap3A_207 = vector.shape_cast %shift_right_logical3A_201 : vector<16xi32> to vector<1x16xi32>
      tpu.vector_store %arg6[%swap3A_203, %swap3A_204], %swap3A_207 {strides = array<i32>} : memref<2x128xi32, #tpu.memory_space<vmem>>, vector<1x16xi32>,
      %get3A_208 = arith.constant 1 : i32
      %get3A_209 = arith.index_cast %get3A_208 : i32 to index
      %get3A_210 = arith.constant 32 : index
      %get3A_211 = tpu.vector_load %arg5[%get3A_209, %get3A_210] {strides = array<i32>} : memref<2x144xi32, #tpu.memory_space<vmem>>, vector<1x16xi32>,
      %get3A_212 = vector.shape_cast %get3A_211 : vector<1x16xi32> to vector<16xi32>
      %shift_right_logical3A_213 = arith.constant 1 : i32
      %shift_right_logical3A_214 = vector.broadcast %shift_right_logical3A_213 : i32 to vector<16xi32>
      %shift_right_logical3A_215 = arith.shrui %get3A_212, %shift_right_logical3A_214 : vector<16xi32>
      %swap3A_216 = arith.constant 1 : i32
      %swap3A_217 = arith.index_cast %swap3A_216 : i32 to index
      %swap3A_218 = arith.constant 32 : index
      %swap3A_219 = tpu.vector_load %arg6[%swap3A_217, %swap3A_218] {strides = array<i32>} : memref<2x128xi32, #tpu.memory_space<vmem>>, vector<1x16xi32>,
      %swap3A_220 = vector.shape_cast %swap3A_219 : vector<1x16xi32> to vector<16xi32>
      %swap3A_221 = vector.shape_cast %shift_right_logical3A_215 : vector<16xi32> to vector<1x16xi32>
      tpu.vector_store %arg6[%swap3A_217, %swap3A_218], %swap3A_221 {strides = array<i32>} : memref<2x128xi32, #tpu.memory_space<vmem>>, vector<1x16xi32>,
      %get3A_222 = arith.constant 1 : i32
      %get3A_223 = arith.index_cast %get3A_222 : i32 to index
      %get3A_224 = arith.constant 48 : index
      %get3A_225 = tpu.vector_load %arg5[%get3A_223, %get3A_224] {strides = array<i32>} : memref<2x144xi32, #tpu.memory_space<vmem>>, vector<1x16xi32>,
      %get3A_226 = vector.shape_cast %get3A_225 : vector<1x16xi32> to vector<16xi32>
      %shift_right_logical3A_227 = arith.constant 1 : i32
      %shift_right_logical3A_228 = vector.broadcast %shift_right_logical3A_227 : i32 to vector<16xi32>
      %shift_right_logical3A_229 = arith.shrui %get3A_226, %shift_right_logical3A_228 : vector<16xi32>
      %swap3A_230 = arith.constant 1 : i32
      %swap3A_231 = arith.index_cast %swap3A_230 : i32 to index
      %swap3A_232 = arith.constant 48 : index
      %swap3A_233 = tpu.vector_load %arg6[%swap3A_231, %swap3A_232] {strides = array<i32>} : memref<2x128xi32, #tpu.memory_space<vmem>>, vector<1x16xi32>,
      %swap3A_234 = vector.shape_cast %swap3A_233 : vector<1x16xi32> to vector<16xi32>
      %swap3A_235 = vector.shape_cast %shift_right_logical3A_229 : vector<16xi32> to vector<1x16xi32>
      tpu.vector_store %arg6[%swap3A_231, %swap3A_232], %swap3A_235 {strides = array<i32>} : memref<2x128xi32, #tpu.memory_space<vmem>>, vector<1x16xi32>,
      %get3A_236 = arith.constant 1 : i32
      %get3A_237 = arith.index_cast %get3A_236 : i32 to index
      %get3A_238 = arith.constant 64 : index
      %get3A_239 = tpu.vector_load %arg5[%get3A_237, %get3A_238] {strides = array<i32>} : memref<2x144xi32, #tpu.memory_space<vmem>>, vector<1x16xi32>,
      %get3A_240 = vector.shape_cast %get3A_239 : vector<1x16xi32> to vector<16xi32>
      %shift_right_logical3A_241 = arith.constant 1 : i32
      %shift_right_logical3A_242 = vector.broadcast %shift_right_logical3A_241 : i32 to vector<16xi32>
      %shift_right_logical3A_243 = arith.shrui %get3A_240, %shift_right_logical3A_242 : vector<16xi32>
      %swap3A_244 = arith.constant 1 : i32
      %swap3A_245 = arith.index_cast %swap3A_244 : i32 to index
      %swap3A_246 = arith.constant 64 : index
      %swap3A_247 = tpu.vector_load %arg6[%swap3A_245, %swap3A_246] {strides = array<i32>} : memref<2x128xi32, #tpu.memory_space<vmem>>, vector<1x16xi32>,
      %swap3A_248 = vector.shape_cast %swap3A_247 : vector<1x16xi32> to vector<16xi32>
      %swap3A_249 = vector.shape_cast %shift_right_logical3A_243 : vector<16xi32> to vector<1x16xi32>
      tpu.vector_store %arg6[%swap3A_245, %swap3A_246], %swap3A_249 {strides = array<i32>} : memref<2x128xi32, #tpu.memory_space<vmem>>, vector<1x16xi32>,
      %get3A_250 = arith.constant 1 : i32
      %get3A_251 = arith.index_cast %get3A_250 : i32 to index
      %get3A_252 = arith.constant 80 : index
      %get3A_253 = tpu.vector_load %arg5[%get3A_251, %get3A_252] {strides = array<i32>} : memref<2x144xi32, #tpu.memory_space<vmem>>, vector<1x16xi32>,
      %get3A_254 = vector.shape_cast %get3A_253 : vector<1x16xi32> to vector<16xi32>
      %shift_right_logical3A_255 = arith.constant 1 : i32
      %shift_right_logical3A_256 = vector.broadcast %shift_right_logical3A_255 : i32 to vector<16xi32>
      %shift_right_logical3A_257 = arith.shrui %get3A_254, %shift_right_logical3A_256 : vector<16xi32>
      %swap3A_258 = arith.constant 1 : i32
      %swap3A_259 = arith.index_cast %swap3A_258 : i32 to index
      %swap3A_260 = arith.constant 80 : index
      %swap3A_261 = tpu.vector_load %arg6[%swap3A_259, %swap3A_260] {strides = array<i32>} : memref<2x128xi32, #tpu.memory_space<vmem>>, vector<1x16xi32>,
      %swap3A_262 = vector.shape_cast %swap3A_261 : vector<1x16xi32> to vector<16xi32>
      %swap3A_263 = vector.shape_cast %shift_right_logical3A_257 : vector<16xi32> to vector<1x16xi32>
      tpu.vector_store %arg6[%swap3A_259, %swap3A_260], %swap3A_263 {strides = array<i32>} : memref<2x128xi32, #tpu.memory_space<vmem>>, vector<1x16xi32>,
      %get3A_264 = arith.constant 1 : i32
      %get3A_265 = arith.index_cast %get3A_264 : i32 to index
      %get3A_266 = arith.constant 96 : index
      %get3A_267 = tpu.vector_load %arg5[%get3A_265, %get3A_266] {strides = array<i32>} : memref<2x144xi32, #tpu.memory_space<vmem>>, vector<1x16xi32>,
      %get3A_268 = vector.shape_cast %get3A_267 : vector<1x16xi32> to vector<16xi32>
      %shift_right_logical3A_269 = arith.constant 1 : i32
      %shift_right_logical3A_270 = vector.broadcast %shift_right_logical3A_269 : i32 to vector<16xi32>
      %shift_right_logical3A_271 = arith.shrui %get3A_268, %shift_right_logical3A_270 : vector<16xi32>
      %swap3A_272 = arith.constant 1 : i32
      %swap3A_273 = arith.index_cast %swap3A_272 : i32 to index
      %swap3A_274 = arith.constant 96 : index
      %swap3A_275 = tpu.vector_load %arg6[%swap3A_273, %swap3A_274] {strides = array<i32>} : memref<2x128xi32, #tpu.memory_space<vmem>>, vector<1x16xi32>,
      %swap3A_276 = vector.shape_cast %swap3A_275 : vector<1x16xi32> to vector<16xi32>
      %swap3A_277 = vector.shape_cast %shift_right_logical3A_271 : vector<16xi32> to vector<1x16xi32>
      tpu.vector_store %arg6[%swap3A_273, %swap3A_274], %swap3A_277 {strides = array<i32>} : memref<2x128xi32, #tpu.memory_space<vmem>>, vector<1x16xi32>,
      %get3A_278 = arith.constant 1 : i32
      %get3A_279 = arith.index_cast %get3A_278 : i32 to index
      %get3A_280 = arith.constant 112 : index
      %get3A_281 = tpu.vector_load %arg5[%get3A_279, %get3A_280] {strides = array<i32>} : memref<2x144xi32, #tpu.memory_space<vmem>>, vector<1x16xi32>,
      %get3A_282 = vector.shape_cast %get3A_281 : vector<1x16xi32> to vector<16xi32>
      %shift_right_logical3A_283 = arith.constant 1 : i32
      %shift_right_logical3A_284 = vector.broadcast %shift_right_logical3A_283 : i32 to vector<16xi32>
      %shift_right_logical3A_285 = arith.shrui %get3A_282, %shift_right_logical3A_284 : vector<16xi32>
      %swap3A_286 = arith.constant 1 : i32
      %swap3A_287 = arith.index_cast %swap3A_286 : i32 to index
      %swap3A_288 = arith.constant 112 : index
      %swap3A_289 = tpu.vector_load %arg6[%swap3A_287, %swap3A_288] {strides = array<i32>} : memref<2x128xi32, #tpu.memory_space<vmem>>, vector<1x16xi32>,
      %swap3A_290 = vector.shape_cast %swap3A_289 : vector<1x16xi32> to vector<16xi32>
      %swap3A_291 = vector.shape_cast %shift_right_logical3A_285 : vector<16xi32> to vector<1x16xi32>
      tpu.vector_store %arg6[%swap3A_287, %swap3A_288], %swap3A_291 {strides = array<i32>} : memref<2x128xi32, #tpu.memory_space<vmem>>, vector<1x16xi32>,
      %dma_start3A_292 = arith.constant 1 : i32
      %dma_start3A_293 = arith.constant 1 : i32
      %dma_start3A_294 = arith.constant 0 : i32
      %dma_start3A_295 = arith.constant 0 : i32
      %dma_start3A_296 = tpu.memref_slice %arg7[%dma_start3A_293, %dma_start3A_294, %dma_start3A_295] : memref<2x128x128xf32, #tpu.memory_space<vmem>> -> memref<1x128x128xf32, #tpu.memory_space<vmem>>
      %dma_start3A_297 = tpu.memref_squeeze %dma_start3A_296 : memref<1x128x128xf32, #tpu.memory_space<vmem>> -> memref<128x128xf32, #tpu.memory_space<vmem>>
      %dma_start3A_298 = arith.constant 0 : i32
      %dma_start3A_299 = tpu.memref_slice %arg6[%dma_start3A_292, %dma_start3A_298] : memref<2x128xi32, #tpu.memory_space<vmem>> -> memref<1x128xi32, #tpu.memory_space<vmem>>
      %dma_start3A_300 = tpu.memref_squeeze %dma_start3A_299 : memref<1x128xi32, #tpu.memory_space<vmem>> -> memref<128xi32, #tpu.memory_space<vmem>>
      %dma_start3A_301 = arith.constant 0 : i32
      %dma_start3A_302 = arith.constant 0 : i32
      %dma_start3A_303 = tpu.memref_slice %arg3[%dma_start3A_301, %dma_start3A_302] : memref<500000x128xf32, #tpu.memory_space<hbm>> -> memref<500000x128xf32, #tpu.memory_space<hbm>>
      tpu.enqueue_indirect_dma source(%dma_start3A_303 : memref<500000x128xf32, #tpu.memory_space<hbm>>) target(%dma_start3A_297 : memref<128x128xf32, #tpu.memory_space<vmem>>) offsets(%dma_start3A_300 : memref<128xi32, #tpu.memory_space<vmem>>) semaphore(%arg10 : memref<!tpu.dma_semaphore, #tpu.memory_space<semaphore_mem>>)
      %mul3A_304 = arith.constant 2 : i32
      %mul3A_305 = arith.muli %scan3A_37, %mul3A_304 : i32
      %add3A_306 = arith.constant 0 : i32
      %add3A_307 = arith.addi %mul3A_305, %add3A_306 : i32
      %mul3A_308 = arith.constant 128 : i32
      %mul3A_309 = arith.muli %add3A_307, %mul3A_308 : i32
      %add3A_310 = arith.addi %mul3A_2, %mul3A_309 : i32
      %dma_wait3A_311 = arith.constant 0 : i32
      %dma_wait3A_312 = arith.constant 0 : i32
      %dma_wait3A_313 = arith.constant 0 : i32
      %dma_wait3A_314 = arith.constant 0 : i32
      %dma_wait3A_315 = tpu.memref_slice %arg7[%dma_wait3A_312, %dma_wait3A_313, %dma_wait3A_314] : memref<2x128x128xf32, #tpu.memory_space<vmem>> -> memref<1x128x128xf32, #tpu.memory_space<vmem>>
      %dma_wait3A_316 = tpu.memref_squeeze %dma_wait3A_315 : memref<1x128x128xf32, #tpu.memory_space<vmem>> -> memref<128x128xf32, #tpu.memory_space<vmem>>
      %dma_wait3A_317 = arith.constant 0 : i32
      %dma_wait3A_318 = tpu.memref_slice %arg6[%dma_wait3A_311, %dma_wait3A_317] : memref<2x128xi32, #tpu.memory_space<vmem>> -> memref<1x128xi32, #tpu.memory_space<vmem>>
      %dma_wait3A_319 = tpu.memref_squeeze %dma_wait3A_318 : memref<1x128xi32, #tpu.memory_space<vmem>> -> memref<128xi32, #tpu.memory_space<vmem>>
      %dma_wait3A_320 = arith.constant 0 : i32
      %dma_wait3A_321 = arith.constant 0 : i32
      %dma_wait3A_322 = tpu.memref_slice %arg3[%dma_wait3A_320, %dma_wait3A_321] : memref<500000x128xf32, #tpu.memory_space<hbm>> -> memref<500000x128xf32, #tpu.memory_space<hbm>>
      tpu.wait_indirect_dma semaphore(%arg9 : memref<!tpu.dma_semaphore, #tpu.memory_space<semaphore_mem>>) src(%dma_wait3A_322 : memref<500000x128xf32, #tpu.memory_space<hbm>>) dst(%dma_wait3A_316 : memref<128x128xf32, #tpu.memory_space<vmem>>)
      %scan3A_323 = arith.constant 0 : i32
      %scan3A_324 = arith.constant 0 : i32
      %scan3A_325 = arith.constant 8 : i32
      %scan3A_326 = arith.addi %scan3A_324, %scan3A_325 : i32
      %scan3A_327 = arith.constant 1 : i32
      scf.for %scan3A_380 = %scan3A_324 to %scan3A_326 step %scan3A_327  : i32 {
        %mul3A_381 = arith.constant 16 : i32
        %mul3A_382 = arith.muli %scan3A_380, %mul3A_381 : i32
        %multiple_of3A = tpu.assume_multiple %mul3A_382, 16 : i32
        %get3A_383 = arith.constant 0 : i32
        %get3A_384 = arith.index_cast %get3A_383 : i32 to index
        %get3A_385 = arith.index_cast %multiple_of3A : i32 to index
        %get3A_386 = tpu.vector_load %arg5[%get3A_384, %get3A_385] {strides = array<i32>} : memref<2x144xi32, #tpu.memory_space<vmem>>, vector<1x16xi32>,
        %get3A_387 = vector.shape_cast %get3A_386 : vector<1x16xi32> to vector<16xi32>
        %add3A_388 = arith.constant 0 : i32
        %add3A_389 = arith.addi %multiple_of3A, %add3A_388 : i32
        %slice3A = vector.extract_strided_slice %get3A_387 {offsets = [0], sizes = [1], strides = [1]} : vector<16xi32> to vector<1xi32>
        %squeeze3A = vector.extract %slice3A[0] : i32 from vector<1xi32>
        %and3A = arith.constant 1 : i32
        %and3A_390 = arith.andi %squeeze3A, %and3A : i32
        %mul3A_391 = arith.constant 64 : i32
        %mul3A_392 = arith.muli %and3A_390, %mul3A_391 : i32
        %add3A_393 = arith.constant 0 : i32
        %add3A_394 = arith.addi %mul3A_392, %add3A_393 : i32
        %multiple_of3A_395 = tpu.assume_multiple %add3A_394, 16 : i32
        %get3A_396 = arith.constant 0 : i32
        %get3A_397 = arith.index_cast %get3A_396 : i32 to index
        %get3A_398 = arith.index_cast %add3A_389 : i32 to index
        %get3A_399 = arith.index_cast %multiple_of3A_395 : i32 to index
        %get3A_400 = tpu.vector_load %arg7[%get3A_397, %get3A_398, %get3A_399] {strides = array<i32>} : memref<2x128x128xf32, #tpu.memory_space<vmem>>, vector<1x1x16xf32>,
        %get3A_401 = vector.shape_cast %get3A_400 : vector<1x1x16xf32> to vector<16xf32>
        %swap3A_402 = arith.constant 0 : i32
        %swap3A_403 = arith.index_cast %swap3A_402 : i32 to index
        %swap3A_404 = arith.index_cast %add3A_389 : i32 to index
        %swap3A_405 = arith.constant 0 : index
        %swap3A_406 = tpu.vector_load %arg8[%swap3A_403, %swap3A_404, %swap3A_405] {strides = array<i32>} : memref<2x128x64xf32, #tpu.memory_space<vmem>>, vector<1x1x16xf32>,
        %swap3A_407 = vector.shape_cast %swap3A_406 : vector<1x1x16xf32> to vector<16xf32>
        %swap3A_408 = vector.shape_cast %get3A_401 : vector<16xf32> to vector<1x1x16xf32>
        tpu.vector_store %arg8[%swap3A_403, %swap3A_404, %swap3A_405], %swap3A_408 {strides = array<i32>} : memref<2x128x64xf32, #tpu.memory_space<vmem>>, vector<1x1x16xf32>,
        %add3A_409 = arith.constant 16 : i32
        %add3A_410 = arith.addi %mul3A_392, %add3A_409 : i32
        %multiple_of3A_411 = tpu.assume_multiple %add3A_410, 16 : i32
        %get3A_412 = arith.constant 0 : i32
        %get3A_413 = arith.index_cast %get3A_412 : i32 to index
        %get3A_414 = arith.index_cast %add3A_389 : i32 to index
        %get3A_415 = arith.index_cast %multiple_of3A_411 : i32 to index
        %get3A_416 = tpu.vector_load %arg7[%get3A_413, %get3A_414, %get3A_415] {strides = array<i32>} : memref<2x128x128xf32, #tpu.memory_space<vmem>>, vector<1x1x16xf32>,
        %get3A_417 = vector.shape_cast %get3A_416 : vector<1x1x16xf32> to vector<16xf32>
        %swap3A_418 = arith.constant 0 : i32
        %swap3A_419 = arith.index_cast %swap3A_418 : i32 to index
        %swap3A_420 = arith.index_cast %add3A_389 : i32 to index
        %swap3A_421 = arith.constant 16 : index
        %swap3A_422 = tpu.vector_load %arg8[%swap3A_419, %swap3A_420, %swap3A_421] {strides = array<i32>} : memref<2x128x64xf32, #tpu.memory_space<vmem>>, vector<1x1x16xf32>,
        %swap3A_423 = vector.shape_cast %swap3A_422 : vector<1x1x16xf32> to vector<16xf32>
        %swap3A_424 = vector.shape_cast %get3A_417 : vector<16xf32> to vector<1x1x16xf32>
        tpu.vector_store %arg8[%swap3A_419, %swap3A_420, %swap3A_421], %swap3A_424 {strides = array<i32>} : memref<2x128x64xf32, #tpu.memory_space<vmem>>, vector<1x1x16xf32>,
        %add3A_425 = arith.constant 32 : i32
        %add3A_426 = arith.addi %mul3A_392, %add3A_425 : i32
        %multiple_of3A_427 = tpu.assume_multiple %add3A_426, 16 : i32
        %get3A_428 = arith.constant 0 : i32
        %get3A_429 = arith.index_cast %get3A_428 : i32 to index
        %get3A_430 = arith.index_cast %add3A_389 : i32 to index
        %get3A_431 = arith.index_cast %multiple_of3A_427 : i32 to index
        %get3A_432 = tpu.vector_load %arg7[%get3A_429, %get3A_430, %get3A_431] {strides = array<i32>} : memref<2x128x128xf32, #tpu.memory_space<vmem>>, vector<1x1x16xf32>,
        %get3A_433 = vector.shape_cast %get3A_432 : vector<1x1x16xf32> to vector<16xf32>
        %swap3A_434 = arith.constant 0 : i32
        %swap3A_435 = arith.index_cast %swap3A_434 : i32 to index
        %swap3A_436 = arith.index_cast %add3A_389 : i32 to index
        %swap3A_437 = arith.constant 32 : index
        %swap3A_438 = tpu.vector_load %arg8[%swap3A_435, %swap3A_436, %swap3A_437] {strides = array<i32>} : memref<2x128x64xf32, #tpu.memory_space<vmem>>, vector<1x1x16xf32>,
        %swap3A_439 = vector.shape_cast %swap3A_438 : vector<1x1x16xf32> to vector<16xf32>
        %swap3A_440 = vector.shape_cast %get3A_433 : vector<16xf32> to vector<1x1x16xf32>
        tpu.vector_store %arg8[%swap3A_435, %swap3A_436, %swap3A_437], %swap3A_440 {strides = array<i32>} : memref<2x128x64xf32, #tpu.memory_space<vmem>>, vector<1x1x16xf32>,
        %add3A_441 = arith.constant 48 : i32
        %add3A_442 = arith.addi %mul3A_392, %add3A_441 : i32
        %multiple_of3A_443 = tpu.assume_multiple %add3A_442, 16 : i32
        %get3A_444 = arith.constant 0 : i32
        %get3A_445 = arith.index_cast %get3A_444 : i32 to index
        %get3A_446 = arith.index_cast %add3A_389 : i32 to index
        %get3A_447 = arith.index_cast %multiple_of3A_443 : i32 to index
        %get3A_448 = tpu.vector_load %arg7[%get3A_445, %get3A_446, %get3A_447] {strides = array<i32>} : memref<2x128x128xf32, #tpu.memory_space<vmem>>, vector<1x1x16xf32>,
        %get3A_449 = vector.shape_cast %get3A_448 : vector<1x1x16xf32> to vector<16xf32>
        %swap3A_450 = arith.constant 0 : i32
        %swap3A_451 = arith.index_cast %swap3A_450 : i32 to index
        %swap3A_452 = arith.index_cast %add3A_389 : i32 to index
        %swap3A_453 = arith.constant 48 : index
        %swap3A_454 = tpu.vector_load %arg8[%swap3A_451, %swap3A_452, %swap3A_453] {strides = array<i32>} : memref<2x128x64xf32, #tpu.memory_space<vmem>>, vector<1x1x16xf32>,
        %swap3A_455 = vector.shape_cast %swap3A_454 : vector<1x1x16xf32> to vector<16xf32>
        %swap3A_456 = vector.shape_cast %get3A_449 : vector<16xf32> to vector<1x1x16xf32>
        tpu.vector_store %arg8[%swap3A_451, %swap3A_452, %swap3A_453], %swap3A_456 {strides = array<i32>} : memref<2x128x64xf32, #tpu.memory_space<vmem>>, vector<1x1x16xf32>,
        %add3A_457 = arith.constant 1 : i32
        %add3A_458 = arith.addi %multiple_of3A, %add3A_457 : i32
        %slice3A_459 = vector.extract_strided_slice %get3A_387 {offsets = [1], sizes = [1], strides = [1]} : vector<16xi32> to vector<1xi32>
        %squeeze3A_460 = vector.extract %slice3A_459[0] : i32 from vector<1xi32>
        %and3A_461 = arith.constant 1 : i32
        %and3A_462 = arith.andi %squeeze3A_460, %and3A_461 : i32
        %mul3A_463 = arith.constant 64 : i32
        %mul3A_464 = arith.muli %and3A_462, %mul3A_463 : i32
        %add3A_465 = arith.constant 0 : i32
        %add3A_466 = arith.addi %mul3A_464, %add3A_465 : i32
        %multiple_of3A_467 = tpu.assume_multiple %add3A_466, 16 : i32
        %get3A_468 = arith.constant 0 : i32
        %get3A_469 = arith.index_cast %get3A_468 : i32 to index
        %get3A_470 = arith.index_cast %add3A_458 : i32 to index
        %get3A_471 = arith.index_cast %multiple_of3A_467 : i32 to index
        %get3A_472 = tpu.vector_load %arg7[%get3A_469, %get3A_470, %get3A_471] {strides = array<i32>} : memref<2x128x128xf32, #tpu.memory_space<vmem>>, vector<1x1x16xf32>,
        %get3A_473 = vector.shape_cast %get3A_472 : vector<1x1x16xf32> to vector<16xf32>
        %swap3A_474 = arith.constant 0 : i32
        %swap3A_475 = arith.index_cast %swap3A_474 : i32 to index
        %swap3A_476 = arith.index_cast %add3A_458 : i32 to index
        %swap3A_477 = arith.constant 0 : index
        %swap3A_478 = tpu.vector_load %arg8[%swap3A_475, %swap3A_476, %swap3A_477] {strides = array<i32>} : memref<2x128x64xf32, #tpu.memory_space<vmem>>, vector<1x1x16xf32>,
        %swap3A_479 = vector.shape_cast %swap3A_478 : vector<1x1x16xf32> to vector<16xf32>
        %swap3A_480 = vector.shape_cast %get3A_473 : vector<16xf32> to vector<1x1x16xf32>
        tpu.vector_store %arg8[%swap3A_475, %swap3A_476, %swap3A_477], %swap3A_480 {strides = array<i32>} : memref<2x128x64xf32, #tpu.memory_space<vmem>>, vector<1x1x16xf32>,
        %add3A_481 = arith.constant 16 : i32
        %add3A_482 = arith.addi %mul3A_464, %add3A_481 : i32
        %multiple_of3A_483 = tpu.assume_multiple %add3A_482, 16 : i32
        %get3A_484 = arith.constant 0 : i32
        %get3A_485 = arith.index_cast %get3A_484 : i32 to index
        %get3A_486 = arith.index_cast %add3A_458 : i32 to index
        %get3A_487 = arith.index_cast %multiple_of3A_483 : i32 to index
        %get3A_488 = tpu.vector_load %arg7[%get3A_485, %get3A_486, %get3A_487] {strides = array<i32>} : memref<2x128x128xf32, #tpu.memory_space<vmem>>, vector<1x1x16xf32>,
        %get3A_489 = vector.shape_cast %get3A_488 : vector<1x1x16xf32> to vector<16xf32>
        %swap3A_490 = arith.constant 0 : i32
        %swap3A_491 = arith.index_cast %swap3A_490 : i32 to index
        %swap3A_492 = arith.index_cast %add3A_458 : i32 to index
        %swap3A_493 = arith.constant 16 : index
        %swap3A_494 = tpu.vector_load %arg8[%swap3A_491, %swap3A_492, %swap3A_493] {strides = array<i32>} : memref<2x128x64xf32, #tpu.memory_space<vmem>>, vector<1x1x16xf32>,
        %swap3A_495 = vector.shape_cast %swap3A_494 : vector<1x1x16xf32> to vector<16xf32>
        %swap3A_496 = vector.shape_cast %get3A_489 : vector<16xf32> to vector<1x1x16xf32>
        tpu.vector_store %arg8[%swap3A_491, %swap3A_492, %swap3A_493], %swap3A_496 {strides = array<i32>} : memref<2x128x64xf32, #tpu.memory_space<vmem>>, vector<1x1x16xf32>,
        %add3A_497 = arith.constant 32 : i32
        %add3A_498 = arith.addi %mul3A_464, %add3A_497 : i32
        %multiple_of3A_499 = tpu.assume_multiple %add3A_498, 16 : i32
        %get3A_500 = arith.constant 0 : i32
        %get3A_501 = arith.index_cast %get3A_500 : i32 to index
        %get3A_502 = arith.index_cast %add3A_458 : i32 to index
        %get3A_503 = arith.index_cast %multiple_of3A_499 : i32 to index
        %get3A_504 = tpu.vector_load %arg7[%get3A_501, %get3A_502, %get3A_503] {strides = array<i32>} : memref<2x128x128xf32, #tpu.memory_space<vmem>>, vector<1x1x16xf32>,
        %get3A_505 = vector.shape_cast %get3A_504 : vector<1x1x16xf32> to vector<16xf32>
        %swap3A_506 = arith.constant 0 : i32
        %swap3A_507 = arith.index_cast %swap3A_506 : i32 to index
        %swap3A_508 = arith.index_cast %add3A_458 : i32 to index
        %swap3A_509 = arith.constant 32 : index
        %swap3A_510 = tpu.vector_load %arg8[%swap3A_507, %swap3A_508, %swap3A_509] {strides = array<i32>} : memref<2x128x64xf32, #tpu.memory_space<vmem>>, vector<1x1x16xf32>,
        %swap3A_511 = vector.shape_cast %swap3A_510 : vector<1x1x16xf32> to vector<16xf32>
        %swap3A_512 = vector.shape_cast %get3A_505 : vector<16xf32> to vector<1x1x16xf32>
        tpu.vector_store %arg8[%swap3A_507, %swap3A_508, %swap3A_509], %swap3A_512 {strides = array<i32>} : memref<2x128x64xf32, #tpu.memory_space<vmem>>, vector<1x1x16xf32>,
        %add3A_513 = arith.constant 48 : i32
        %add3A_514 = arith.addi %mul3A_464, %add3A_513 : i32
        %multiple_of3A_515 = tpu.assume_multiple %add3A_514, 16 : i32
        %get3A_516 = arith.constant 0 : i32
        %get3A_517 = arith.index_cast %get3A_516 : i32 to index
        %get3A_518 = arith.index_cast %add3A_458 : i32 to index
        %get3A_519 = arith.index_cast %multiple_of3A_515 : i32 to index
        %get3A_520 = tpu.vector_load %arg7[%get3A_517, %get3A_518, %get3A_519] {strides = array<i32>} : memref<2x128x128xf32, #tpu.memory_space<vmem>>, vector<1x1x16xf32>,
        %get3A_521 = vector.shape_cast %get3A_520 : vector<1x1x16xf32> to vector<16xf32>
        %swap3A_522 = arith.constant 0 : i32
        %swap3A_523 = arith.index_cast %swap3A_522 : i32 to index
        %swap3A_524 = arith.index_cast %add3A_458 : i32 to index
        %swap3A_525 = arith.constant 48 : index
        %swap3A_526 = tpu.vector_load %arg8[%swap3A_523, %swap3A_524, %swap3A_525] {strides = array<i32>} : memref<2x128x64xf32, #tpu.memory_space<vmem>>, vector<1x1x16xf32>,
        %swap3A_527 = vector.shape_cast %swap3A_526 : vector<1x1x16xf32> to vector<16xf32>
        %swap3A_528 = vector.shape_cast %get3A_521 : vector<16xf32> to vector<1x1x16xf32>
        tpu.vector_store %arg8[%swap3A_523, %swap3A_524, %swap3A_525], %swap3A_528 {strides = array<i32>} : memref<2x128x64xf32, #tpu.memory_space<vmem>>, vector<1x1x16xf32>,
        %add3A_529 = arith.constant 2 : i32
        %add3A_530 = arith.addi %multiple_of3A, %add3A_529 : i32
        %slice3A_531 = vector.extract_strided_slice %get3A_387 {offsets = [2], sizes = [1], strides = [1]} : vector<16xi32> to vector<1xi32>
        %squeeze3A_532 = vector.extract %slice3A_531[0] : i32 from vector<1xi32>
        %and3A_533 = arith.constant 1 : i32
        %and3A_534 = arith.andi %squeeze3A_532, %and3A_533 : i32
        %mul3A_535 = arith.constant 64 : i32
        %mul3A_536 = arith.muli %and3A_534, %mul3A_535 : i32
        %add3A_537 = arith.constant 0 : i32
        %add3A_538 = arith.addi %mul3A_536, %add3A_537 : i32
        %multiple_of3A_539 = tpu.assume_multiple %add3A_538, 16 : i32
        %get3A_540 = arith.constant 0 : i32
        %get3A_541 = arith.index_cast %get3A_540 : i32 to index
        %get3A_542 = arith.index_cast %add3A_530 : i32 to index
        %get3A_543 = arith.index_cast %multiple_of3A_539 : i32 to index
        %get3A_544 = tpu.vector_load %arg7[%get3A_541, %get3A_542, %get3A_543] {strides = array<i32>} : memref<2x128x128xf32, #tpu.memory_space<vmem>>, vector<1x1x16xf32>,
        %get3A_545 = vector.shape_cast %get3A_544 : vector<1x1x16xf32> to vector<16xf32>
        %swap3A_546 = arith.constant 0 : i32
        %swap3A_547 = arith.index_cast %swap3A_546 : i32 to index
        %swap3A_548 = arith.index_cast %add3A_530 : i32 to index
        %swap3A_549 = arith.constant 0 : index
        %swap3A_550 = tpu.vector_load %arg8[%swap3A_547, %swap3A_548, %swap3A_549] {strides = array<i32>} : memref<2x128x64xf32, #tpu.memory_space<vmem>>, vector<1x1x16xf32>,
        %swap3A_551 = vector.shape_cast %swap3A_550 : vector<1x1x16xf32> to vector<16xf32>
        %swap3A_552 = vector.shape_cast %get3A_545 : vector<16xf32> to vector<1x1x16xf32>
        tpu.vector_store %arg8[%swap3A_547, %swap3A_548, %swap3A_549], %swap3A_552 {strides = array<i32>} : memref<2x128x64xf32, #tpu.memory_space<vmem>>, vector<1x1x16xf32>,
        %add3A_553 = arith.constant 16 : i32
        %add3A_554 = arith.addi %mul3A_536, %add3A_553 : i32
        %multiple_of3A_555 = tpu.assume_multiple %add3A_554, 16 : i32
        %get3A_556 = arith.constant 0 : i32
        %get3A_557 = arith.index_cast %get3A_556 : i32 to index
        %get3A_558 = arith.index_cast %add3A_530 : i32 to index
        %get3A_559 = arith.index_cast %multiple_of3A_555 : i32 to index
        %get3A_560 = tpu.vector_load %arg7[%get3A_557, %get3A_558, %get3A_559] {strides = array<i32>} : memref<2x128x128xf32, #tpu.memory_space<vmem>>, vector<1x1x16xf32>,
        %get3A_561 = vector.shape_cast %get3A_560 : vector<1x1x16xf32> to vector<16xf32>
        %swap3A_562 = arith.constant 0 : i32
        %swap3A_563 = arith.index_cast %swap3A_562 : i32 to index
        %swap3A_564 = arith.index_cast %add3A_530 : i32 to index
        %swap3A_565 = arith.constant 16 : index
        %swap3A_566 = tpu.vector_load %arg8[%swap3A_563, %swap3A_564, %swap3A_565] {strides = array<i32>} : memref<2x128x64xf32, #tpu.memory_space<vmem>>, vector<1x1x16xf32>,
        %swap3A_567 = vector.shape_cast %swap3A_566 : vector<1x1x16xf32> to vector<16xf32>
        %swap3A_568 = vector.shape_cast %get3A_561 : vector<16xf32> to vector<1x1x16xf32>
        tpu.vector_store %arg8[%swap3A_563, %swap3A_564, %swap3A_565], %swap3A_568 {strides = array<i32>} : memref<2x128x64xf32, #tpu.memory_space<vmem>>, vector<1x1x16xf32>,
        %add3A_569 = arith.constant 32 : i32
        %add3A_570 = arith.addi %mul3A_536, %add3A_569 : i32
        %multiple_of3A_571 = tpu.assume_multiple %add3A_570, 16 : i32
        %get3A_572 = arith.constant 0 : i32
        %get3A_573 = arith.index_cast %get3A_572 : i32 to index
        %get3A_574 = arith.index_cast %add3A_530 : i32 to index
        %get3A_575 = arith.index_cast %multiple_of3A_571 : i32 to index
        %get3A_576 = tpu.vector_load %arg7[%get3A_573, %get3A_574, %get3A_575] {strides = array<i32>} : memref<2x128x128xf32, #tpu.memory_space<vmem>>, vector<1x1x16xf32>,
        %get3A_577 = vector.shape_cast %get3A_576 : vector<1x1x16xf32> to vector<16xf32>
        %swap3A_578 = arith.constant 0 : i32
        %swap3A_579 = arith.index_cast %swap3A_578 : i32 to index
        %swap3A_580 = arith.index_cast %add3A_530 : i32 to index
        %swap3A_581 = arith.constant 32 : index
        %swap3A_582 = tpu.vector_load %arg8[%swap3A_579, %swap3A_580, %swap3A_581] {strides = array<i32>} : memref<2x128x64xf32, #tpu.memory_space<vmem>>, vector<1x1x16xf32>,
        %swap3A_583 = vector.shape_cast %swap3A_582 : vector<1x1x16xf32> to vector<16xf32>
        %swap3A_584 = vector.shape_cast %get3A_577 : vector<16xf32> to vector<1x1x16xf32>
        tpu.vector_store %arg8[%swap3A_579, %swap3A_580, %swap3A_581], %swap3A_584 {strides = array<i32>} : memref<2x128x64xf32, #tpu.memory_space<vmem>>, vector<1x1x16xf32>,
        %add3A_585 = arith.constant 48 : i32
        %add3A_586 = arith.addi %mul3A_536, %add3A_585 : i32
        %multiple_of3A_587 = tpu.assume_multiple %add3A_586, 16 : i32
        %get3A_588 = arith.constant 0 : i32
        %get3A_589 = arith.index_cast %get3A_588 : i32 to index
        %get3A_590 = arith.index_cast %add3A_530 : i32 to index
        %get3A_591 = arith.index_cast %multiple_of3A_587 : i32 to index
        %get3A_592 = tpu.vector_load %arg7[%get3A_589, %get3A_590, %get3A_591] {strides = array<i32>} : memref<2x128x128xf32, #tpu.memory_space<vmem>>, vector<1x1x16xf32>,
        %get3A_593 = vector.shape_cast %get3A_592 : vector<1x1x16xf32> to vector<16xf32>
        %swap3A_594 = arith.constant 0 : i32
        %swap3A_595 = arith.index_cast %swap3A_594 : i32 to index
        %swap3A_596 = arith.index_cast %add3A_530 : i32 to index
        %swap3A_597 = arith.constant 48 : index
        %swap3A_598 = tpu.vector_load %arg8[%swap3A_595, %swap3A_596, %swap3A_597] {strides = array<i32>} : memref<2x128x64xf32, #tpu.memory_space<vmem>>, vector<1x1x16xf32>,
        %swap3A_599 = vector.shape_cast %swap3A_598 : vector<1x1x16xf32> to vector<16xf32>
        %swap3A_600 = vector.shape_cast %get3A_593 : vector<16xf32> to vector<1x1x16xf32>
        tpu.vector_store %arg8[%swap3A_595, %swap3A_596, %swap3A_597], %swap3A_600 {strides = array<i32>} : memref<2x128x64xf32, #tpu.memory_space<vmem>>, vector<1x1x16xf32>,
        %add3A_601 = arith.constant 3 : i32
        %add3A_602 = arith.addi %multiple_of3A, %add3A_601 : i32
        %slice3A_603 = vector.extract_strided_slice %get3A_387 {offsets = [3], sizes = [1], strides = [1]} : vector<16xi32> to vector<1xi32>
        %squeeze3A_604 = vector.extract %slice3A_603[0] : i32 from vector<1xi32>
        %and3A_605 = arith.constant 1 : i32
        %and3A_606 = arith.andi %squeeze3A_604, %and3A_605 : i32
        %mul3A_607 = arith.constant 64 : i32
        %mul3A_608 = arith.muli %and3A_606, %mul3A_607 : i32
        %add3A_609 = arith.constant 0 : i32
        %add3A_610 = arith.addi %mul3A_608, %add3A_609 : i32
        %multiple_of3A_611 = tpu.assume_multiple %add3A_610, 16 : i32
        %get3A_612 = arith.constant 0 : i32
        %get3A_613 = arith.index_cast %get3A_612 : i32 to index
        %get3A_614 = arith.index_cast %add3A_602 : i32 to index
        %get3A_615 = arith.index_cast %multiple_of3A_611 : i32 to index
        %get3A_616 = tpu.vector_load %arg7[%get3A_613, %get3A_614, %get3A_615] {strides = array<i32>} : memref<2x128x128xf32, #tpu.memory_space<vmem>>, vector<1x1x16xf32>,
        %get3A_617 = vector.shape_cast %get3A_616 : vector<1x1x16xf32> to vector<16xf32>
        %swap3A_618 = arith.constant 0 : i32
        %swap3A_619 = arith.index_cast %swap3A_618 : i32 to index
        %swap3A_620 = arith.index_cast %add3A_602 : i32 to index
        %swap3A_621 = arith.constant 0 : index
        %swap3A_622 = tpu.vector_load %arg8[%swap3A_619, %swap3A_620, %swap3A_621] {strides = array<i32>} : memref<2x128x64xf32, #tpu.memory_space<vmem>>, vector<1x1x16xf32>,
        %swap3A_623 = vector.shape_cast %swap3A_622 : vector<1x1x16xf32> to vector<16xf32>
        %swap3A_624 = vector.shape_cast %get3A_617 : vector<16xf32> to vector<1x1x16xf32>
        tpu.vector_store %arg8[%swap3A_619, %swap3A_620, %swap3A_621], %swap3A_624 {strides = array<i32>} : memref<2x128x64xf32, #tpu.memory_space<vmem>>, vector<1x1x16xf32>,
        %add3A_625 = arith.constant 16 : i32
        %add3A_626 = arith.addi %mul3A_608, %add3A_625 : i32
        %multiple_of3A_627 = tpu.assume_multiple %add3A_626, 16 : i32
        %get3A_628 = arith.constant 0 : i32
        %get3A_629 = arith.index_cast %get3A_628 : i32 to index
        %get3A_630 = arith.index_cast %add3A_602 : i32 to index
        %get3A_631 = arith.index_cast %multiple_of3A_627 : i32 to index
        %get3A_632 = tpu.vector_load %arg7[%get3A_629, %get3A_630, %get3A_631] {strides = array<i32>} : memref<2x128x128xf32, #tpu.memory_space<vmem>>, vector<1x1x16xf32>,
        %get3A_633 = vector.shape_cast %get3A_632 : vector<1x1x16xf32> to vector<16xf32>
        %swap3A_634 = arith.constant 0 : i32
        %swap3A_635 = arith.index_cast %swap3A_634 : i32 to index
        %swap3A_636 = arith.index_cast %add3A_602 : i32 to index
        %swap3A_637 = arith.constant 16 : index
        %swap3A_638 = tpu.vector_load %arg8[%swap3A_635, %swap3A_636, %swap3A_637] {strides = array<i32>} : memref<2x128x64xf32, #tpu.memory_space<vmem>>, vector<1x1x16xf32>,
        %swap3A_639 = vector.shape_cast %swap3A_638 : vector<1x1x16xf32> to vector<16xf32>
        %swap3A_640 = vector.shape_cast %get3A_633 : vector<16xf32> to vector<1x1x16xf32>
        tpu.vector_store %arg8[%swap3A_635, %swap3A_636, %swap3A_637], %swap3A_640 {strides = array<i32>} : memref<2x128x64xf32, #tpu.memory_space<vmem>>, vector<1x1x16xf32>,
        %add3A_641 = arith.constant 32 : i32
        %add3A_642 = arith.addi %mul3A_608, %add3A_641 : i32
        %multiple_of3A_643 = tpu.assume_multiple %add3A_642, 16 : i32
        %get3A_644 = arith.constant 0 : i32
        %get3A_645 = arith.index_cast %get3A_644 : i32 to index
        %get3A_646 = arith.index_cast %add3A_602 : i32 to index
        %get3A_647 = arith.index_cast %multiple_of3A_643 : i32 to index
        %get3A_648 = tpu.vector_load %arg7[%get3A_645, %get3A_646, %get3A_647] {strides = array<i32>} : memref<2x128x128xf32, #tpu.memory_space<vmem>>, vector<1x1x16xf32>,
        %get3A_649 = vector.shape_cast %get3A_648 : vector<1x1x16xf32> to vector<16xf32>
        %swap3A_650 = arith.constant 0 : i32
        %swap3A_651 = arith.index_cast %swap3A_650 : i32 to index
        %swap3A_652 = arith.index_cast %add3A_602 : i32 to index
        %swap3A_653 = arith.constant 32 : index
        %swap3A_654 = tpu.vector_load %arg8[%swap3A_651, %swap3A_652, %swap3A_653] {strides = array<i32>} : memref<2x128x64xf32, #tpu.memory_space<vmem>>, vector<1x1x16xf32>,
        %swap3A_655 = vector.shape_cast %swap3A_654 : vector<1x1x16xf32> to vector<16xf32>
        %swap3A_656 = vector.shape_cast %get3A_649 : vector<16xf32> to vector<1x1x16xf32>
        tpu.vector_store %arg8[%swap3A_651, %swap3A_652, %swap3A_653], %swap3A_656 {strides = array<i32>} : memref<2x128x64xf32, #tpu.memory_space<vmem>>, vector<1x1x16xf32>,
        %add3A_657 = arith.constant 48 : i32
        %add3A_658 = arith.addi %mul3A_608, %add3A_657 : i32
        %multiple_of3A_659 = tpu.assume_multiple %add3A_658, 16 : i32
        %get3A_660 = arith.constant 0 : i32
        %get3A_661 = arith.index_cast %get3A_660 : i32 to index
        %get3A_662 = arith.index_cast %add3A_602 : i32 to index
        %get3A_663 = arith.index_cast %multiple_of3A_659 : i32 to index
        %get3A_664 = tpu.vector_load %arg7[%get3A_661, %get3A_662, %get3A_663] {strides = array<i32>} : memref<2x128x128xf32, #tpu.memory_space<vmem>>, vector<1x1x16xf32>,
        %get3A_665 = vector.shape_cast %get3A_664 : vector<1x1x16xf32> to vector<16xf32>
        %swap3A_666 = arith.constant 0 : i32
        %swap3A_667 = arith.index_cast %swap3A_666 : i32 to index
        %swap3A_668 = arith.index_cast %add3A_602 : i32 to index
        %swap3A_669 = arith.constant 48 : index
        %swap3A_670 = tpu.vector_load %arg8[%swap3A_667, %swap3A_668, %swap3A_669] {strides = array<i32>} : memref<2x128x64xf32, #tpu.memory_space<vmem>>, vector<1x1x16xf32>,
        %swap3A_671 = vector.shape_cast %swap3A_670 : vector<1x1x16xf32> to vector<16xf32>
        %swap3A_672 = vector.shape_cast %get3A_665 : vector<16xf32> to vector<1x1x16xf32>
        tpu.vector_store %arg8[%swap3A_667, %swap3A_668, %swap3A_669], %swap3A_672 {strides = array<i32>} : memref<2x128x64xf32, #tpu.memory_space<vmem>>, vector<1x1x16xf32>,
        %add3A_673 = arith.constant 4 : i32
        %add3A_674 = arith.addi %multiple_of3A, %add3A_673 : i32
        %slice3A_675 = vector.extract_strided_slice %get3A_387 {offsets = [4], sizes = [1], strides = [1]} : vector<16xi32> to vector<1xi32>
        %squeeze3A_676 = vector.extract %slice3A_675[0] : i32 from vector<1xi32>
        %and3A_677 = arith.constant 1 : i32
        %and3A_678 = arith.andi %squeeze3A_676, %and3A_677 : i32
        %mul3A_679 = arith.constant 64 : i32
        %mul3A_680 = arith.muli %and3A_678, %mul3A_679 : i32
        %add3A_681 = arith.constant 0 : i32
        %add3A_682 = arith.addi %mul3A_680, %add3A_681 : i32
        %multiple_of3A_683 = tpu.assume_multiple %add3A_682, 16 : i32
        %get3A_684 = arith.constant 0 : i32
        %get3A_685 = arith.index_cast %get3A_684 : i32 to index
        %get3A_686 = arith.index_cast %add3A_674 : i32 to index
        %get3A_687 = arith.index_cast %multiple_of3A_683 : i32 to index
        %get3A_688 = tpu.vector_load %arg7[%get3A_685, %get3A_686, %get3A_687] {strides = array<i32>} : memref<2x128x128xf32, #tpu.memory_space<vmem>>, vector<1x1x16xf32>,
        %get3A_689 = vector.shape_cast %get3A_688 : vector<1x1x16xf32> to vector<16xf32>
        %swap3A_690 = arith.constant 0 : i32
        %swap3A_691 = arith.index_cast %swap3A_690 : i32 to index
        %swap3A_692 = arith.index_cast %add3A_674 : i32 to index
        %swap3A_693 = arith.constant 0 : index
        %swap3A_694 = tpu.vector_load %arg8[%swap3A_691, %swap3A_692, %swap3A_693] {strides = array<i32>} : memref<2x128x64xf32, #tpu.memory_space<vmem>>, vector<1x1x16xf32>,
        %swap3A_695 = vector.shape_cast %swap3A_694 : vector<1x1x16xf32> to vector<16xf32>
        %swap3A_696 = vector.shape_cast %get3A_689 : vector<16xf32> to vector<1x1x16xf32>
        tpu.vector_store %arg8[%swap3A_691, %swap3A_692, %swap3A_693], %swap3A_696 {strides = array<i32>} : memref<2x128x64xf32, #tpu.memory_space<vmem>>, vector<1x1x16xf32>,
        %add3A_697 = arith.constant 16 : i32
        %add3A_698 = arith.addi %mul3A_680, %add3A_697 : i32
        %multiple_of3A_699 = tpu.assume_multiple %add3A_698, 16 : i32
        %get3A_700 = arith.constant 0 : i32
        %get3A_701 = arith.index_cast %get3A_700 : i32 to index
        %get3A_702 = arith.index_cast %add3A_674 : i32 to index
        %get3A_703 = arith.index_cast %multiple_of3A_699 : i32 to index
        %get3A_704 = tpu.vector_load %arg7[%get3A_701, %get3A_702, %get3A_703] {strides = array<i32>} : memref<2x128x128xf32, #tpu.memory_space<vmem>>, vector<1x1x16xf32>,
        %get3A_705 = vector.shape_cast %get3A_704 : vector<1x1x16xf32> to vector<16xf32>
        %swap3A_706 = arith.constant 0 : i32
        %swap3A_707 = arith.index_cast %swap3A_706 : i32 to index
        %swap3A_708 = arith.index_cast %add3A_674 : i32 to index
        %swap3A_709 = arith.constant 16 : index
        %swap3A_710 = tpu.vector_load %arg8[%swap3A_707, %swap3A_708, %swap3A_709] {strides = array<i32>} : memref<2x128x64xf32, #tpu.memory_space<vmem>>, vector<1x1x16xf32>,
        %swap3A_711 = vector.shape_cast %swap3A_710 : vector<1x1x16xf32> to vector<16xf32>
        %swap3A_712 = vector.shape_cast %get3A_705 : vector<16xf32> to vector<1x1x16xf32>
        tpu.vector_store %arg8[%swap3A_707, %swap3A_708, %swap3A_709], %swap3A_712 {strides = array<i32>} : memref<2x128x64xf32, #tpu.memory_space<vmem>>, vector<1x1x16xf32>,
        %add3A_713 = arith.constant 32 : i32
        %add3A_714 = arith.addi %mul3A_680, %add3A_713 : i32
        %multiple_of3A_715 = tpu.assume_multiple %add3A_714, 16 : i32
        %get3A_716 = arith.constant 0 : i32
        %get3A_717 = arith.index_cast %get3A_716 : i32 to index
        %get3A_718 = arith.index_cast %add3A_674 : i32 to index
        %get3A_719 = arith.index_cast %multiple_of3A_715 : i32 to index
        %get3A_720 = tpu.vector_load %arg7[%get3A_717, %get3A_718, %get3A_719] {strides = array<i32>} : memref<2x128x128xf32, #tpu.memory_space<vmem>>, vector<1x1x16xf32>,
        %get3A_721 = vector.shape_cast %get3A_720 : vector<1x1x16xf32> to vector<16xf32>
        %swap3A_722 = arith.constant 0 : i32
        %swap3A_723 = arith.index_cast %swap3A_722 : i32 to index
        %swap3A_724 = arith.index_cast %add3A_674 : i32 to index
        %swap3A_725 = arith.constant 32 : index
        %swap3A_726 = tpu.vector_load %arg8[%swap3A_723, %swap3A_724, %swap3A_725] {strides = array<i32>} : memref<2x128x64xf32, #tpu.memory_space<vmem>>, vector<1x1x16xf32>,
        %swap3A_727 = vector.shape_cast %swap3A_726 : vector<1x1x16xf32> to vector<16xf32>
        %swap3A_728 = vector.shape_cast %get3A_721 : vector<16xf32> to vector<1x1x16xf32>
        tpu.vector_store %arg8[%swap3A_723, %swap3A_724, %swap3A_725], %swap3A_728 {strides = array<i32>} : memref<2x128x64xf32, #tpu.memory_space<vmem>>, vector<1x1x16xf32>,
        %add3A_729 = arith.constant 48 : i32
        %add3A_730 = arith.addi %mul3A_680, %add3A_729 : i32
        %multiple_of3A_731 = tpu.assume_multiple %add3A_730, 16 : i32
        %get3A_732 = arith.constant 0 : i32
        %get3A_733 = arith.index_cast %get3A_732 : i32 to index
        %get3A_734 = arith.index_cast %add3A_674 : i32 to index
        %get3A_735 = arith.index_cast %multiple_of3A_731 : i32 to index
        %get3A_736 = tpu.vector_load %arg7[%get3A_733, %get3A_734, %get3A_735] {strides = array<i32>} : memref<2x128x128xf32, #tpu.memory_space<vmem>>, vector<1x1x16xf32>,
        %get3A_737 = vector.shape_cast %get3A_736 : vector<1x1x16xf32> to vector<16xf32>
        %swap3A_738 = arith.constant 0 : i32
        %swap3A_739 = arith.index_cast %swap3A_738 : i32 to index
        %swap3A_740 = arith.index_cast %add3A_674 : i32 to index
        %swap3A_741 = arith.constant 48 : index
        %swap3A_742 = tpu.vector_load %arg8[%swap3A_739, %swap3A_740, %swap3A_741] {strides = array<i32>} : memref<2x128x64xf32, #tpu.memory_space<vmem>>, vector<1x1x16xf32>,
        %swap3A_743 = vector.shape_cast %swap3A_742 : vector<1x1x16xf32> to vector<16xf32>
        %swap3A_744 = vector.shape_cast %get3A_737 : vector<16xf32> to vector<1x1x16xf32>
        tpu.vector_store %arg8[%swap3A_739, %swap3A_740, %swap3A_741], %swap3A_744 {strides = array<i32>} : memref<2x128x64xf32, #tpu.memory_space<vmem>>, vector<1x1x16xf32>,
        %add3A_745 = arith.constant 5 : i32
        %add3A_746 = arith.addi %multiple_of3A, %add3A_745 : i32
        %slice3A_747 = vector.extract_strided_slice %get3A_387 {offsets = [5], sizes = [1], strides = [1]} : vector<16xi32> to vector<1xi32>
        %squeeze3A_748 = vector.extract %slice3A_747[0] : i32 from vector<1xi32>
        %and3A_749 = arith.constant 1 : i32
        %and3A_750 = arith.andi %squeeze3A_748, %and3A_749 : i32
        %mul3A_751 = arith.constant 64 : i32
        %mul3A_752 = arith.muli %and3A_750, %mul3A_751 : i32
        %add3A_753 = arith.constant 0 : i32
        %add3A_754 = arith.addi %mul3A_752, %add3A_753 : i32
        %multiple_of3A_755 = tpu.assume_multiple %add3A_754, 16 : i32
        %get3A_756 = arith.constant 0 : i32
        %get3A_757 = arith.index_cast %get3A_756 : i32 to index
        %get3A_758 = arith.index_cast %add3A_746 : i32 to index
        %get3A_759 = arith.index_cast %multiple_of3A_755 : i32 to index
        %get3A_760 = tpu.vector_load %arg7[%get3A_757, %get3A_758, %get3A_759] {strides = array<i32>} : memref<2x128x128xf32, #tpu.memory_space<vmem>>, vector<1x1x16xf32>,
        %get3A_761 = vector.shape_cast %get3A_760 : vector<1x1x16xf32> to vector<16xf32>
        %swap3A_762 = arith.constant 0 : i32
        %swap3A_763 = arith.index_cast %swap3A_762 : i32 to index
        %swap3A_764 = arith.index_cast %add3A_746 : i32 to index
        %swap3A_765 = arith.constant 0 : index
        %swap3A_766 = tpu.vector_load %arg8[%swap3A_763, %swap3A_764, %swap3A_765] {strides = array<i32>} : memref<2x128x64xf32, #tpu.memory_space<vmem>>, vector<1x1x16xf32>,
        %swap3A_767 = vector.shape_cast %swap3A_766 : vector<1x1x16xf32> to vector<16xf32>
        %swap3A_768 = vector.shape_cast %get3A_761 : vector<16xf32> to vector<1x1x16xf32>
        tpu.vector_store %arg8[%swap3A_763, %swap3A_764, %swap3A_765], %swap3A_768 {strides = array<i32>} : memref<2x128x64xf32, #tpu.memory_space<vmem>>, vector<1x1x16xf32>,
        %add3A_769 = arith.constant 16 : i32
        %add3A_770 = arith.addi %mul3A_752, %add3A_769 : i32
        %multiple_of3A_771 = tpu.assume_multiple %add3A_770, 16 : i32
        %get3A_772 = arith.constant 0 : i32
        %get3A_773 = arith.index_cast %get3A_772 : i32 to index
        %get3A_774 = arith.index_cast %add3A_746 : i32 to index
        %get3A_775 = arith.index_cast %multiple_of3A_771 : i32 to index
        %get3A_776 = tpu.vector_load %arg7[%get3A_773, %get3A_774, %get3A_775] {strides = array<i32>} : memref<2x128x128xf32, #tpu.memory_space<vmem>>, vector<1x1x16xf32>,
        %get3A_777 = vector.shape_cast %get3A_776 : vector<1x1x16xf32> to vector<16xf32>
        %swap3A_778 = arith.constant 0 : i32
        %swap3A_779 = arith.index_cast %swap3A_778 : i32 to index
        %swap3A_780 = arith.index_cast %add3A_746 : i32 to index
        %swap3A_781 = arith.constant 16 : index
        %swap3A_782 = tpu.vector_load %arg8[%swap3A_779, %swap3A_780, %swap3A_781] {strides = array<i32>} : memref<2x128x64xf32, #tpu.memory_space<vmem>>, vector<1x1x16xf32>,
        %swap3A_783 = vector.shape_cast %swap3A_782 : vector<1x1x16xf32> to vector<16xf32>
        %swap3A_784 = vector.shape_cast %get3A_777 : vector<16xf32> to vector<1x1x16xf32>
        tpu.vector_store %arg8[%swap3A_779, %swap3A_780, %swap3A_781], %swap3A_784 {strides = array<i32>} : memref<2x128x64xf32, #tpu.memory_space<vmem>>, vector<1x1x16xf32>,
        %add3A_785 = arith.constant 32 : i32
        %add3A_786 = arith.addi %mul3A_752, %add3A_785 : i32
        %multiple_of3A_787 = tpu.assume_multiple %add3A_786, 16 : i32
        %get3A_788 = arith.constant 0 : i32
        %get3A_789 = arith.index_cast %get3A_788 : i32 to index
        %get3A_790 = arith.index_cast %add3A_746 : i32 to index
        %get3A_791 = arith.index_cast %multiple_of3A_787 : i32 to index
        %get3A_792 = tpu.vector_load %arg7[%get3A_789, %get3A_790, %get3A_791] {strides = array<i32>} : memref<2x128x128xf32, #tpu.memory_space<vmem>>, vector<1x1x16xf32>,
        %get3A_793 = vector.shape_cast %get3A_792 : vector<1x1x16xf32> to vector<16xf32>
        %swap3A_794 = arith.constant 0 : i32
        %swap3A_795 = arith.index_cast %swap3A_794 : i32 to index
        %swap3A_796 = arith.index_cast %add3A_746 : i32 to index
        %swap3A_797 = arith.constant 32 : index
        %swap3A_798 = tpu.vector_load %arg8[%swap3A_795, %swap3A_796, %swap3A_797] {strides = array<i32>} : memref<2x128x64xf32, #tpu.memory_space<vmem>>, vector<1x1x16xf32>,
        %swap3A_799 = vector.shape_cast %swap3A_798 : vector<1x1x16xf32> to vector<16xf32>
        %swap3A_800 = vector.shape_cast %get3A_793 : vector<16xf32> to vector<1x1x16xf32>
        tpu.vector_store %arg8[%swap3A_795, %swap3A_796, %swap3A_797], %swap3A_800 {strides = array<i32>} : memref<2x128x64xf32, #tpu.memory_space<vmem>>, vector<1x1x16xf32>,
        %add3A_801 = arith.constant 48 : i32
        %add3A_802 = arith.addi %mul3A_752, %add3A_801 : i32
        %multiple_of3A_803 = tpu.assume_multiple %add3A_802, 16 : i32
        %get3A_804 = arith.constant 0 : i32
        %get3A_805 = arith.index_cast %get3A_804 : i32 to index
        %get3A_806 = arith.index_cast %add3A_746 : i32 to index
        %get3A_807 = arith.index_cast %multiple_of3A_803 : i32 to index
        %get3A_808 = tpu.vector_load %arg7[%get3A_805, %get3A_806, %get3A_807] {strides = array<i32>} : memref<2x128x128xf32, #tpu.memory_space<vmem>>, vector<1x1x16xf32>,
        %get3A_809 = vector.shape_cast %get3A_808 : vector<1x1x16xf32> to vector<16xf32>
        %swap3A_810 = arith.constant 0 : i32
        %swap3A_811 = arith.index_cast %swap3A_810 : i32 to index
        %swap3A_812 = arith.index_cast %add3A_746 : i32 to index
        %swap3A_813 = arith.constant 48 : index
        %swap3A_814 = tpu.vector_load %arg8[%swap3A_811, %swap3A_812, %swap3A_813] {strides = array<i32>} : memref<2x128x64xf32, #tpu.memory_space<vmem>>, vector<1x1x16xf32>,
        %swap3A_815 = vector.shape_cast %swap3A_814 : vector<1x1x16xf32> to vector<16xf32>
        %swap3A_816 = vector.shape_cast %get3A_809 : vector<16xf32> to vector<1x1x16xf32>
        tpu.vector_store %arg8[%swap3A_811, %swap3A_812, %swap3A_813], %swap3A_816 {strides = array<i32>} : memref<2x128x64xf32, #tpu.memory_space<vmem>>, vector<1x1x16xf32>,
        %add3A_817 = arith.constant 6 : i32
        %add3A_818 = arith.addi %multiple_of3A, %add3A_817 : i32
        %slice3A_819 = vector.extract_strided_slice %get3A_387 {offsets = [6], sizes = [1], strides = [1]} : vector<16xi32> to vector<1xi32>
        %squeeze3A_820 = vector.extract %slice3A_819[0] : i32 from vector<1xi32>
        %and3A_821 = arith.constant 1 : i32
        %and3A_822 = arith.andi %squeeze3A_820, %and3A_821 : i32
        %mul3A_823 = arith.constant 64 : i32
        %mul3A_824 = arith.muli %and3A_822, %mul3A_823 : i32
        %add3A_825 = arith.constant 0 : i32
        %add3A_826 = arith.addi %mul3A_824, %add3A_825 : i32
        %multiple_of3A_827 = tpu.assume_multiple %add3A_826, 16 : i32
        %get3A_828 = arith.constant 0 : i32
        %get3A_829 = arith.index_cast %get3A_828 : i32 to index
        %get3A_830 = arith.index_cast %add3A_818 : i32 to index
        %get3A_831 = arith.index_cast %multiple_of3A_827 : i32 to index
        %get3A_832 = tpu.vector_load %arg7[%get3A_829, %get3A_830, %get3A_831] {strides = array<i32>} : memref<2x128x128xf32, #tpu.memory_space<vmem>>, vector<1x1x16xf32>,
        %get3A_833 = vector.shape_cast %get3A_832 : vector<1x1x16xf32> to vector<16xf32>
        %swap3A_834 = arith.constant 0 : i32
        %swap3A_835 = arith.index_cast %swap3A_834 : i32 to index
        %swap3A_836 = arith.index_cast %add3A_818 : i32 to index
        %swap3A_837 = arith.constant 0 : index
        %swap3A_838 = tpu.vector_load %arg8[%swap3A_835, %swap3A_836, %swap3A_837] {strides = array<i32>} : memref<2x128x64xf32, #tpu.memory_space<vmem>>, vector<1x1x16xf32>,
        %swap3A_839 = vector.shape_cast %swap3A_838 : vector<1x1x16xf32> to vector<16xf32>
        %swap3A_840 = vector.shape_cast %get3A_833 : vector<16xf32> to vector<1x1x16xf32>
        tpu.vector_store %arg8[%swap3A_835, %swap3A_836, %swap3A_837], %swap3A_840 {strides = array<i32>} : memref<2x128x64xf32, #tpu.memory_space<vmem>>, vector<1x1x16xf32>,
        %add3A_841 = arith.constant 16 : i32
        %add3A_842 = arith.addi %mul3A_824, %add3A_841 : i32
        %multiple_of3A_843 = tpu.assume_multiple %add3A_842, 16 : i32
        %get3A_844 = arith.constant 0 : i32
        %get3A_845 = arith.index_cast %get3A_844 : i32 to index
        %get3A_846 = arith.index_cast %add3A_818 : i32 to index
        %get3A_847 = arith.index_cast %multiple_of3A_843 : i32 to index
        %get3A_848 = tpu.vector_load %arg7[%get3A_845, %get3A_846, %get3A_847] {strides = array<i32>} : memref<2x128x128xf32, #tpu.memory_space<vmem>>, vector<1x1x16xf32>,
        %get3A_849 = vector.shape_cast %get3A_848 : vector<1x1x16xf32> to vector<16xf32>
        %swap3A_850 = arith.constant 0 : i32
        %swap3A_851 = arith.index_cast %swap3A_850 : i32 to index
        %swap3A_852 = arith.index_cast %add3A_818 : i32 to index
        %swap3A_853 = arith.constant 16 : index
        %swap3A_854 = tpu.vector_load %arg8[%swap3A_851, %swap3A_852, %swap3A_853] {strides = array<i32>} : memref<2x128x64xf32, #tpu.memory_space<vmem>>, vector<1x1x16xf32>,
        %swap3A_855 = vector.shape_cast %swap3A_854 : vector<1x1x16xf32> to vector<16xf32>
        %swap3A_856 = vector.shape_cast %get3A_849 : vector<16xf32> to vector<1x1x16xf32>
        tpu.vector_store %arg8[%swap3A_851, %swap3A_852, %swap3A_853], %swap3A_856 {strides = array<i32>} : memref<2x128x64xf32, #tpu.memory_space<vmem>>, vector<1x1x16xf32>,
        %add3A_857 = arith.constant 32 : i32
        %add3A_858 = arith.addi %mul3A_824, %add3A_857 : i32
        %multiple_of3A_859 = tpu.assume_multiple %add3A_858, 16 : i32
        %get3A_860 = arith.constant 0 : i32
        %get3A_861 = arith.index_cast %get3A_860 : i32 to index
        %get3A_862 = arith.index_cast %add3A_818 : i32 to index
        %get3A_863 = arith.index_cast %multiple_of3A_859 : i32 to index
        %get3A_864 = tpu.vector_load %arg7[%get3A_861, %get3A_862, %get3A_863] {strides = array<i32>} : memref<2x128x128xf32, #tpu.memory_space<vmem>>, vector<1x1x16xf32>,
        %get3A_865 = vector.shape_cast %get3A_864 : vector<1x1x16xf32> to vector<16xf32>
        %swap3A_866 = arith.constant 0 : i32
        %swap3A_867 = arith.index_cast %swap3A_866 : i32 to index
        %swap3A_868 = arith.index_cast %add3A_818 : i32 to index
        %swap3A_869 = arith.constant 32 : index
        %swap3A_870 = tpu.vector_load %arg8[%swap3A_867, %swap3A_868, %swap3A_869] {strides = array<i32>} : memref<2x128x64xf32, #tpu.memory_space<vmem>>, vector<1x1x16xf32>,
        %swap3A_871 = vector.shape_cast %swap3A_870 : vector<1x1x16xf32> to vector<16xf32>
        %swap3A_872 = vector.shape_cast %get3A_865 : vector<16xf32> to vector<1x1x16xf32>
        tpu.vector_store %arg8[%swap3A_867, %swap3A_868, %swap3A_869], %swap3A_872 {strides = array<i32>} : memref<2x128x64xf32, #tpu.memory_space<vmem>>, vector<1x1x16xf32>,
        %add3A_873 = arith.constant 48 : i32
        %add3A_874 = arith.addi %mul3A_824, %add3A_873 : i32
        %multiple_of3A_875 = tpu.assume_multiple %add3A_874, 16 : i32
        %get3A_876 = arith.constant 0 : i32
        %get3A_877 = arith.index_cast %get3A_876 : i32 to index
        %get3A_878 = arith.index_cast %add3A_818 : i32 to index
        %get3A_879 = arith.index_cast %multiple_of3A_875 : i32 to index
        %get3A_880 = tpu.vector_load %arg7[%get3A_877, %get3A_878, %get3A_879] {strides = array<i32>} : memref<2x128x128xf32, #tpu.memory_space<vmem>>, vector<1x1x16xf32>,
        %get3A_881 = vector.shape_cast %get3A_880 : vector<1x1x16xf32> to vector<16xf32>
        %swap3A_882 = arith.constant 0 : i32
        %swap3A_883 = arith.index_cast %swap3A_882 : i32 to index
        %swap3A_884 = arith.index_cast %add3A_818 : i32 to index
        %swap3A_885 = arith.constant 48 : index
        %swap3A_886 = tpu.vector_load %arg8[%swap3A_883, %swap3A_884, %swap3A_885] {strides = array<i32>} : memref<2x128x64xf32, #tpu.memory_space<vmem>>, vector<1x1x16xf32>,
        %swap3A_887 = vector.shape_cast %swap3A_886 : vector<1x1x16xf32> to vector<16xf32>
        %swap3A_888 = vector.shape_cast %get3A_881 : vector<16xf32> to vector<1x1x16xf32>
        tpu.vector_store %arg8[%swap3A_883, %swap3A_884, %swap3A_885], %swap3A_888 {strides = array<i32>} : memref<2x128x64xf32, #tpu.memory_space<vmem>>, vector<1x1x16xf32>,
        %add3A_889 = arith.constant 7 : i32
        %add3A_890 = arith.addi %multiple_of3A, %add3A_889 : i32
        %slice3A_891 = vector.extract_strided_slice %get3A_387 {offsets = [7], sizes = [1], strides = [1]} : vector<16xi32> to vector<1xi32>
        %squeeze3A_892 = vector.extract %slice3A_891[0] : i32 from vector<1xi32>
        %and3A_893 = arith.constant 1 : i32
        %and3A_894 = arith.andi %squeeze3A_892, %and3A_893 : i32
        %mul3A_895 = arith.constant 64 : i32
        %mul3A_896 = arith.muli %and3A_894, %mul3A_895 : i32
        %add3A_897 = arith.constant 0 : i32
        %add3A_898 = arith.addi %mul3A_896, %add3A_897 : i32
        %multiple_of3A_899 = tpu.assume_multiple %add3A_898, 16 : i32
        %get3A_900 = arith.constant 0 : i32
        %get3A_901 = arith.index_cast %get3A_900 : i32 to index
        %get3A_902 = arith.index_cast %add3A_890 : i32 to index
        %get3A_903 = arith.index_cast %multiple_of3A_899 : i32 to index
        %get3A_904 = tpu.vector_load %arg7[%get3A_901, %get3A_902, %get3A_903] {strides = array<i32>} : memref<2x128x128xf32, #tpu.memory_space<vmem>>, vector<1x1x16xf32>,
        %get3A_905 = vector.shape_cast %get3A_904 : vector<1x1x16xf32> to vector<16xf32>
        %swap3A_906 = arith.constant 0 : i32
        %swap3A_907 = arith.index_cast %swap3A_906 : i32 to index
        %swap3A_908 = arith.index_cast %add3A_890 : i32 to index
        %swap3A_909 = arith.constant 0 : index
        %swap3A_910 = tpu.vector_load %arg8[%swap3A_907, %swap3A_908, %swap3A_909] {strides = array<i32>} : memref<2x128x64xf32, #tpu.memory_space<vmem>>, vector<1x1x16xf32>,
        %swap3A_911 = vector.shape_cast %swap3A_910 : vector<1x1x16xf32> to vector<16xf32>
        %swap3A_912 = vector.shape_cast %get3A_905 : vector<16xf32> to vector<1x1x16xf32>
        tpu.vector_store %arg8[%swap3A_907, %swap3A_908, %swap3A_909], %swap3A_912 {strides = array<i32>} : memref<2x128x64xf32, #tpu.memory_space<vmem>>, vector<1x1x16xf32>,
        %add3A_913 = arith.constant 16 : i32
        %add3A_914 = arith.addi %mul3A_896, %add3A_913 : i32
        %multiple_of3A_915 = tpu.assume_multiple %add3A_914, 16 : i32
        %get3A_916 = arith.constant 0 : i32
        %get3A_917 = arith.index_cast %get3A_916 : i32 to index
        %get3A_918 = arith.index_cast %add3A_890 : i32 to index
        %get3A_919 = arith.index_cast %multiple_of3A_915 : i32 to index
        %get3A_920 = tpu.vector_load %arg7[%get3A_917, %get3A_918, %get3A_919] {strides = array<i32>} : memref<2x128x128xf32, #tpu.memory_space<vmem>>, vector<1x1x16xf32>,
        %get3A_921 = vector.shape_cast %get3A_920 : vector<1x1x16xf32> to vector<16xf32>
        %swap3A_922 = arith.constant 0 : i32
        %swap3A_923 = arith.index_cast %swap3A_922 : i32 to index
        %swap3A_924 = arith.index_cast %add3A_890 : i32 to index
        %swap3A_925 = arith.constant 16 : index
        %swap3A_926 = tpu.vector_load %arg8[%swap3A_923, %swap3A_924, %swap3A_925] {strides = array<i32>} : memref<2x128x64xf32, #tpu.memory_space<vmem>>, vector<1x1x16xf32>,
        %swap3A_927 = vector.shape_cast %swap3A_926 : vector<1x1x16xf32> to vector<16xf32>
        %swap3A_928 = vector.shape_cast %get3A_921 : vector<16xf32> to vector<1x1x16xf32>
        tpu.vector_store %arg8[%swap3A_923, %swap3A_924, %swap3A_925], %swap3A_928 {strides = array<i32>} : memref<2x128x64xf32, #tpu.memory_space<vmem>>, vector<1x1x16xf32>,
        %add3A_929 = arith.constant 32 : i32
        %add3A_930 = arith.addi %mul3A_896, %add3A_929 : i32
        %multiple_of3A_931 = tpu.assume_multiple %add3A_930, 16 : i32
        %get3A_932 = arith.constant 0 : i32
        %get3A_933 = arith.index_cast %get3A_932 : i32 to index
        %get3A_934 = arith.index_cast %add3A_890 : i32 to index
        %get3A_935 = arith.index_cast %multiple_of3A_931 : i32 to index
        %get3A_936 = tpu.vector_load %arg7[%get3A_933, %get3A_934, %get3A_935] {strides = array<i32>} : memref<2x128x128xf32, #tpu.memory_space<vmem>>, vector<1x1x16xf32>,
        %get3A_937 = vector.shape_cast %get3A_936 : vector<1x1x16xf32> to vector<16xf32>
        %swap3A_938 = arith.constant 0 : i32
        %swap3A_939 = arith.index_cast %swap3A_938 : i32 to index
        %swap3A_940 = arith.index_cast %add3A_890 : i32 to index
        %swap3A_941 = arith.constant 32 : index
        %swap3A_942 = tpu.vector_load %arg8[%swap3A_939, %swap3A_940, %swap3A_941] {strides = array<i32>} : memref<2x128x64xf32, #tpu.memory_space<vmem>>, vector<1x1x16xf32>,
        %swap3A_943 = vector.shape_cast %swap3A_942 : vector<1x1x16xf32> to vector<16xf32>
        %swap3A_944 = vector.shape_cast %get3A_937 : vector<16xf32> to vector<1x1x16xf32>
        tpu.vector_store %arg8[%swap3A_939, %swap3A_940, %swap3A_941], %swap3A_944 {strides = array<i32>} : memref<2x128x64xf32, #tpu.memory_space<vmem>>, vector<1x1x16xf32>,
        %add3A_945 = arith.constant 48 : i32
        %add3A_946 = arith.addi %mul3A_896, %add3A_945 : i32
        %multiple_of3A_947 = tpu.assume_multiple %add3A_946, 16 : i32
        %get3A_948 = arith.constant 0 : i32
        %get3A_949 = arith.index_cast %get3A_948 : i32 to index
        %get3A_950 = arith.index_cast %add3A_890 : i32 to index
        %get3A_951 = arith.index_cast %multiple_of3A_947 : i32 to index
        %get3A_952 = tpu.vector_load %arg7[%get3A_949, %get3A_950, %get3A_951] {strides = array<i32>} : memref<2x128x128xf32, #tpu.memory_space<vmem>>, vector<1x1x16xf32>,
        %get3A_953 = vector.shape_cast %get3A_952 : vector<1x1x16xf32> to vector<16xf32>
        %swap3A_954 = arith.constant 0 : i32
        %swap3A_955 = arith.index_cast %swap3A_954 : i32 to index
        %swap3A_956 = arith.index_cast %add3A_890 : i32 to index
        %swap3A_957 = arith.constant 48 : index
        %swap3A_958 = tpu.vector_load %arg8[%swap3A_955, %swap3A_956, %swap3A_957] {strides = array<i32>} : memref<2x128x64xf32, #tpu.memory_space<vmem>>, vector<1x1x16xf32>,
        %swap3A_959 = vector.shape_cast %swap3A_958 : vector<1x1x16xf32> to vector<16xf32>
        %swap3A_960 = vector.shape_cast %get3A_953 : vector<16xf32> to vector<1x1x16xf32>
        tpu.vector_store %arg8[%swap3A_955, %swap3A_956, %swap3A_957], %swap3A_960 {strides = array<i32>} : memref<2x128x64xf32, #tpu.memory_space<vmem>>, vector<1x1x16xf32>,
        %add3A_961 = arith.constant 8 : i32
        %add3A_962 = arith.addi %multiple_of3A, %add3A_961 : i32
        %slice3A_963 = vector.extract_strided_slice %get3A_387 {offsets = [8], sizes = [1], strides = [1]} : vector<16xi32> to vector<1xi32>
        %squeeze3A_964 = vector.extract %slice3A_963[0] : i32 from vector<1xi32>
        %and3A_965 = arith.constant 1 : i32
        %and3A_966 = arith.andi %squeeze3A_964, %and3A_965 : i32
        %mul3A_967 = arith.constant 64 : i32
        %mul3A_968 = arith.muli %and3A_966, %mul3A_967 : i32
        %add3A_969 = arith.constant 0 : i32
        %add3A_970 = arith.addi %mul3A_968, %add3A_969 : i32
        %multiple_of3A_971 = tpu.assume_multiple %add3A_970, 16 : i32
        %get3A_972 = arith.constant 0 : i32
        %get3A_973 = arith.index_cast %get3A_972 : i32 to index
        %get3A_974 = arith.index_cast %add3A_962 : i32 to index
        %get3A_975 = arith.index_cast %multiple_of3A_971 : i32 to index
        %get3A_976 = tpu.vector_load %arg7[%get3A_973, %get3A_974, %get3A_975] {strides = array<i32>} : memref<2x128x128xf32, #tpu.memory_space<vmem>>, vector<1x1x16xf32>,
        %get3A_977 = vector.shape_cast %get3A_976 : vector<1x1x16xf32> to vector<16xf32>
        %swap3A_978 = arith.constant 0 : i32
        %swap3A_979 = arith.index_cast %swap3A_978 : i32 to index
        %swap3A_980 = arith.index_cast %add3A_962 : i32 to index
        %swap3A_981 = arith.constant 0 : index
        %swap3A_982 = tpu.vector_load %arg8[%swap3A_979, %swap3A_980, %swap3A_981] {strides = array<i32>} : memref<2x128x64xf32, #tpu.memory_space<vmem>>, vector<1x1x16xf32>,
        %swap3A_983 = vector.shape_cast %swap3A_982 : vector<1x1x16xf32> to vector<16xf32>
        %swap3A_984 = vector.shape_cast %get3A_977 : vector<16xf32> to vector<1x1x16xf32>
        tpu.vector_store %arg8[%swap3A_979, %swap3A_980, %swap3A_981], %swap3A_984 {strides = array<i32>} : memref<2x128x64xf32, #tpu.memory_space<vmem>>, vector<1x1x16xf32>,
        %add3A_985 = arith.constant 16 : i32
        %add3A_986 = arith.addi %mul3A_968, %add3A_985 : i32
        %multiple_of3A_987 = tpu.assume_multiple %add3A_986, 16 : i32
        %get3A_988 = arith.constant 0 : i32
        %get3A_989 = arith.index_cast %get3A_988 : i32 to index
        %get3A_990 = arith.index_cast %add3A_962 : i32 to index
        %get3A_991 = arith.index_cast %multiple_of3A_987 : i32 to index
        %get3A_992 = tpu.vector_load %arg7[%get3A_989, %get3A_990, %get3A_991] {strides = array<i32>} : memref<2x128x128xf32, #tpu.memory_space<vmem>>, vector<1x1x16xf32>,
        %get3A_993 = vector.shape_cast %get3A_992 : vector<1x1x16xf32> to vector<16xf32>
        %swap3A_994 = arith.constant 0 : i32
        %swap3A_995 = arith.index_cast %swap3A_994 : i32 to index
        %swap3A_996 = arith.index_cast %add3A_962 : i32 to index
        %swap3A_997 = arith.constant 16 : index
        %swap3A_998 = tpu.vector_load %arg8[%swap3A_995, %swap3A_996, %swap3A_997] {strides = array<i32>} : memref<2x128x64xf32, #tpu.memory_space<vmem>>, vector<1x1x16xf32>,
        %swap3A_999 = vector.shape_cast %swap3A_998 : vector<1x1x16xf32> to vector<16xf32>
        %swap3A_1000 = vector.shape_cast %get3A_993 : vector<16xf32> to vector<1x1x16xf32>
        tpu.vector_store %arg8[%swap3A_995, %swap3A_996, %swap3A_997], %swap3A_1000 {strides = array<i32>} : memref<2x128x64xf32, #tpu.memory_space<vmem>>, vector<1x1x16xf32>,
        %add3A_1001 = arith.constant 32 : i32
        %add3A_1002 = arith.addi %mul3A_968, %add3A_1001 : i32
        %multiple_of3A_1003 = tpu.assume_multiple %add3A_1002, 16 : i32
        %get3A_1004 = arith.constant 0 : i32
        %get3A_1005 = arith.index_cast %get3A_1004 : i32 to index
        %get3A_1006 = arith.index_cast %add3A_962 : i32 to index
        %get3A_1007 = arith.index_cast %multiple_of3A_1003 : i32 to index
        %get3A_1008 = tpu.vector_load %arg7[%get3A_1005, %get3A_1006, %get3A_1007] {strides = array<i32>} : memref<2x128x128xf32, #tpu.memory_space<vmem>>, vector<1x1x16xf32>,
        %get3A_1009 = vector.shape_cast %get3A_1008 : vector<1x1x16xf32> to vector<16xf32>
        %swap3A_1010 = arith.constant 0 : i32
        %swap3A_1011 = arith.index_cast %swap3A_1010 : i32 to index
        %swap3A_1012 = arith.index_cast %add3A_962 : i32 to index
        %swap3A_1013 = arith.constant 32 : index
        %swap3A_1014 = tpu.vector_load %arg8[%swap3A_1011, %swap3A_1012, %swap3A_1013] {strides = array<i32>} : memref<2x128x64xf32, #tpu.memory_space<vmem>>, vector<1x1x16xf32>,
        %swap3A_1015 = vector.shape_cast %swap3A_1014 : vector<1x1x16xf32> to vector<16xf32>
        %swap3A_1016 = vector.shape_cast %get3A_1009 : vector<16xf32> to vector<1x1x16xf32>
        tpu.vector_store %arg8[%swap3A_1011, %swap3A_1012, %swap3A_1013], %swap3A_1016 {strides = array<i32>} : memref<2x128x64xf32, #tpu.memory_space<vmem>>, vector<1x1x16xf32>,
        %add3A_1017 = arith.constant 48 : i32
        %add3A_1018 = arith.addi %mul3A_968, %add3A_1017 : i32
        %multiple_of3A_1019 = tpu.assume_multiple %add3A_1018, 16 : i32
        %get3A_1020 = arith.constant 0 : i32
        %get3A_1021 = arith.index_cast %get3A_1020 : i32 to index
        %get3A_1022 = arith.index_cast %add3A_962 : i32 to index
        %get3A_1023 = arith.index_cast %multiple_of3A_1019 : i32 to index
        %get3A_1024 = tpu.vector_load %arg7[%get3A_1021, %get3A_1022, %get3A_1023] {strides = array<i32>} : memref<2x128x128xf32, #tpu.memory_space<vmem>>, vector<1x1x16xf32>,
        %get3A_1025 = vector.shape_cast %get3A_1024 : vector<1x1x16xf32> to vector<16xf32>
        %swap3A_1026 = arith.constant 0 : i32
        %swap3A_1027 = arith.index_cast %swap3A_1026 : i32 to index
        %swap3A_1028 = arith.index_cast %add3A_962 : i32 to index
        %swap3A_1029 = arith.constant 48 : index
        %swap3A_1030 = tpu.vector_load %arg8[%swap3A_1027, %swap3A_1028, %swap3A_1029] {strides = array<i32>} : memref<2x128x64xf32, #tpu.memory_space<vmem>>, vector<1x1x16xf32>,
        %swap3A_1031 = vector.shape_cast %swap3A_1030 : vector<1x1x16xf32> to vector<16xf32>
        %swap3A_1032 = vector.shape_cast %get3A_1025 : vector<16xf32> to vector<1x1x16xf32>
        tpu.vector_store %arg8[%swap3A_1027, %swap3A_1028, %swap3A_1029], %swap3A_1032 {strides = array<i32>} : memref<2x128x64xf32, #tpu.memory_space<vmem>>, vector<1x1x16xf32>,
        %add3A_1033 = arith.constant 9 : i32
        %add3A_1034 = arith.addi %multiple_of3A, %add3A_1033 : i32
        %slice3A_1035 = vector.extract_strided_slice %get3A_387 {offsets = [9], sizes = [1], strides = [1]} : vector<16xi32> to vector<1xi32>
        %squeeze3A_1036 = vector.extract %slice3A_1035[0] : i32 from vector<1xi32>
        %and3A_1037 = arith.constant 1 : i32
        %and3A_1038 = arith.andi %squeeze3A_1036, %and3A_1037 : i32
        %mul3A_1039 = arith.constant 64 : i32
        %mul3A_1040 = arith.muli %and3A_1038, %mul3A_1039 : i32
        %add3A_1041 = arith.constant 0 : i32
        %add3A_1042 = arith.addi %mul3A_1040, %add3A_1041 : i32
        %multiple_of3A_1043 = tpu.assume_multiple %add3A_1042, 16 : i32
        %get3A_1044 = arith.constant 0 : i32
        %get3A_1045 = arith.index_cast %get3A_1044 : i32 to index
        %get3A_1046 = arith.index_cast %add3A_1034 : i32 to index
        %get3A_1047 = arith.index_cast %multiple_of3A_1043 : i32 to index
        %get3A_1048 = tpu.vector_load %arg7[%get3A_1045, %get3A_1046, %get3A_1047] {strides = array<i32>} : memref<2x128x128xf32, #tpu.memory_space<vmem>>, vector<1x1x16xf32>,
        %get3A_1049 = vector.shape_cast %get3A_1048 : vector<1x1x16xf32> to vector<16xf32>
        %swap3A_1050 = arith.constant 0 : i32
        %swap3A_1051 = arith.index_cast %swap3A_1050 : i32 to index
        %swap3A_1052 = arith.index_cast %add3A_1034 : i32 to index
        %swap3A_1053 = arith.constant 0 : index
        %swap3A_1054 = tpu.vector_load %arg8[%swap3A_1051, %swap3A_1052, %swap3A_1053] {strides = array<i32>} : memref<2x128x64xf32, #tpu.memory_space<vmem>>, vector<1x1x16xf32>,
        %swap3A_1055 = vector.shape_cast %swap3A_1054 : vector<1x1x16xf32> to vector<16xf32>
        %swap3A_1056 = vector.shape_cast %get3A_1049 : vector<16xf32> to vector<1x1x16xf32>
        tpu.vector_store %arg8[%swap3A_1051, %swap3A_1052, %swap3A_1053], %swap3A_1056 {strides = array<i32>} : memref<2x128x64xf32, #tpu.memory_space<vmem>>, vector<1x1x16xf32>,
        %add3A_1057 = arith.constant 16 : i32
        %add3A_1058 = arith.addi %mul3A_1040, %add3A_1057 : i32
        %multiple_of3A_1059 = tpu.assume_multiple %add3A_1058, 16 : i32
        %get3A_1060 = arith.constant 0 : i32
        %get3A_1061 = arith.index_cast %get3A_1060 : i32 to index
        %get3A_1062 = arith.index_cast %add3A_1034 : i32 to index
        %get3A_1063 = arith.index_cast %multiple_of3A_1059 : i32 to index
        %get3A_1064 = tpu.vector_load %arg7[%get3A_1061, %get3A_1062, %get3A_1063] {strides = array<i32>} : memref<2x128x128xf32, #tpu.memory_space<vmem>>, vector<1x1x16xf32>,
        %get3A_1065 = vector.shape_cast %get3A_1064 : vector<1x1x16xf32> to vector<16xf32>
        %swap3A_1066 = arith.constant 0 : i32
        %swap3A_1067 = arith.index_cast %swap3A_1066 : i32 to index
        %swap3A_1068 = arith.index_cast %add3A_1034 : i32 to index
        %swap3A_1069 = arith.constant 16 : index
        %swap3A_1070 = tpu.vector_load %arg8[%swap3A_1067, %swap3A_1068, %swap3A_1069] {strides = array<i32>} : memref<2x128x64xf32, #tpu.memory_space<vmem>>, vector<1x1x16xf32>,
        %swap3A_1071 = vector.shape_cast %swap3A_1070 : vector<1x1x16xf32> to vector<16xf32>
        %swap3A_1072 = vector.shape_cast %get3A_1065 : vector<16xf32> to vector<1x1x16xf32>
        tpu.vector_store %arg8[%swap3A_1067, %swap3A_1068, %swap3A_1069], %swap3A_1072 {strides = array<i32>} : memref<2x128x64xf32, #tpu.memory_space<vmem>>, vector<1x1x16xf32>,
        %add3A_1073 = arith.constant 32 : i32
        %add3A_1074 = arith.addi %mul3A_1040, %add3A_1073 : i32
        %multiple_of3A_1075 = tpu.assume_multiple %add3A_1074, 16 : i32
        %get3A_1076 = arith.constant 0 : i32
        %get3A_1077 = arith.index_cast %get3A_1076 : i32 to index
        %get3A_1078 = arith.index_cast %add3A_1034 : i32 to index
        %get3A_1079 = arith.index_cast %multiple_of3A_1075 : i32 to index
        %get3A_1080 = tpu.vector_load %arg7[%get3A_1077, %get3A_1078, %get3A_1079] {strides = array<i32>} : memref<2x128x128xf32, #tpu.memory_space<vmem>>, vector<1x1x16xf32>,
        %get3A_1081 = vector.shape_cast %get3A_1080 : vector<1x1x16xf32> to vector<16xf32>
        %swap3A_1082 = arith.constant 0 : i32
        %swap3A_1083 = arith.index_cast %swap3A_1082 : i32 to index
        %swap3A_1084 = arith.index_cast %add3A_1034 : i32 to index
        %swap3A_1085 = arith.constant 32 : index
        %swap3A_1086 = tpu.vector_load %arg8[%swap3A_1083, %swap3A_1084, %swap3A_1085] {strides = array<i32>} : memref<2x128x64xf32, #tpu.memory_space<vmem>>, vector<1x1x16xf32>,
        %swap3A_1087 = vector.shape_cast %swap3A_1086 : vector<1x1x16xf32> to vector<16xf32>
        %swap3A_1088 = vector.shape_cast %get3A_1081 : vector<16xf32> to vector<1x1x16xf32>
        tpu.vector_store %arg8[%swap3A_1083, %swap3A_1084, %swap3A_1085], %swap3A_1088 {strides = array<i32>} : memref<2x128x64xf32, #tpu.memory_space<vmem>>, vector<1x1x16xf32>,
        %add3A_1089 = arith.constant 48 : i32
        %add3A_1090 = arith.addi %mul3A_1040, %add3A_1089 : i32
        %multiple_of3A_1091 = tpu.assume_multiple %add3A_1090, 16 : i32
        %get3A_1092 = arith.constant 0 : i32
        %get3A_1093 = arith.index_cast %get3A_1092 : i32 to index
        %get3A_1094 = arith.index_cast %add3A_1034 : i32 to index
        %get3A_1095 = arith.index_cast %multiple_of3A_1091 : i32 to index
        %get3A_1096 = tpu.vector_load %arg7[%get3A_1093, %get3A_1094, %get3A_1095] {strides = array<i32>} : memref<2x128x128xf32, #tpu.memory_space<vmem>>, vector<1x1x16xf32>,
        %get3A_1097 = vector.shape_cast %get3A_1096 : vector<1x1x16xf32> to vector<16xf32>
        %swap3A_1098 = arith.constant 0 : i32
        %swap3A_1099 = arith.index_cast %swap3A_1098 : i32 to index
        %swap3A_1100 = arith.index_cast %add3A_1034 : i32 to index
        %swap3A_1101 = arith.constant 48 : index
        %swap3A_1102 = tpu.vector_load %arg8[%swap3A_1099, %swap3A_1100, %swap3A_1101] {strides = array<i32>} : memref<2x128x64xf32, #tpu.memory_space<vmem>>, vector<1x1x16xf32>,
        %swap3A_1103 = vector.shape_cast %swap3A_1102 : vector<1x1x16xf32> to vector<16xf32>
        %swap3A_1104 = vector.shape_cast %get3A_1097 : vector<16xf32> to vector<1x1x16xf32>
        tpu.vector_store %arg8[%swap3A_1099, %swap3A_1100, %swap3A_1101], %swap3A_1104 {strides = array<i32>} : memref<2x128x64xf32, #tpu.memory_space<vmem>>, vector<1x1x16xf32>,
        %add3A_1105 = arith.constant 10 : i32
        %add3A_1106 = arith.addi %multiple_of3A, %add3A_1105 : i32
        %slice3A_1107 = vector.extract_strided_slice %get3A_387 {offsets = [10], sizes = [1], strides = [1]} : vector<16xi32> to vector<1xi32>
        %squeeze3A_1108 = vector.extract %slice3A_1107[0] : i32 from vector<1xi32>
        %and3A_1109 = arith.constant 1 : i32
        %and3A_1110 = arith.andi %squeeze3A_1108, %and3A_1109 : i32
        %mul3A_1111 = arith.constant 64 : i32
        %mul3A_1112 = arith.muli %and3A_1110, %mul3A_1111 : i32
        %add3A_1113 = arith.constant 0 : i32
        %add3A_1114 = arith.addi %mul3A_1112, %add3A_1113 : i32
        %multiple_of3A_1115 = tpu.assume_multiple %add3A_1114, 16 : i32
        %get3A_1116 = arith.constant 0 : i32
        %get3A_1117 = arith.index_cast %get3A_1116 : i32 to index
        %get3A_1118 = arith.index_cast %add3A_1106 : i32 to index
        %get3A_1119 = arith.index_cast %multiple_of3A_1115 : i32 to index
        %get3A_1120 = tpu.vector_load %arg7[%get3A_1117, %get3A_1118, %get3A_1119] {strides = array<i32>} : memref<2x128x128xf32, #tpu.memory_space<vmem>>, vector<1x1x16xf32>,
        %get3A_1121 = vector.shape_cast %get3A_1120 : vector<1x1x16xf32> to vector<16xf32>
        %swap3A_1122 = arith.constant 0 : i32
        %swap3A_1123 = arith.index_cast %swap3A_1122 : i32 to index
        %swap3A_1124 = arith.index_cast %add3A_1106 : i32 to index
        %swap3A_1125 = arith.constant 0 : index
        %swap3A_1126 = tpu.vector_load %arg8[%swap3A_1123, %swap3A_1124, %swap3A_1125] {strides = array<i32>} : memref<2x128x64xf32, #tpu.memory_space<vmem>>, vector<1x1x16xf32>,
        %swap3A_1127 = vector.shape_cast %swap3A_1126 : vector<1x1x16xf32> to vector<16xf32>
        %swap3A_1128 = vector.shape_cast %get3A_1121 : vector<16xf32> to vector<1x1x16xf32>
        tpu.vector_store %arg8[%swap3A_1123, %swap3A_1124, %swap3A_1125], %swap3A_1128 {strides = array<i32>} : memref<2x128x64xf32, #tpu.memory_space<vmem>>, vector<1x1x16xf32>,
        %add3A_1129 = arith.constant 16 : i32
        %add3A_1130 = arith.addi %mul3A_1112, %add3A_1129 : i32
        %multiple_of3A_1131 = tpu.assume_multiple %add3A_1130, 16 : i32
        %get3A_1132 = arith.constant 0 : i32
        %get3A_1133 = arith.index_cast %get3A_1132 : i32 to index
        %get3A_1134 = arith.index_cast %add3A_1106 : i32 to index
        %get3A_1135 = arith.index_cast %multiple_of3A_1131 : i32 to index
        %get3A_1136 = tpu.vector_load %arg7[%get3A_1133, %get3A_1134, %get3A_1135] {strides = array<i32>} : memref<2x128x128xf32, #tpu.memory_space<vmem>>, vector<1x1x16xf32>,
        %get3A_1137 = vector.shape_cast %get3A_1136 : vector<1x1x16xf32> to vector<16xf32>
        %swap3A_1138 = arith.constant 0 : i32
        %swap3A_1139 = arith.index_cast %swap3A_1138 : i32 to index
        %swap3A_1140 = arith.index_cast %add3A_1106 : i32 to index
        %swap3A_1141 = arith.constant 16 : index
        %swap3A_1142 = tpu.vector_load %arg8[%swap3A_1139, %swap3A_1140, %swap3A_1141] {strides = array<i32>} : memref<2x128x64xf32, #tpu.memory_space<vmem>>, vector<1x1x16xf32>,
        %swap3A_1143 = vector.shape_cast %swap3A_1142 : vector<1x1x16xf32> to vector<16xf32>
        %swap3A_1144 = vector.shape_cast %get3A_1137 : vector<16xf32> to vector<1x1x16xf32>
        tpu.vector_store %arg8[%swap3A_1139, %swap3A_1140, %swap3A_1141], %swap3A_1144 {strides = array<i32>} : memref<2x128x64xf32, #tpu.memory_space<vmem>>, vector<1x1x16xf32>,
        %add3A_1145 = arith.constant 32 : i32
        %add3A_1146 = arith.addi %mul3A_1112, %add3A_1145 : i32
        %multiple_of3A_1147 = tpu.assume_multiple %add3A_1146, 16 : i32
        %get3A_1148 = arith.constant 0 : i32
        %get3A_1149 = arith.index_cast %get3A_1148 : i32 to index
        %get3A_1150 = arith.index_cast %add3A_1106 : i32 to index
        %get3A_1151 = arith.index_cast %multiple_of3A_1147 : i32 to index
        %get3A_1152 = tpu.vector_load %arg7[%get3A_1149, %get3A_1150, %get3A_1151] {strides = array<i32>} : memref<2x128x128xf32, #tpu.memory_space<vmem>>, vector<1x1x16xf32>,
        %get3A_1153 = vector.shape_cast %get3A_1152 : vector<1x1x16xf32> to vector<16xf32>
        %swap3A_1154 = arith.constant 0 : i32
        %swap3A_1155 = arith.index_cast %swap3A_1154 : i32 to index
        %swap3A_1156 = arith.index_cast %add3A_1106 : i32 to index
        %swap3A_1157 = arith.constant 32 : index
        %swap3A_1158 = tpu.vector_load %arg8[%swap3A_1155, %swap3A_1156, %swap3A_1157] {strides = array<i32>} : memref<2x128x64xf32, #tpu.memory_space<vmem>>, vector<1x1x16xf32>,
        %swap3A_1159 = vector.shape_cast %swap3A_1158 : vector<1x1x16xf32> to vector<16xf32>
        %swap3A_1160 = vector.shape_cast %get3A_1153 : vector<16xf32> to vector<1x1x16xf32>
        tpu.vector_store %arg8[%swap3A_1155, %swap3A_1156, %swap3A_1157], %swap3A_1160 {strides = array<i32>} : memref<2x128x64xf32, #tpu.memory_space<vmem>>, vector<1x1x16xf32>,
        %add3A_1161 = arith.constant 48 : i32
        %add3A_1162 = arith.addi %mul3A_1112, %add3A_1161 : i32
        %multiple_of3A_1163 = tpu.assume_multiple %add3A_1162, 16 : i32
        %get3A_1164 = arith.constant 0 : i32
        %get3A_1165 = arith.index_cast %get3A_1164 : i32 to index
        %get3A_1166 = arith.index_cast %add3A_1106 : i32 to index
        %get3A_1167 = arith.index_cast %multiple_of3A_1163 : i32 to index
        %get3A_1168 = tpu.vector_load %arg7[%get3A_1165, %get3A_1166, %get3A_1167] {strides = array<i32>} : memref<2x128x128xf32, #tpu.memory_space<vmem>>, vector<1x1x16xf32>,
        %get3A_1169 = vector.shape_cast %get3A_1168 : vector<1x1x16xf32> to vector<16xf32>
        %swap3A_1170 = arith.constant 0 : i32
        %swap3A_1171 = arith.index_cast %swap3A_1170 : i32 to index
        %swap3A_1172 = arith.index_cast %add3A_1106 : i32 to index
        %swap3A_1173 = arith.constant 48 : index
        %swap3A_1174 = tpu.vector_load %arg8[%swap3A_1171, %swap3A_1172, %swap3A_1173] {strides = array<i32>} : memref<2x128x64xf32, #tpu.memory_space<vmem>>, vector<1x1x16xf32>,
        %swap3A_1175 = vector.shape_cast %swap3A_1174 : vector<1x1x16xf32> to vector<16xf32>
        %swap3A_1176 = vector.shape_cast %get3A_1169 : vector<16xf32> to vector<1x1x16xf32>
        tpu.vector_store %arg8[%swap3A_1171, %swap3A_1172, %swap3A_1173], %swap3A_1176 {strides = array<i32>} : memref<2x128x64xf32, #tpu.memory_space<vmem>>, vector<1x1x16xf32>,
        %add3A_1177 = arith.constant 11 : i32
        %add3A_1178 = arith.addi %multiple_of3A, %add3A_1177 : i32
        %slice3A_1179 = vector.extract_strided_slice %get3A_387 {offsets = [11], sizes = [1], strides = [1]} : vector<16xi32> to vector<1xi32>
        %squeeze3A_1180 = vector.extract %slice3A_1179[0] : i32 from vector<1xi32>
        %and3A_1181 = arith.constant 1 : i32
        %and3A_1182 = arith.andi %squeeze3A_1180, %and3A_1181 : i32
        %mul3A_1183 = arith.constant 64 : i32
        %mul3A_1184 = arith.muli %and3A_1182, %mul3A_1183 : i32
        %add3A_1185 = arith.constant 0 : i32
        %add3A_1186 = arith.addi %mul3A_1184, %add3A_1185 : i32
        %multiple_of3A_1187 = tpu.assume_multiple %add3A_1186, 16 : i32
        %get3A_1188 = arith.constant 0 : i32
        %get3A_1189 = arith.index_cast %get3A_1188 : i32 to index
        %get3A_1190 = arith.index_cast %add3A_1178 : i32 to index
        %get3A_1191 = arith.index_cast %multiple_of3A_1187 : i32 to index
        %get3A_1192 = tpu.vector_load %arg7[%get3A_1189, %get3A_1190, %get3A_1191] {strides = array<i32>} : memref<2x128x128xf32, #tpu.memory_space<vmem>>, vector<1x1x16xf32>,
        %get3A_1193 = vector.shape_cast %get3A_1192 : vector<1x1x16xf32> to vector<16xf32>
        %swap3A_1194 = arith.constant 0 : i32
        %swap3A_1195 = arith.index_cast %swap3A_1194 : i32 to index
        %swap3A_1196 = arith.index_cast %add3A_1178 : i32 to index
        %swap3A_1197 = arith.constant 0 : index
        %swap3A_1198 = tpu.vector_load %arg8[%swap3A_1195, %swap3A_1196, %swap3A_1197] {strides = array<i32>} : memref<2x128x64xf32, #tpu.memory_space<vmem>>, vector<1x1x16xf32>,
        %swap3A_1199 = vector.shape_cast %swap3A_1198 : vector<1x1x16xf32> to vector<16xf32>
        %swap3A_1200 = vector.shape_cast %get3A_1193 : vector<16xf32> to vector<1x1x16xf32>
        tpu.vector_store %arg8[%swap3A_1195, %swap3A_1196, %swap3A_1197], %swap3A_1200 {strides = array<i32>} : memref<2x128x64xf32, #tpu.memory_space<vmem>>, vector<1x1x16xf32>,
        %add3A_1201 = arith.constant 16 : i32
        %add3A_1202 = arith.addi %mul3A_1184, %add3A_1201 : i32
        %multiple_of3A_1203 = tpu.assume_multiple %add3A_1202, 16 : i32
        %get3A_1204 = arith.constant 0 : i32
        %get3A_1205 = arith.index_cast %get3A_1204 : i32 to index
        %get3A_1206 = arith.index_cast %add3A_1178 : i32 to index
        %get3A_1207 = arith.index_cast %multiple_of3A_1203 : i32 to index
        %get3A_1208 = tpu.vector_load %arg7[%get3A_1205, %get3A_1206, %get3A_1207] {strides = array<i32>} : memref<2x128x128xf32, #tpu.memory_space<vmem>>, vector<1x1x16xf32>,
        %get3A_1209 = vector.shape_cast %get3A_1208 : vector<1x1x16xf32> to vector<16xf32>
        %swap3A_1210 = arith.constant 0 : i32
        %swap3A_1211 = arith.index_cast %swap3A_1210 : i32 to index
        %swap3A_1212 = arith.index_cast %add3A_1178 : i32 to index
        %swap3A_1213 = arith.constant 16 : index
        %swap3A_1214 = tpu.vector_load %arg8[%swap3A_1211, %swap3A_1212, %swap3A_1213] {strides = array<i32>} : memref<2x128x64xf32, #tpu.memory_space<vmem>>, vector<1x1x16xf32>,
        %swap3A_1215 = vector.shape_cast %swap3A_1214 : vector<1x1x16xf32> to vector<16xf32>
        %swap3A_1216 = vector.shape_cast %get3A_1209 : vector<16xf32> to vector<1x1x16xf32>
        tpu.vector_store %arg8[%swap3A_1211, %swap3A_1212, %swap3A_1213], %swap3A_1216 {strides = array<i32>} : memref<2x128x64xf32, #tpu.memory_space<vmem>>, vector<1x1x16xf32>,
        %add3A_1217 = arith.constant 32 : i32
        %add3A_1218 = arith.addi %mul3A_1184, %add3A_1217 : i32
        %multiple_of3A_1219 = tpu.assume_multiple %add3A_1218, 16 : i32
        %get3A_1220 = arith.constant 0 : i32
        %get3A_1221 = arith.index_cast %get3A_1220 : i32 to index
        %get3A_1222 = arith.index_cast %add3A_1178 : i32 to index
        %get3A_1223 = arith.index_cast %multiple_of3A_1219 : i32 to index
        %get3A_1224 = tpu.vector_load %arg7[%get3A_1221, %get3A_1222, %get3A_1223] {strides = array<i32>} : memref<2x128x128xf32, #tpu.memory_space<vmem>>, vector<1x1x16xf32>,
        %get3A_1225 = vector.shape_cast %get3A_1224 : vector<1x1x16xf32> to vector<16xf32>
        %swap3A_1226 = arith.constant 0 : i32
        %swap3A_1227 = arith.index_cast %swap3A_1226 : i32 to index
        %swap3A_1228 = arith.index_cast %add3A_1178 : i32 to index
        %swap3A_1229 = arith.constant 32 : index
        %swap3A_1230 = tpu.vector_load %arg8[%swap3A_1227, %swap3A_1228, %swap3A_1229] {strides = array<i32>} : memref<2x128x64xf32, #tpu.memory_space<vmem>>, vector<1x1x16xf32>,
        %swap3A_1231 = vector.shape_cast %swap3A_1230 : vector<1x1x16xf32> to vector<16xf32>
        %swap3A_1232 = vector.shape_cast %get3A_1225 : vector<16xf32> to vector<1x1x16xf32>
        tpu.vector_store %arg8[%swap3A_1227, %swap3A_1228, %swap3A_1229], %swap3A_1232 {strides = array<i32>} : memref<2x128x64xf32, #tpu.memory_space<vmem>>, vector<1x1x16xf32>,
        %add3A_1233 = arith.constant 48 : i32
        %add3A_1234 = arith.addi %mul3A_1184, %add3A_1233 : i32
        %multiple_of3A_1235 = tpu.assume_multiple %add3A_1234, 16 : i32
        %get3A_1236 = arith.constant 0 : i32
        %get3A_1237 = arith.index_cast %get3A_1236 : i32 to index
        %get3A_1238 = arith.index_cast %add3A_1178 : i32 to index
        %get3A_1239 = arith.index_cast %multiple_of3A_1235 : i32 to index
        %get3A_1240 = tpu.vector_load %arg7[%get3A_1237, %get3A_1238, %get3A_1239] {strides = array<i32>} : memref<2x128x128xf32, #tpu.memory_space<vmem>>, vector<1x1x16xf32>,
        %get3A_1241 = vector.shape_cast %get3A_1240 : vector<1x1x16xf32> to vector<16xf32>
        %swap3A_1242 = arith.constant 0 : i32
        %swap3A_1243 = arith.index_cast %swap3A_1242 : i32 to index
        %swap3A_1244 = arith.index_cast %add3A_1178 : i32 to index
        %swap3A_1245 = arith.constant 48 : index
        %swap3A_1246 = tpu.vector_load %arg8[%swap3A_1243, %swap3A_1244, %swap3A_1245] {strides = array<i32>} : memref<2x128x64xf32, #tpu.memory_space<vmem>>, vector<1x1x16xf32>,
        %swap3A_1247 = vector.shape_cast %swap3A_1246 : vector<1x1x16xf32> to vector<16xf32>
        %swap3A_1248 = vector.shape_cast %get3A_1241 : vector<16xf32> to vector<1x1x16xf32>
        tpu.vector_store %arg8[%swap3A_1243, %swap3A_1244, %swap3A_1245], %swap3A_1248 {strides = array<i32>} : memref<2x128x64xf32, #tpu.memory_space<vmem>>, vector<1x1x16xf32>,
        %add3A_1249 = arith.constant 12 : i32
        %add3A_1250 = arith.addi %multiple_of3A, %add3A_1249 : i32
        %slice3A_1251 = vector.extract_strided_slice %get3A_387 {offsets = [12], sizes = [1], strides = [1]} : vector<16xi32> to vector<1xi32>
        %squeeze3A_1252 = vector.extract %slice3A_1251[0] : i32 from vector<1xi32>
        %and3A_1253 = arith.constant 1 : i32
        %and3A_1254 = arith.andi %squeeze3A_1252, %and3A_1253 : i32
        %mul3A_1255 = arith.constant 64 : i32
        %mul3A_1256 = arith.muli %and3A_1254, %mul3A_1255 : i32
        %add3A_1257 = arith.constant 0 : i32
        %add3A_1258 = arith.addi %mul3A_1256, %add3A_1257 : i32
        %multiple_of3A_1259 = tpu.assume_multiple %add3A_1258, 16 : i32
        %get3A_1260 = arith.constant 0 : i32
        %get3A_1261 = arith.index_cast %get3A_1260 : i32 to index
        %get3A_1262 = arith.index_cast %add3A_1250 : i32 to index
        %get3A_1263 = arith.index_cast %multiple_of3A_1259 : i32 to index
        %get3A_1264 = tpu.vector_load %arg7[%get3A_1261, %get3A_1262, %get3A_1263] {strides = array<i32>} : memref<2x128x128xf32, #tpu.memory_space<vmem>>, vector<1x1x16xf32>,
        %get3A_1265 = vector.shape_cast %get3A_1264 : vector<1x1x16xf32> to vector<16xf32>
        %swap3A_1266 = arith.constant 0 : i32
        %swap3A_1267 = arith.index_cast %swap3A_1266 : i32 to index
        %swap3A_1268 = arith.index_cast %add3A_1250 : i32 to index
        %swap3A_1269 = arith.constant 0 : index
        %swap3A_1270 = tpu.vector_load %arg8[%swap3A_1267, %swap3A_1268, %swap3A_1269] {strides = array<i32>} : memref<2x128x64xf32, #tpu.memory_space<vmem>>, vector<1x1x16xf32>,
        %swap3A_1271 = vector.shape_cast %swap3A_1270 : vector<1x1x16xf32> to vector<16xf32>
        %swap3A_1272 = vector.shape_cast %get3A_1265 : vector<16xf32> to vector<1x1x16xf32>
        tpu.vector_store %arg8[%swap3A_1267, %swap3A_1268, %swap3A_1269], %swap3A_1272 {strides = array<i32>} : memref<2x128x64xf32, #tpu.memory_space<vmem>>, vector<1x1x16xf32>,
        %add3A_1273 = arith.constant 16 : i32
        %add3A_1274 = arith.addi %mul3A_1256, %add3A_1273 : i32
        %multiple_of3A_1275 = tpu.assume_multiple %add3A_1274, 16 : i32
        %get3A_1276 = arith.constant 0 : i32
        %get3A_1277 = arith.index_cast %get3A_1276 : i32 to index
        %get3A_1278 = arith.index_cast %add3A_1250 : i32 to index
        %get3A_1279 = arith.index_cast %multiple_of3A_1275 : i32 to index
        %get3A_1280 = tpu.vector_load %arg7[%get3A_1277, %get3A_1278, %get3A_1279] {strides = array<i32>} : memref<2x128x128xf32, #tpu.memory_space<vmem>>, vector<1x1x16xf32>,
        %get3A_1281 = vector.shape_cast %get3A_1280 : vector<1x1x16xf32> to vector<16xf32>
        %swap3A_1282 = arith.constant 0 : i32
        %swap3A_1283 = arith.index_cast %swap3A_1282 : i32 to index
        %swap3A_1284 = arith.index_cast %add3A_1250 : i32 to index
        %swap3A_1285 = arith.constant 16 : index
        %swap3A_1286 = tpu.vector_load %arg8[%swap3A_1283, %swap3A_1284, %swap3A_1285] {strides = array<i32>} : memref<2x128x64xf32, #tpu.memory_space<vmem>>, vector<1x1x16xf32>,
        %swap3A_1287 = vector.shape_cast %swap3A_1286 : vector<1x1x16xf32> to vector<16xf32>
        %swap3A_1288 = vector.shape_cast %get3A_1281 : vector<16xf32> to vector<1x1x16xf32>
        tpu.vector_store %arg8[%swap3A_1283, %swap3A_1284, %swap3A_1285], %swap3A_1288 {strides = array<i32>} : memref<2x128x64xf32, #tpu.memory_space<vmem>>, vector<1x1x16xf32>,
        %add3A_1289 = arith.constant 32 : i32
        %add3A_1290 = arith.addi %mul3A_1256, %add3A_1289 : i32
        %multiple_of3A_1291 = tpu.assume_multiple %add3A_1290, 16 : i32
        %get3A_1292 = arith.constant 0 : i32
        %get3A_1293 = arith.index_cast %get3A_1292 : i32 to index
        %get3A_1294 = arith.index_cast %add3A_1250 : i32 to index
        %get3A_1295 = arith.index_cast %multiple_of3A_1291 : i32 to index
        %get3A_1296 = tpu.vector_load %arg7[%get3A_1293, %get3A_1294, %get3A_1295] {strides = array<i32>} : memref<2x128x128xf32, #tpu.memory_space<vmem>>, vector<1x1x16xf32>,
        %get3A_1297 = vector.shape_cast %get3A_1296 : vector<1x1x16xf32> to vector<16xf32>
        %swap3A_1298 = arith.constant 0 : i32
        %swap3A_1299 = arith.index_cast %swap3A_1298 : i32 to index
        %swap3A_1300 = arith.index_cast %add3A_1250 : i32 to index
        %swap3A_1301 = arith.constant 32 : index
        %swap3A_1302 = tpu.vector_load %arg8[%swap3A_1299, %swap3A_1300, %swap3A_1301] {strides = array<i32>} : memref<2x128x64xf32, #tpu.memory_space<vmem>>, vector<1x1x16xf32>,
        %swap3A_1303 = vector.shape_cast %swap3A_1302 : vector<1x1x16xf32> to vector<16xf32>
        %swap3A_1304 = vector.shape_cast %get3A_1297 : vector<16xf32> to vector<1x1x16xf32>
        tpu.vector_store %arg8[%swap3A_1299, %swap3A_1300, %swap3A_1301], %swap3A_1304 {strides = array<i32>} : memref<2x128x64xf32, #tpu.memory_space<vmem>>, vector<1x1x16xf32>,
        %add3A_1305 = arith.constant 48 : i32
        %add3A_1306 = arith.addi %mul3A_1256, %add3A_1305 : i32
        %multiple_of3A_1307 = tpu.assume_multiple %add3A_1306, 16 : i32
        %get3A_1308 = arith.constant 0 : i32
        %get3A_1309 = arith.index_cast %get3A_1308 : i32 to index
        %get3A_1310 = arith.index_cast %add3A_1250 : i32 to index
        %get3A_1311 = arith.index_cast %multiple_of3A_1307 : i32 to index
        %get3A_1312 = tpu.vector_load %arg7[%get3A_1309, %get3A_1310, %get3A_1311] {strides = array<i32>} : memref<2x128x128xf32, #tpu.memory_space<vmem>>, vector<1x1x16xf32>,
        %get3A_1313 = vector.shape_cast %get3A_1312 : vector<1x1x16xf32> to vector<16xf32>
        %swap3A_1314 = arith.constant 0 : i32
        %swap3A_1315 = arith.index_cast %swap3A_1314 : i32 to index
        %swap3A_1316 = arith.index_cast %add3A_1250 : i32 to index
        %swap3A_1317 = arith.constant 48 : index
        %swap3A_1318 = tpu.vector_load %arg8[%swap3A_1315, %swap3A_1316, %swap3A_1317] {strides = array<i32>} : memref<2x128x64xf32, #tpu.memory_space<vmem>>, vector<1x1x16xf32>,
        %swap3A_1319 = vector.shape_cast %swap3A_1318 : vector<1x1x16xf32> to vector<16xf32>
        %swap3A_1320 = vector.shape_cast %get3A_1313 : vector<16xf32> to vector<1x1x16xf32>
        tpu.vector_store %arg8[%swap3A_1315, %swap3A_1316, %swap3A_1317], %swap3A_1320 {strides = array<i32>} : memref<2x128x64xf32, #tpu.memory_space<vmem>>, vector<1x1x16xf32>,
        %add3A_1321 = arith.constant 13 : i32
        %add3A_1322 = arith.addi %multiple_of3A, %add3A_1321 : i32
        %slice3A_1323 = vector.extract_strided_slice %get3A_387 {offsets = [13], sizes = [1], strides = [1]} : vector<16xi32> to vector<1xi32>
        %squeeze3A_1324 = vector.extract %slice3A_1323[0] : i32 from vector<1xi32>
        %and3A_1325 = arith.constant 1 : i32
        %and3A_1326 = arith.andi %squeeze3A_1324, %and3A_1325 : i32
        %mul3A_1327 = arith.constant 64 : i32
        %mul3A_1328 = arith.muli %and3A_1326, %mul3A_1327 : i32
        %add3A_1329 = arith.constant 0 : i32
        %add3A_1330 = arith.addi %mul3A_1328, %add3A_1329 : i32
        %multiple_of3A_1331 = tpu.assume_multiple %add3A_1330, 16 : i32
        %get3A_1332 = arith.constant 0 : i32
        %get3A_1333 = arith.index_cast %get3A_1332 : i32 to index
        %get3A_1334 = arith.index_cast %add3A_1322 : i32 to index
        %get3A_1335 = arith.index_cast %multiple_of3A_1331 : i32 to index
        %get3A_1336 = tpu.vector_load %arg7[%get3A_1333, %get3A_1334, %get3A_1335] {strides = array<i32>} : memref<2x128x128xf32, #tpu.memory_space<vmem>>, vector<1x1x16xf32>,
        %get3A_1337 = vector.shape_cast %get3A_1336 : vector<1x1x16xf32> to vector<16xf32>
        %swap3A_1338 = arith.constant 0 : i32
        %swap3A_1339 = arith.index_cast %swap3A_1338 : i32 to index
        %swap3A_1340 = arith.index_cast %add3A_1322 : i32 to index
        %swap3A_1341 = arith.constant 0 : index
        %swap3A_1342 = tpu.vector_load %arg8[%swap3A_1339, %swap3A_1340, %swap3A_1341] {strides = array<i32>} : memref<2x128x64xf32, #tpu.memory_space<vmem>>, vector<1x1x16xf32>,
        %swap3A_1343 = vector.shape_cast %swap3A_1342 : vector<1x1x16xf32> to vector<16xf32>
        %swap3A_1344 = vector.shape_cast %get3A_1337 : vector<16xf32> to vector<1x1x16xf32>
        tpu.vector_store %arg8[%swap3A_1339, %swap3A_1340, %swap3A_1341], %swap3A_1344 {strides = array<i32>} : memref<2x128x64xf32, #tpu.memory_space<vmem>>, vector<1x1x16xf32>,
        %add3A_1345 = arith.constant 16 : i32
        %add3A_1346 = arith.addi %mul3A_1328, %add3A_1345 : i32
        %multiple_of3A_1347 = tpu.assume_multiple %add3A_1346, 16 : i32
        %get3A_1348 = arith.constant 0 : i32
        %get3A_1349 = arith.index_cast %get3A_1348 : i32 to index
        %get3A_1350 = arith.index_cast %add3A_1322 : i32 to index
        %get3A_1351 = arith.index_cast %multiple_of3A_1347 : i32 to index
        %get3A_1352 = tpu.vector_load %arg7[%get3A_1349, %get3A_1350, %get3A_1351] {strides = array<i32>} : memref<2x128x128xf32, #tpu.memory_space<vmem>>, vector<1x1x16xf32>,
        %get3A_1353 = vector.shape_cast %get3A_1352 : vector<1x1x16xf32> to vector<16xf32>
        %swap3A_1354 = arith.constant 0 : i32
        %swap3A_1355 = arith.index_cast %swap3A_1354 : i32 to index
        %swap3A_1356 = arith.index_cast %add3A_1322 : i32 to index
        %swap3A_1357 = arith.constant 16 : index
        %swap3A_1358 = tpu.vector_load %arg8[%swap3A_1355, %swap3A_1356, %swap3A_1357] {strides = array<i32>} : memref<2x128x64xf32, #tpu.memory_space<vmem>>, vector<1x1x16xf32>,
        %swap3A_1359 = vector.shape_cast %swap3A_1358 : vector<1x1x16xf32> to vector<16xf32>
        %swap3A_1360 = vector.shape_cast %get3A_1353 : vector<16xf32> to vector<1x1x16xf32>
        tpu.vector_store %arg8[%swap3A_1355, %swap3A_1356, %swap3A_1357], %swap3A_1360 {strides = array<i32>} : memref<2x128x64xf32, #tpu.memory_space<vmem>>, vector<1x1x16xf32>,
        %add3A_1361 = arith.constant 32 : i32
        %add3A_1362 = arith.addi %mul3A_1328, %add3A_1361 : i32
        %multiple_of3A_1363 = tpu.assume_multiple %add3A_1362, 16 : i32
        %get3A_1364 = arith.constant 0 : i32
        %get3A_1365 = arith.index_cast %get3A_1364 : i32 to index
        %get3A_1366 = arith.index_cast %add3A_1322 : i32 to index
        %get3A_1367 = arith.index_cast %multiple_of3A_1363 : i32 to index
        %get3A_1368 = tpu.vector_load %arg7[%get3A_1365, %get3A_1366, %get3A_1367] {strides = array<i32>} : memref<2x128x128xf32, #tpu.memory_space<vmem>>, vector<1x1x16xf32>,
        %get3A_1369 = vector.shape_cast %get3A_1368 : vector<1x1x16xf32> to vector<16xf32>
        %swap3A_1370 = arith.constant 0 : i32
        %swap3A_1371 = arith.index_cast %swap3A_1370 : i32 to index
        %swap3A_1372 = arith.index_cast %add3A_1322 : i32 to index
        %swap3A_1373 = arith.constant 32 : index
        %swap3A_1374 = tpu.vector_load %arg8[%swap3A_1371, %swap3A_1372, %swap3A_1373] {strides = array<i32>} : memref<2x128x64xf32, #tpu.memory_space<vmem>>, vector<1x1x16xf32>,
        %swap3A_1375 = vector.shape_cast %swap3A_1374 : vector<1x1x16xf32> to vector<16xf32>
        %swap3A_1376 = vector.shape_cast %get3A_1369 : vector<16xf32> to vector<1x1x16xf32>
        tpu.vector_store %arg8[%swap3A_1371, %swap3A_1372, %swap3A_1373], %swap3A_1376 {strides = array<i32>} : memref<2x128x64xf32, #tpu.memory_space<vmem>>, vector<1x1x16xf32>,
        %add3A_1377 = arith.constant 48 : i32
        %add3A_1378 = arith.addi %mul3A_1328, %add3A_1377 : i32
        %multiple_of3A_1379 = tpu.assume_multiple %add3A_1378, 16 : i32
        %get3A_1380 = arith.constant 0 : i32
        %get3A_1381 = arith.index_cast %get3A_1380 : i32 to index
        %get3A_1382 = arith.index_cast %add3A_1322 : i32 to index
        %get3A_1383 = arith.index_cast %multiple_of3A_1379 : i32 to index
        %get3A_1384 = tpu.vector_load %arg7[%get3A_1381, %get3A_1382, %get3A_1383] {strides = array<i32>} : memref<2x128x128xf32, #tpu.memory_space<vmem>>, vector<1x1x16xf32>,
        %get3A_1385 = vector.shape_cast %get3A_1384 : vector<1x1x16xf32> to vector<16xf32>
        %swap3A_1386 = arith.constant 0 : i32
        %swap3A_1387 = arith.index_cast %swap3A_1386 : i32 to index
        %swap3A_1388 = arith.index_cast %add3A_1322 : i32 to index
        %swap3A_1389 = arith.constant 48 : index
        %swap3A_1390 = tpu.vector_load %arg8[%swap3A_1387, %swap3A_1388, %swap3A_1389] {strides = array<i32>} : memref<2x128x64xf32, #tpu.memory_space<vmem>>, vector<1x1x16xf32>,
        %swap3A_1391 = vector.shape_cast %swap3A_1390 : vector<1x1x16xf32> to vector<16xf32>
        %swap3A_1392 = vector.shape_cast %get3A_1385 : vector<16xf32> to vector<1x1x16xf32>
        tpu.vector_store %arg8[%swap3A_1387, %swap3A_1388, %swap3A_1389], %swap3A_1392 {strides = array<i32>} : memref<2x128x64xf32, #tpu.memory_space<vmem>>, vector<1x1x16xf32>,
        %add3A_1393 = arith.constant 14 : i32
        %add3A_1394 = arith.addi %multiple_of3A, %add3A_1393 : i32
        %slice3A_1395 = vector.extract_strided_slice %get3A_387 {offsets = [14], sizes = [1], strides = [1]} : vector<16xi32> to vector<1xi32>
        %squeeze3A_1396 = vector.extract %slice3A_1395[0] : i32 from vector<1xi32>
        %and3A_1397 = arith.constant 1 : i32
        %and3A_1398 = arith.andi %squeeze3A_1396, %and3A_1397 : i32
        %mul3A_1399 = arith.constant 64 : i32
        %mul3A_1400 = arith.muli %and3A_1398, %mul3A_1399 : i32
        %add3A_1401 = arith.constant 0 : i32
        %add3A_1402 = arith.addi %mul3A_1400, %add3A_1401 : i32
        %multiple_of3A_1403 = tpu.assume_multiple %add3A_1402, 16 : i32
        %get3A_1404 = arith.constant 0 : i32
        %get3A_1405 = arith.index_cast %get3A_1404 : i32 to index
        %get3A_1406 = arith.index_cast %add3A_1394 : i32 to index
        %get3A_1407 = arith.index_cast %multiple_of3A_1403 : i32 to index
        %get3A_1408 = tpu.vector_load %arg7[%get3A_1405, %get3A_1406, %get3A_1407] {strides = array<i32>} : memref<2x128x128xf32, #tpu.memory_space<vmem>>, vector<1x1x16xf32>,
        %get3A_1409 = vector.shape_cast %get3A_1408 : vector<1x1x16xf32> to vector<16xf32>
        %swap3A_1410 = arith.constant 0 : i32
        %swap3A_1411 = arith.index_cast %swap3A_1410 : i32 to index
        %swap3A_1412 = arith.index_cast %add3A_1394 : i32 to index
        %swap3A_1413 = arith.constant 0 : index
        %swap3A_1414 = tpu.vector_load %arg8[%swap3A_1411, %swap3A_1412, %swap3A_1413] {strides = array<i32>} : memref<2x128x64xf32, #tpu.memory_space<vmem>>, vector<1x1x16xf32>,
        %swap3A_1415 = vector.shape_cast %swap3A_1414 : vector<1x1x16xf32> to vector<16xf32>
        %swap3A_1416 = vector.shape_cast %get3A_1409 : vector<16xf32> to vector<1x1x16xf32>
        tpu.vector_store %arg8[%swap3A_1411, %swap3A_1412, %swap3A_1413], %swap3A_1416 {strides = array<i32>} : memref<2x128x64xf32, #tpu.memory_space<vmem>>, vector<1x1x16xf32>,
        %add3A_1417 = arith.constant 16 : i32
        %add3A_1418 = arith.addi %mul3A_1400, %add3A_1417 : i32
        %multiple_of3A_1419 = tpu.assume_multiple %add3A_1418, 16 : i32
        %get3A_1420 = arith.constant 0 : i32
        %get3A_1421 = arith.index_cast %get3A_1420 : i32 to index
        %get3A_1422 = arith.index_cast %add3A_1394 : i32 to index
        %get3A_1423 = arith.index_cast %multiple_of3A_1419 : i32 to index
        %get3A_1424 = tpu.vector_load %arg7[%get3A_1421, %get3A_1422, %get3A_1423] {strides = array<i32>} : memref<2x128x128xf32, #tpu.memory_space<vmem>>, vector<1x1x16xf32>,
        %get3A_1425 = vector.shape_cast %get3A_1424 : vector<1x1x16xf32> to vector<16xf32>
        %swap3A_1426 = arith.constant 0 : i32
        %swap3A_1427 = arith.index_cast %swap3A_1426 : i32 to index
        %swap3A_1428 = arith.index_cast %add3A_1394 : i32 to index
        %swap3A_1429 = arith.constant 16 : index
        %swap3A_1430 = tpu.vector_load %arg8[%swap3A_1427, %swap3A_1428, %swap3A_1429] {strides = array<i32>} : memref<2x128x64xf32, #tpu.memory_space<vmem>>, vector<1x1x16xf32>,
        %swap3A_1431 = vector.shape_cast %swap3A_1430 : vector<1x1x16xf32> to vector<16xf32>
        %swap3A_1432 = vector.shape_cast %get3A_1425 : vector<16xf32> to vector<1x1x16xf32>
        tpu.vector_store %arg8[%swap3A_1427, %swap3A_1428, %swap3A_1429], %swap3A_1432 {strides = array<i32>} : memref<2x128x64xf32, #tpu.memory_space<vmem>>, vector<1x1x16xf32>,
        %add3A_1433 = arith.constant 32 : i32
        %add3A_1434 = arith.addi %mul3A_1400, %add3A_1433 : i32
        %multiple_of3A_1435 = tpu.assume_multiple %add3A_1434, 16 : i32
        %get3A_1436 = arith.constant 0 : i32
        %get3A_1437 = arith.index_cast %get3A_1436 : i32 to index
        %get3A_1438 = arith.index_cast %add3A_1394 : i32 to index
        %get3A_1439 = arith.index_cast %multiple_of3A_1435 : i32 to index
        %get3A_1440 = tpu.vector_load %arg7[%get3A_1437, %get3A_1438, %get3A_1439] {strides = array<i32>} : memref<2x128x128xf32, #tpu.memory_space<vmem>>, vector<1x1x16xf32>,
        %get3A_1441 = vector.shape_cast %get3A_1440 : vector<1x1x16xf32> to vector<16xf32>
        %swap3A_1442 = arith.constant 0 : i32
        %swap3A_1443 = arith.index_cast %swap3A_1442 : i32 to index
        %swap3A_1444 = arith.index_cast %add3A_1394 : i32 to index
        %swap3A_1445 = arith.constant 32 : index
        %swap3A_1446 = tpu.vector_load %arg8[%swap3A_1443, %swap3A_1444, %swap3A_1445] {strides = array<i32>} : memref<2x128x64xf32, #tpu.memory_space<vmem>>, vector<1x1x16xf32>,
        %swap3A_1447 = vector.shape_cast %swap3A_1446 : vector<1x1x16xf32> to vector<16xf32>
        %swap3A_1448 = vector.shape_cast %get3A_1441 : vector<16xf32> to vector<1x1x16xf32>
        tpu.vector_store %arg8[%swap3A_1443, %swap3A_1444, %swap3A_1445], %swap3A_1448 {strides = array<i32>} : memref<2x128x64xf32, #tpu.memory_space<vmem>>, vector<1x1x16xf32>,
        %add3A_1449 = arith.constant 48 : i32
        %add3A_1450 = arith.addi %mul3A_1400, %add3A_1449 : i32
        %multiple_of3A_1451 = tpu.assume_multiple %add3A_1450, 16 : i32
        %get3A_1452 = arith.constant 0 : i32
        %get3A_1453 = arith.index_cast %get3A_1452 : i32 to index
        %get3A_1454 = arith.index_cast %add3A_1394 : i32 to index
        %get3A_1455 = arith.index_cast %multiple_of3A_1451 : i32 to index
        %get3A_1456 = tpu.vector_load %arg7[%get3A_1453, %get3A_1454, %get3A_1455] {strides = array<i32>} : memref<2x128x128xf32, #tpu.memory_space<vmem>>, vector<1x1x16xf32>,
        %get3A_1457 = vector.shape_cast %get3A_1456 : vector<1x1x16xf32> to vector<16xf32>
        %swap3A_1458 = arith.constant 0 : i32
        %swap3A_1459 = arith.index_cast %swap3A_1458 : i32 to index
        %swap3A_1460 = arith.index_cast %add3A_1394 : i32 to index
        %swap3A_1461 = arith.constant 48 : index
        %swap3A_1462 = tpu.vector_load %arg8[%swap3A_1459, %swap3A_1460, %swap3A_1461] {strides = array<i32>} : memref<2x128x64xf32, #tpu.memory_space<vmem>>, vector<1x1x16xf32>,
        %swap3A_1463 = vector.shape_cast %swap3A_1462 : vector<1x1x16xf32> to vector<16xf32>
        %swap3A_1464 = vector.shape_cast %get3A_1457 : vector<16xf32> to vector<1x1x16xf32>
        tpu.vector_store %arg8[%swap3A_1459, %swap3A_1460, %swap3A_1461], %swap3A_1464 {strides = array<i32>} : memref<2x128x64xf32, #tpu.memory_space<vmem>>, vector<1x1x16xf32>,
        %add3A_1465 = arith.constant 15 : i32
        %add3A_1466 = arith.addi %multiple_of3A, %add3A_1465 : i32
        %slice3A_1467 = vector.extract_strided_slice %get3A_387 {offsets = [15], sizes = [1], strides = [1]} : vector<16xi32> to vector<1xi32>
        %squeeze3A_1468 = vector.extract %slice3A_1467[0] : i32 from vector<1xi32>
        %and3A_1469 = arith.constant 1 : i32
        %and3A_1470 = arith.andi %squeeze3A_1468, %and3A_1469 : i32
        %mul3A_1471 = arith.constant 64 : i32
        %mul3A_1472 = arith.muli %and3A_1470, %mul3A_1471 : i32
        %add3A_1473 = arith.constant 0 : i32
        %add3A_1474 = arith.addi %mul3A_1472, %add3A_1473 : i32
        %multiple_of3A_1475 = tpu.assume_multiple %add3A_1474, 16 : i32
        %get3A_1476 = arith.constant 0 : i32
        %get3A_1477 = arith.index_cast %get3A_1476 : i32 to index
        %get3A_1478 = arith.index_cast %add3A_1466 : i32 to index
        %get3A_1479 = arith.index_cast %multiple_of3A_1475 : i32 to index
        %get3A_1480 = tpu.vector_load %arg7[%get3A_1477, %get3A_1478, %get3A_1479] {strides = array<i32>} : memref<2x128x128xf32, #tpu.memory_space<vmem>>, vector<1x1x16xf32>,
        %get3A_1481 = vector.shape_cast %get3A_1480 : vector<1x1x16xf32> to vector<16xf32>
        %swap3A_1482 = arith.constant 0 : i32
        %swap3A_1483 = arith.index_cast %swap3A_1482 : i32 to index
        %swap3A_1484 = arith.index_cast %add3A_1466 : i32 to index
        %swap3A_1485 = arith.constant 0 : index
        %swap3A_1486 = tpu.vector_load %arg8[%swap3A_1483, %swap3A_1484, %swap3A_1485] {strides = array<i32>} : memref<2x128x64xf32, #tpu.memory_space<vmem>>, vector<1x1x16xf32>,
        %swap3A_1487 = vector.shape_cast %swap3A_1486 : vector<1x1x16xf32> to vector<16xf32>
        %swap3A_1488 = vector.shape_cast %get3A_1481 : vector<16xf32> to vector<1x1x16xf32>
        tpu.vector_store %arg8[%swap3A_1483, %swap3A_1484, %swap3A_1485], %swap3A_1488 {strides = array<i32>} : memref<2x128x64xf32, #tpu.memory_space<vmem>>, vector<1x1x16xf32>,
        %add3A_1489 = arith.constant 16 : i32
        %add3A_1490 = arith.addi %mul3A_1472, %add3A_1489 : i32
        %multiple_of3A_1491 = tpu.assume_multiple %add3A_1490, 16 : i32
        %get3A_1492 = arith.constant 0 : i32
        %get3A_1493 = arith.index_cast %get3A_1492 : i32 to index
        %get3A_1494 = arith.index_cast %add3A_1466 : i32 to index
        %get3A_1495 = arith.index_cast %multiple_of3A_1491 : i32 to index
        %get3A_1496 = tpu.vector_load %arg7[%get3A_1493, %get3A_1494, %get3A_1495] {strides = array<i32>} : memref<2x128x128xf32, #tpu.memory_space<vmem>>, vector<1x1x16xf32>,
        %get3A_1497 = vector.shape_cast %get3A_1496 : vector<1x1x16xf32> to vector<16xf32>
        %swap3A_1498 = arith.constant 0 : i32
        %swap3A_1499 = arith.index_cast %swap3A_1498 : i32 to index
        %swap3A_1500 = arith.index_cast %add3A_1466 : i32 to index
        %swap3A_1501 = arith.constant 16 : index
        %swap3A_1502 = tpu.vector_load %arg8[%swap3A_1499, %swap3A_1500, %swap3A_1501] {strides = array<i32>} : memref<2x128x64xf32, #tpu.memory_space<vmem>>, vector<1x1x16xf32>,
        %swap3A_1503 = vector.shape_cast %swap3A_1502 : vector<1x1x16xf32> to vector<16xf32>
        %swap3A_1504 = vector.shape_cast %get3A_1497 : vector<16xf32> to vector<1x1x16xf32>
        tpu.vector_store %arg8[%swap3A_1499, %swap3A_1500, %swap3A_1501], %swap3A_1504 {strides = array<i32>} : memref<2x128x64xf32, #tpu.memory_space<vmem>>, vector<1x1x16xf32>,
        %add3A_1505 = arith.constant 32 : i32
        %add3A_1506 = arith.addi %mul3A_1472, %add3A_1505 : i32
        %multiple_of3A_1507 = tpu.assume_multiple %add3A_1506, 16 : i32
        %get3A_1508 = arith.constant 0 : i32
        %get3A_1509 = arith.index_cast %get3A_1508 : i32 to index
        %get3A_1510 = arith.index_cast %add3A_1466 : i32 to index
        %get3A_1511 = arith.index_cast %multiple_of3A_1507 : i32 to index
        %get3A_1512 = tpu.vector_load %arg7[%get3A_1509, %get3A_1510, %get3A_1511] {strides = array<i32>} : memref<2x128x128xf32, #tpu.memory_space<vmem>>, vector<1x1x16xf32>,
        %get3A_1513 = vector.shape_cast %get3A_1512 : vector<1x1x16xf32> to vector<16xf32>
        %swap3A_1514 = arith.constant 0 : i32
        %swap3A_1515 = arith.index_cast %swap3A_1514 : i32 to index
        %swap3A_1516 = arith.index_cast %add3A_1466 : i32 to index
        %swap3A_1517 = arith.constant 32 : index
        %swap3A_1518 = tpu.vector_load %arg8[%swap3A_1515, %swap3A_1516, %swap3A_1517] {strides = array<i32>} : memref<2x128x64xf32, #tpu.memory_space<vmem>>, vector<1x1x16xf32>,
        %swap3A_1519 = vector.shape_cast %swap3A_1518 : vector<1x1x16xf32> to vector<16xf32>
        %swap3A_1520 = vector.shape_cast %get3A_1513 : vector<16xf32> to vector<1x1x16xf32>
        tpu.vector_store %arg8[%swap3A_1515, %swap3A_1516, %swap3A_1517], %swap3A_1520 {strides = array<i32>} : memref<2x128x64xf32, #tpu.memory_space<vmem>>, vector<1x1x16xf32>,
        %add3A_1521 = arith.constant 48 : i32
        %add3A_1522 = arith.addi %mul3A_1472, %add3A_1521 : i32
        %multiple_of3A_1523 = tpu.assume_multiple %add3A_1522, 16 : i32
        %get3A_1524 = arith.constant 0 : i32
        %get3A_1525 = arith.index_cast %get3A_1524 : i32 to index
        %get3A_1526 = arith.index_cast %add3A_1466 : i32 to index
        %get3A_1527 = arith.index_cast %multiple_of3A_1523 : i32 to index
        %get3A_1528 = tpu.vector_load %arg7[%get3A_1525, %get3A_1526, %get3A_1527] {strides = array<i32>} : memref<2x128x128xf32, #tpu.memory_space<vmem>>, vector<1x1x16xf32>,
        %get3A_1529 = vector.shape_cast %get3A_1528 : vector<1x1x16xf32> to vector<16xf32>
        %swap3A_1530 = arith.constant 0 : i32
        %swap3A_1531 = arith.index_cast %swap3A_1530 : i32 to index
        %swap3A_1532 = arith.index_cast %add3A_1466 : i32 to index
        %swap3A_1533 = arith.constant 48 : index
        %swap3A_1534 = tpu.vector_load %arg8[%swap3A_1531, %swap3A_1532, %swap3A_1533] {strides = array<i32>} : memref<2x128x64xf32, #tpu.memory_space<vmem>>, vector<1x1x16xf32>,
        %swap3A_1535 = vector.shape_cast %swap3A_1534 : vector<1x1x16xf32> to vector<16xf32>
        %swap3A_1536 = vector.shape_cast %get3A_1529 : vector<16xf32> to vector<1x1x16xf32>
        tpu.vector_store %arg8[%swap3A_1531, %swap3A_1532, %swap3A_1533], %swap3A_1536 {strides = array<i32>} : memref<2x128x64xf32, #tpu.memory_space<vmem>>, vector<1x1x16xf32>,
      }
      %scan3A_328 = arith.constant 8 : i32
      %dma_start3A_329 = arith.constant 0 : i32
      %dma_start3A_330 = arith.constant 0 : i32
      %dma_start3A_331 = arith.constant 0 : i32
      %dma_start3A_332 = tpu.memref_slice %arg8[%dma_start3A_329, %dma_start3A_330, %dma_start3A_331] : memref<2x128x64xf32, #tpu.memory_space<vmem>> -> memref<1x128x64xf32, #tpu.memory_space<vmem>>
      %dma_start3A_333 = tpu.memref_squeeze %dma_start3A_332 : memref<1x128x64xf32, #tpu.memory_space<vmem>> -> memref<128x64xf32, #tpu.memory_space<vmem>>
      %dma_start3A_334 = arith.constant 0 : i32
      %dma_start3A_335 = tpu.memref_slice %arg4[%add3A_310, %dma_start3A_334] : memref<819200x64xf32, #tpu.memory_space<hbm>> -> memref<128x64xf32, #tpu.memory_space<hbm>>
      %dma_start3A_336 = arith.constant 0 : i32
      %dma_start3A_337 = tpu.memref_slice %arg4[%add3A_310, %dma_start3A_336] : memref<819200x64xf32, #tpu.memory_space<hbm>> -> memref<128x64xf32, #tpu.memory_space<hbm>>
      %dma_start3A_338 = arith.constant 0 : i32
      %dma_start3A_339 = arith.constant 0 : i32
      %dma_start3A_340 = tpu.memref_slice %arg8[%dma_start3A_329, %dma_start3A_338, %dma_start3A_339] : memref<2x128x64xf32, #tpu.memory_space<vmem>> -> memref<1x128x64xf32, #tpu.memory_space<vmem>>
      %dma_start3A_341 = tpu.memref_squeeze %dma_start3A_340 : memref<1x128x64xf32, #tpu.memory_space<vmem>> -> memref<128x64xf32, #tpu.memory_space<vmem>>
      tpu.enqueue_dma source(%dma_start3A_341 : memref<128x64xf32, #tpu.memory_space<vmem>>) target(%dma_start3A_337 : memref<128x64xf32, #tpu.memory_space<hbm>>) target_semaphore(%arg11 : memref<!tpu.dma_semaphore, #tpu.memory_space<semaphore_mem>>)
      %mul3A_342 = arith.constant 2 : i32
      %mul3A_343 = arith.muli %scan3A_37, %mul3A_342 : i32
      %add3A_344 = arith.constant 1 : i32
      %add3A_345 = arith.addi %mul3A_343, %add3A_344 : i32
      %mul3A_346 = arith.constant 128 : i32
      %mul3A_347 = arith.muli %add3A_345, %mul3A_346 : i32
      %add3A_348 = arith.addi %mul3A_2, %mul3A_347 : i32
      %dma_wait3A_349 = arith.constant 1 : i32
      %dma_wait3A_350 = arith.constant 1 : i32
      %dma_wait3A_351 = arith.constant 0 : i32
      %dma_wait3A_352 = arith.constant 0 : i32
      %dma_wait3A_353 = tpu.memref_slice %arg7[%dma_wait3A_350, %dma_wait3A_351, %dma_wait3A_352] : memref<2x128x128xf32, #tpu.memory_space<vmem>> -> memref<1x128x128xf32, #tpu.memory_space<vmem>>
      %dma_wait3A_354 = tpu.memref_squeeze %dma_wait3A_353 : memref<1x128x128xf32, #tpu.memory_space<vmem>> -> memref<128x128xf32, #tpu.memory_space<vmem>>
      %dma_wait3A_355 = arith.constant 0 : i32
      %dma_wait3A_356 = tpu.memref_slice %arg6[%dma_wait3A_349, %dma_wait3A_355] : memref<2x128xi32, #tpu.memory_space<vmem>> -> memref<1x128xi32, #tpu.memory_space<vmem>>
      %dma_wait3A_357 = tpu.memref_squeeze %dma_wait3A_356 : memref<1x128xi32, #tpu.memory_space<vmem>> -> memref<128xi32, #tpu.memory_space<vmem>>
      %dma_wait3A_358 = arith.constant 0 : i32
      %dma_wait3A_359 = arith.constant 0 : i32
      %dma_wait3A_360 = tpu.memref_slice %arg3[%dma_wait3A_358, %dma_wait3A_359] : memref<500000x128xf32, #tpu.memory_space<hbm>> -> memref<500000x128xf32, #tpu.memory_space<hbm>>
      tpu.wait_indirect_dma semaphore(%arg10 : memref<!tpu.dma_semaphore, #tpu.memory_space<semaphore_mem>>) src(%dma_wait3A_360 : memref<500000x128xf32, #tpu.memory_space<hbm>>) dst(%dma_wait3A_354 : memref<128x128xf32, #tpu.memory_space<vmem>>)
      %scan3A_361 = arith.constant 0 : i32
      %scan3A_362 = arith.constant 0 : i32
      %scan3A_363 = arith.constant 8 : i32
      %scan3A_364 = arith.addi %scan3A_362, %scan3A_363 : i32
      %scan3A_365 = arith.constant 1 : i32
      scf.for %scan3A_380 = %scan3A_362 to %scan3A_364 step %scan3A_365  : i32 {
        %mul3A_381 = arith.constant 16 : i32
        %mul3A_382 = arith.muli %scan3A_380, %mul3A_381 : i32
        %multiple_of3A = tpu.assume_multiple %mul3A_382, 16 : i32
        %get3A_383 = arith.constant 1 : i32
        %get3A_384 = arith.index_cast %get3A_383 : i32 to index
        %get3A_385 = arith.index_cast %multiple_of3A : i32 to index
        %get3A_386 = tpu.vector_load %arg5[%get3A_384, %get3A_385] {strides = array<i32>} : memref<2x144xi32, #tpu.memory_space<vmem>>, vector<1x16xi32>,
        %get3A_387 = vector.shape_cast %get3A_386 : vector<1x16xi32> to vector<16xi32>
        %add3A_388 = arith.constant 0 : i32
        %add3A_389 = arith.addi %multiple_of3A, %add3A_388 : i32
        %slice3A = vector.extract_strided_slice %get3A_387 {offsets = [0], sizes = [1], strides = [1]} : vector<16xi32> to vector<1xi32>
        %squeeze3A = vector.extract %slice3A[0] : i32 from vector<1xi32>
        %and3A = arith.constant 1 : i32
        %and3A_390 = arith.andi %squeeze3A, %and3A : i32
        %mul3A_391 = arith.constant 64 : i32
        %mul3A_392 = arith.muli %and3A_390, %mul3A_391 : i32
        %add3A_393 = arith.constant 0 : i32
        %add3A_394 = arith.addi %mul3A_392, %add3A_393 : i32
        %multiple_of3A_395 = tpu.assume_multiple %add3A_394, 16 : i32
        %get3A_396 = arith.constant 1 : i32
        %get3A_397 = arith.index_cast %get3A_396 : i32 to index
        %get3A_398 = arith.index_cast %add3A_389 : i32 to index
        %get3A_399 = arith.index_cast %multiple_of3A_395 : i32 to index
        %get3A_400 = tpu.vector_load %arg7[%get3A_397, %get3A_398, %get3A_399] {strides = array<i32>} : memref<2x128x128xf32, #tpu.memory_space<vmem>>, vector<1x1x16xf32>,
        %get3A_401 = vector.shape_cast %get3A_400 : vector<1x1x16xf32> to vector<16xf32>
        %swap3A_402 = arith.constant 1 : i32
        %swap3A_403 = arith.index_cast %swap3A_402 : i32 to index
        %swap3A_404 = arith.index_cast %add3A_389 : i32 to index
        %swap3A_405 = arith.constant 0 : index
        %swap3A_406 = tpu.vector_load %arg8[%swap3A_403, %swap3A_404, %swap3A_405] {strides = array<i32>} : memref<2x128x64xf32, #tpu.memory_space<vmem>>, vector<1x1x16xf32>,
        %swap3A_407 = vector.shape_cast %swap3A_406 : vector<1x1x16xf32> to vector<16xf32>
        %swap3A_408 = vector.shape_cast %get3A_401 : vector<16xf32> to vector<1x1x16xf32>
        tpu.vector_store %arg8[%swap3A_403, %swap3A_404, %swap3A_405], %swap3A_408 {strides = array<i32>} : memref<2x128x64xf32, #tpu.memory_space<vmem>>, vector<1x1x16xf32>,
        %add3A_409 = arith.constant 16 : i32
        %add3A_410 = arith.addi %mul3A_392, %add3A_409 : i32
        %multiple_of3A_411 = tpu.assume_multiple %add3A_410, 16 : i32
        %get3A_412 = arith.constant 1 : i32
        %get3A_413 = arith.index_cast %get3A_412 : i32 to index
        %get3A_414 = arith.index_cast %add3A_389 : i32 to index
        %get3A_415 = arith.index_cast %multiple_of3A_411 : i32 to index
        %get3A_416 = tpu.vector_load %arg7[%get3A_413, %get3A_414, %get3A_415] {strides = array<i32>} : memref<2x128x128xf32, #tpu.memory_space<vmem>>, vector<1x1x16xf32>,
        %get3A_417 = vector.shape_cast %get3A_416 : vector<1x1x16xf32> to vector<16xf32>
        %swap3A_418 = arith.constant 1 : i32
        %swap3A_419 = arith.index_cast %swap3A_418 : i32 to index
        %swap3A_420 = arith.index_cast %add3A_389 : i32 to index
        %swap3A_421 = arith.constant 16 : index
        %swap3A_422 = tpu.vector_load %arg8[%swap3A_419, %swap3A_420, %swap3A_421] {strides = array<i32>} : memref<2x128x64xf32, #tpu.memory_space<vmem>>, vector<1x1x16xf32>,
        %swap3A_423 = vector.shape_cast %swap3A_422 : vector<1x1x16xf32> to vector<16xf32>
        %swap3A_424 = vector.shape_cast %get3A_417 : vector<16xf32> to vector<1x1x16xf32>
        tpu.vector_store %arg8[%swap3A_419, %swap3A_420, %swap3A_421], %swap3A_424 {strides = array<i32>} : memref<2x128x64xf32, #tpu.memory_space<vmem>>, vector<1x1x16xf32>,
        %add3A_425 = arith.constant 32 : i32
        %add3A_426 = arith.addi %mul3A_392, %add3A_425 : i32
        %multiple_of3A_427 = tpu.assume_multiple %add3A_426, 16 : i32
        %get3A_428 = arith.constant 1 : i32
        %get3A_429 = arith.index_cast %get3A_428 : i32 to index
        %get3A_430 = arith.index_cast %add3A_389 : i32 to index
        %get3A_431 = arith.index_cast %multiple_of3A_427 : i32 to index
        %get3A_432 = tpu.vector_load %arg7[%get3A_429, %get3A_430, %get3A_431] {strides = array<i32>} : memref<2x128x128xf32, #tpu.memory_space<vmem>>, vector<1x1x16xf32>,
        %get3A_433 = vector.shape_cast %get3A_432 : vector<1x1x16xf32> to vector<16xf32>
        %swap3A_434 = arith.constant 1 : i32
        %swap3A_435 = arith.index_cast %swap3A_434 : i32 to index
        %swap3A_436 = arith.index_cast %add3A_389 : i32 to index
        %swap3A_437 = arith.constant 32 : index
        %swap3A_438 = tpu.vector_load %arg8[%swap3A_435, %swap3A_436, %swap3A_437] {strides = array<i32>} : memref<2x128x64xf32, #tpu.memory_space<vmem>>, vector<1x1x16xf32>,
        %swap3A_439 = vector.shape_cast %swap3A_438 : vector<1x1x16xf32> to vector<16xf32>
        %swap3A_440 = vector.shape_cast %get3A_433 : vector<16xf32> to vector<1x1x16xf32>
        tpu.vector_store %arg8[%swap3A_435, %swap3A_436, %swap3A_437], %swap3A_440 {strides = array<i32>} : memref<2x128x64xf32, #tpu.memory_space<vmem>>, vector<1x1x16xf32>,
        %add3A_441 = arith.constant 48 : i32
        %add3A_442 = arith.addi %mul3A_392, %add3A_441 : i32
        %multiple_of3A_443 = tpu.assume_multiple %add3A_442, 16 : i32
        %get3A_444 = arith.constant 1 : i32
        %get3A_445 = arith.index_cast %get3A_444 : i32 to index
        %get3A_446 = arith.index_cast %add3A_389 : i32 to index
        %get3A_447 = arith.index_cast %multiple_of3A_443 : i32 to index
        %get3A_448 = tpu.vector_load %arg7[%get3A_445, %get3A_446, %get3A_447] {strides = array<i32>} : memref<2x128x128xf32, #tpu.memory_space<vmem>>, vector<1x1x16xf32>,
        %get3A_449 = vector.shape_cast %get3A_448 : vector<1x1x16xf32> to vector<16xf32>
        %swap3A_450 = arith.constant 1 : i32
        %swap3A_451 = arith.index_cast %swap3A_450 : i32 to index
        %swap3A_452 = arith.index_cast %add3A_389 : i32 to index
        %swap3A_453 = arith.constant 48 : index
        %swap3A_454 = tpu.vector_load %arg8[%swap3A_451, %swap3A_452, %swap3A_453] {strides = array<i32>} : memref<2x128x64xf32, #tpu.memory_space<vmem>>, vector<1x1x16xf32>,
        %swap3A_455 = vector.shape_cast %swap3A_454 : vector<1x1x16xf32> to vector<16xf32>
        %swap3A_456 = vector.shape_cast %get3A_449 : vector<16xf32> to vector<1x1x16xf32>
        tpu.vector_store %arg8[%swap3A_451, %swap3A_452, %swap3A_453], %swap3A_456 {strides = array<i32>} : memref<2x128x64xf32, #tpu.memory_space<vmem>>, vector<1x1x16xf32>,
        %add3A_457 = arith.constant 1 : i32
        %add3A_458 = arith.addi %multiple_of3A, %add3A_457 : i32
        %slice3A_459 = vector.extract_strided_slice %get3A_387 {offsets = [1], sizes = [1], strides = [1]} : vector<16xi32> to vector<1xi32>
        %squeeze3A_460 = vector.extract %slice3A_459[0] : i32 from vector<1xi32>
        %and3A_461 = arith.constant 1 : i32
        %and3A_462 = arith.andi %squeeze3A_460, %and3A_461 : i32
        %mul3A_463 = arith.constant 64 : i32
        %mul3A_464 = arith.muli %and3A_462, %mul3A_463 : i32
        %add3A_465 = arith.constant 0 : i32
        %add3A_466 = arith.addi %mul3A_464, %add3A_465 : i32
        %multiple_of3A_467 = tpu.assume_multiple %add3A_466, 16 : i32
        %get3A_468 = arith.constant 1 : i32
        %get3A_469 = arith.index_cast %get3A_468 : i32 to index
        %get3A_470 = arith.index_cast %add3A_458 : i32 to index
        %get3A_471 = arith.index_cast %multiple_of3A_467 : i32 to index
        %get3A_472 = tpu.vector_load %arg7[%get3A_469, %get3A_470, %get3A_471] {strides = array<i32>} : memref<2x128x128xf32, #tpu.memory_space<vmem>>, vector<1x1x16xf32>,
        %get3A_473 = vector.shape_cast %get3A_472 : vector<1x1x16xf32> to vector<16xf32>
        %swap3A_474 = arith.constant 1 : i32
        %swap3A_475 = arith.index_cast %swap3A_474 : i32 to index
        %swap3A_476 = arith.index_cast %add3A_458 : i32 to index
        %swap3A_477 = arith.constant 0 : index
        %swap3A_478 = tpu.vector_load %arg8[%swap3A_475, %swap3A_476, %swap3A_477] {strides = array<i32>} : memref<2x128x64xf32, #tpu.memory_space<vmem>>, vector<1x1x16xf32>,
        %swap3A_479 = vector.shape_cast %swap3A_478 : vector<1x1x16xf32> to vector<16xf32>
        %swap3A_480 = vector.shape_cast %get3A_473 : vector<16xf32> to vector<1x1x16xf32>
        tpu.vector_store %arg8[%swap3A_475, %swap3A_476, %swap3A_477], %swap3A_480 {strides = array<i32>} : memref<2x128x64xf32, #tpu.memory_space<vmem>>, vector<1x1x16xf32>,
        %add3A_481 = arith.constant 16 : i32
        %add3A_482 = arith.addi %mul3A_464, %add3A_481 : i32
        %multiple_of3A_483 = tpu.assume_multiple %add3A_482, 16 : i32
        %get3A_484 = arith.constant 1 : i32
        %get3A_485 = arith.index_cast %get3A_484 : i32 to index
        %get3A_486 = arith.index_cast %add3A_458 : i32 to index
        %get3A_487 = arith.index_cast %multiple_of3A_483 : i32 to index
        %get3A_488 = tpu.vector_load %arg7[%get3A_485, %get3A_486, %get3A_487] {strides = array<i32>} : memref<2x128x128xf32, #tpu.memory_space<vmem>>, vector<1x1x16xf32>,
        %get3A_489 = vector.shape_cast %get3A_488 : vector<1x1x16xf32> to vector<16xf32>
        %swap3A_490 = arith.constant 1 : i32
        %swap3A_491 = arith.index_cast %swap3A_490 : i32 to index
        %swap3A_492 = arith.index_cast %add3A_458 : i32 to index
        %swap3A_493 = arith.constant 16 : index
        %swap3A_494 = tpu.vector_load %arg8[%swap3A_491, %swap3A_492, %swap3A_493] {strides = array<i32>} : memref<2x128x64xf32, #tpu.memory_space<vmem>>, vector<1x1x16xf32>,
        %swap3A_495 = vector.shape_cast %swap3A_494 : vector<1x1x16xf32> to vector<16xf32>
        %swap3A_496 = vector.shape_cast %get3A_489 : vector<16xf32> to vector<1x1x16xf32>
        tpu.vector_store %arg8[%swap3A_491, %swap3A_492, %swap3A_493], %swap3A_496 {strides = array<i32>} : memref<2x128x64xf32, #tpu.memory_space<vmem>>, vector<1x1x16xf32>,
        %add3A_497 = arith.constant 32 : i32
        %add3A_498 = arith.addi %mul3A_464, %add3A_497 : i32
        %multiple_of3A_499 = tpu.assume_multiple %add3A_498, 16 : i32
        %get3A_500 = arith.constant 1 : i32
        %get3A_501 = arith.index_cast %get3A_500 : i32 to index
        %get3A_502 = arith.index_cast %add3A_458 : i32 to index
        %get3A_503 = arith.index_cast %multiple_of3A_499 : i32 to index
        %get3A_504 = tpu.vector_load %arg7[%get3A_501, %get3A_502, %get3A_503] {strides = array<i32>} : memref<2x128x128xf32, #tpu.memory_space<vmem>>, vector<1x1x16xf32>,
        %get3A_505 = vector.shape_cast %get3A_504 : vector<1x1x16xf32> to vector<16xf32>
        %swap3A_506 = arith.constant 1 : i32
        %swap3A_507 = arith.index_cast %swap3A_506 : i32 to index
        %swap3A_508 = arith.index_cast %add3A_458 : i32 to index
        %swap3A_509 = arith.constant 32 : index
        %swap3A_510 = tpu.vector_load %arg8[%swap3A_507, %swap3A_508, %swap3A_509] {strides = array<i32>} : memref<2x128x64xf32, #tpu.memory_space<vmem>>, vector<1x1x16xf32>,
        %swap3A_511 = vector.shape_cast %swap3A_510 : vector<1x1x16xf32> to vector<16xf32>
        %swap3A_512 = vector.shape_cast %get3A_505 : vector<16xf32> to vector<1x1x16xf32>
        tpu.vector_store %arg8[%swap3A_507, %swap3A_508, %swap3A_509], %swap3A_512 {strides = array<i32>} : memref<2x128x64xf32, #tpu.memory_space<vmem>>, vector<1x1x16xf32>,
        %add3A_513 = arith.constant 48 : i32
        %add3A_514 = arith.addi %mul3A_464, %add3A_513 : i32
        %multiple_of3A_515 = tpu.assume_multiple %add3A_514, 16 : i32
        %get3A_516 = arith.constant 1 : i32
        %get3A_517 = arith.index_cast %get3A_516 : i32 to index
        %get3A_518 = arith.index_cast %add3A_458 : i32 to index
        %get3A_519 = arith.index_cast %multiple_of3A_515 : i32 to index
        %get3A_520 = tpu.vector_load %arg7[%get3A_517, %get3A_518, %get3A_519] {strides = array<i32>} : memref<2x128x128xf32, #tpu.memory_space<vmem>>, vector<1x1x16xf32>,
        %get3A_521 = vector.shape_cast %get3A_520 : vector<1x1x16xf32> to vector<16xf32>
        %swap3A_522 = arith.constant 1 : i32
        %swap3A_523 = arith.index_cast %swap3A_522 : i32 to index
        %swap3A_524 = arith.index_cast %add3A_458 : i32 to index
        %swap3A_525 = arith.constant 48 : index
        %swap3A_526 = tpu.vector_load %arg8[%swap3A_523, %swap3A_524, %swap3A_525] {strides = array<i32>} : memref<2x128x64xf32, #tpu.memory_space<vmem>>, vector<1x1x16xf32>,
        %swap3A_527 = vector.shape_cast %swap3A_526 : vector<1x1x16xf32> to vector<16xf32>
        %swap3A_528 = vector.shape_cast %get3A_521 : vector<16xf32> to vector<1x1x16xf32>
        tpu.vector_store %arg8[%swap3A_523, %swap3A_524, %swap3A_525], %swap3A_528 {strides = array<i32>} : memref<2x128x64xf32, #tpu.memory_space<vmem>>, vector<1x1x16xf32>,
        %add3A_529 = arith.constant 2 : i32
        %add3A_530 = arith.addi %multiple_of3A, %add3A_529 : i32
        %slice3A_531 = vector.extract_strided_slice %get3A_387 {offsets = [2], sizes = [1], strides = [1]} : vector<16xi32> to vector<1xi32>
        %squeeze3A_532 = vector.extract %slice3A_531[0] : i32 from vector<1xi32>
        %and3A_533 = arith.constant 1 : i32
        %and3A_534 = arith.andi %squeeze3A_532, %and3A_533 : i32
        %mul3A_535 = arith.constant 64 : i32
        %mul3A_536 = arith.muli %and3A_534, %mul3A_535 : i32
        %add3A_537 = arith.constant 0 : i32
        %add3A_538 = arith.addi %mul3A_536, %add3A_537 : i32
        %multiple_of3A_539 = tpu.assume_multiple %add3A_538, 16 : i32
        %get3A_540 = arith.constant 1 : i32
        %get3A_541 = arith.index_cast %get3A_540 : i32 to index
        %get3A_542 = arith.index_cast %add3A_530 : i32 to index
        %get3A_543 = arith.index_cast %multiple_of3A_539 : i32 to index
        %get3A_544 = tpu.vector_load %arg7[%get3A_541, %get3A_542, %get3A_543] {strides = array<i32>} : memref<2x128x128xf32, #tpu.memory_space<vmem>>, vector<1x1x16xf32>,
        %get3A_545 = vector.shape_cast %get3A_544 : vector<1x1x16xf32> to vector<16xf32>
        %swap3A_546 = arith.constant 1 : i32
        %swap3A_547 = arith.index_cast %swap3A_546 : i32 to index
        %swap3A_548 = arith.index_cast %add3A_530 : i32 to index
        %swap3A_549 = arith.constant 0 : index
        %swap3A_550 = tpu.vector_load %arg8[%swap3A_547, %swap3A_548, %swap3A_549] {strides = array<i32>} : memref<2x128x64xf32, #tpu.memory_space<vmem>>, vector<1x1x16xf32>,
        %swap3A_551 = vector.shape_cast %swap3A_550 : vector<1x1x16xf32> to vector<16xf32>
        %swap3A_552 = vector.shape_cast %get3A_545 : vector<16xf32> to vector<1x1x16xf32>
        tpu.vector_store %arg8[%swap3A_547, %swap3A_548, %swap3A_549], %swap3A_552 {strides = array<i32>} : memref<2x128x64xf32, #tpu.memory_space<vmem>>, vector<1x1x16xf32>,
        %add3A_553 = arith.constant 16 : i32
        %add3A_554 = arith.addi %mul3A_536, %add3A_553 : i32
        %multiple_of3A_555 = tpu.assume_multiple %add3A_554, 16 : i32
        %get3A_556 = arith.constant 1 : i32
        %get3A_557 = arith.index_cast %get3A_556 : i32 to index
        %get3A_558 = arith.index_cast %add3A_530 : i32 to index
        %get3A_559 = arith.index_cast %multiple_of3A_555 : i32 to index
        %get3A_560 = tpu.vector_load %arg7[%get3A_557, %get3A_558, %get3A_559] {strides = array<i32>} : memref<2x128x128xf32, #tpu.memory_space<vmem>>, vector<1x1x16xf32>,
        %get3A_561 = vector.shape_cast %get3A_560 : vector<1x1x16xf32> to vector<16xf32>
        %swap3A_562 = arith.constant 1 : i32
        %swap3A_563 = arith.index_cast %swap3A_562 : i32 to index
        %swap3A_564 = arith.index_cast %add3A_530 : i32 to index
        %swap3A_565 = arith.constant 16 : index
        %swap3A_566 = tpu.vector_load %arg8[%swap3A_563, %swap3A_564, %swap3A_565] {strides = array<i32>} : memref<2x128x64xf32, #tpu.memory_space<vmem>>, vector<1x1x16xf32>,
        %swap3A_567 = vector.shape_cast %swap3A_566 : vector<1x1x16xf32> to vector<16xf32>
        %swap3A_568 = vector.shape_cast %get3A_561 : vector<16xf32> to vector<1x1x16xf32>
        tpu.vector_store %arg8[%swap3A_563, %swap3A_564, %swap3A_565], %swap3A_568 {strides = array<i32>} : memref<2x128x64xf32, #tpu.memory_space<vmem>>, vector<1x1x16xf32>,
        %add3A_569 = arith.constant 32 : i32
        %add3A_570 = arith.addi %mul3A_536, %add3A_569 : i32
        %multiple_of3A_571 = tpu.assume_multiple %add3A_570, 16 : i32
        %get3A_572 = arith.constant 1 : i32
        %get3A_573 = arith.index_cast %get3A_572 : i32 to index
        %get3A_574 = arith.index_cast %add3A_530 : i32 to index
        %get3A_575 = arith.index_cast %multiple_of3A_571 : i32 to index
        %get3A_576 = tpu.vector_load %arg7[%get3A_573, %get3A_574, %get3A_575] {strides = array<i32>} : memref<2x128x128xf32, #tpu.memory_space<vmem>>, vector<1x1x16xf32>,
        %get3A_577 = vector.shape_cast %get3A_576 : vector<1x1x16xf32> to vector<16xf32>
        %swap3A_578 = arith.constant 1 : i32
        %swap3A_579 = arith.index_cast %swap3A_578 : i32 to index
        %swap3A_580 = arith.index_cast %add3A_530 : i32 to index
        %swap3A_581 = arith.constant 32 : index
        %swap3A_582 = tpu.vector_load %arg8[%swap3A_579, %swap3A_580, %swap3A_581] {strides = array<i32>} : memref<2x128x64xf32, #tpu.memory_space<vmem>>, vector<1x1x16xf32>,
        %swap3A_583 = vector.shape_cast %swap3A_582 : vector<1x1x16xf32> to vector<16xf32>
        %swap3A_584 = vector.shape_cast %get3A_577 : vector<16xf32> to vector<1x1x16xf32>
        tpu.vector_store %arg8[%swap3A_579, %swap3A_580, %swap3A_581], %swap3A_584 {strides = array<i32>} : memref<2x128x64xf32, #tpu.memory_space<vmem>>, vector<1x1x16xf32>,
        %add3A_585 = arith.constant 48 : i32
        %add3A_586 = arith.addi %mul3A_536, %add3A_585 : i32
        %multiple_of3A_587 = tpu.assume_multiple %add3A_586, 16 : i32
        %get3A_588 = arith.constant 1 : i32
        %get3A_589 = arith.index_cast %get3A_588 : i32 to index
        %get3A_590 = arith.index_cast %add3A_530 : i32 to index
        %get3A_591 = arith.index_cast %multiple_of3A_587 : i32 to index
        %get3A_592 = tpu.vector_load %arg7[%get3A_589, %get3A_590, %get3A_591] {strides = array<i32>} : memref<2x128x128xf32, #tpu.memory_space<vmem>>, vector<1x1x16xf32>,
        %get3A_593 = vector.shape_cast %get3A_592 : vector<1x1x16xf32> to vector<16xf32>
        %swap3A_594 = arith.constant 1 : i32
        %swap3A_595 = arith.index_cast %swap3A_594 : i32 to index
        %swap3A_596 = arith.index_cast %add3A_530 : i32 to index
        %swap3A_597 = arith.constant 48 : index
        %swap3A_598 = tpu.vector_load %arg8[%swap3A_595, %swap3A_596, %swap3A_597] {strides = array<i32>} : memref<2x128x64xf32, #tpu.memory_space<vmem>>, vector<1x1x16xf32>,
        %swap3A_599 = vector.shape_cast %swap3A_598 : vector<1x1x16xf32> to vector<16xf32>
        %swap3A_600 = vector.shape_cast %get3A_593 : vector<16xf32> to vector<1x1x16xf32>
        tpu.vector_store %arg8[%swap3A_595, %swap3A_596, %swap3A_597], %swap3A_600 {strides = array<i32>} : memref<2x128x64xf32, #tpu.memory_space<vmem>>, vector<1x1x16xf32>,
        %add3A_601 = arith.constant 3 : i32
        %add3A_602 = arith.addi %multiple_of3A, %add3A_601 : i32
        %slice3A_603 = vector.extract_strided_slice %get3A_387 {offsets = [3], sizes = [1], strides = [1]} : vector<16xi32> to vector<1xi32>
        %squeeze3A_604 = vector.extract %slice3A_603[0] : i32 from vector<1xi32>
        %and3A_605 = arith.constant 1 : i32
        %and3A_606 = arith.andi %squeeze3A_604, %and3A_605 : i32
        %mul3A_607 = arith.constant 64 : i32
        %mul3A_608 = arith.muli %and3A_606, %mul3A_607 : i32
        %add3A_609 = arith.constant 0 : i32
        %add3A_610 = arith.addi %mul3A_608, %add3A_609 : i32
        %multiple_of3A_611 = tpu.assume_multiple %add3A_610, 16 : i32
        %get3A_612 = arith.constant 1 : i32
        %get3A_613 = arith.index_cast %get3A_612 : i32 to index
        %get3A_614 = arith.index_cast %add3A_602 : i32 to index
        %get3A_615 = arith.index_cast %multiple_of3A_611 : i32 to index
        %get3A_616 = tpu.vector_load %arg7[%get3A_613, %get3A_614, %get3A_615] {strides = array<i32>} : memref<2x128x128xf32, #tpu.memory_space<vmem>>, vector<1x1x16xf32>,
        %get3A_617 = vector.shape_cast %get3A_616 : vector<1x1x16xf32> to vector<16xf32>
        %swap3A_618 = arith.constant 1 : i32
        %swap3A_619 = arith.index_cast %swap3A_618 : i32 to index
        %swap3A_620 = arith.index_cast %add3A_602 : i32 to index
        %swap3A_621 = arith.constant 0 : index
        %swap3A_622 = tpu.vector_load %arg8[%swap3A_619, %swap3A_620, %swap3A_621] {strides = array<i32>} : memref<2x128x64xf32, #tpu.memory_space<vmem>>, vector<1x1x16xf32>,
        %swap3A_623 = vector.shape_cast %swap3A_622 : vector<1x1x16xf32> to vector<16xf32>
        %swap3A_624 = vector.shape_cast %get3A_617 : vector<16xf32> to vector<1x1x16xf32>
        tpu.vector_store %arg8[%swap3A_619, %swap3A_620, %swap3A_621], %swap3A_624 {strides = array<i32>} : memref<2x128x64xf32, #tpu.memory_space<vmem>>, vector<1x1x16xf32>,
        %add3A_625 = arith.constant 16 : i32
        %add3A_626 = arith.addi %mul3A_608, %add3A_625 : i32
        %multiple_of3A_627 = tpu.assume_multiple %add3A_626, 16 : i32
        %get3A_628 = arith.constant 1 : i32
        %get3A_629 = arith.index_cast %get3A_628 : i32 to index
        %get3A_630 = arith.index_cast %add3A_602 : i32 to index
        %get3A_631 = arith.index_cast %multiple_of3A_627 : i32 to index
        %get3A_632 = tpu.vector_load %arg7[%get3A_629, %get3A_630, %get3A_631] {strides = array<i32>} : memref<2x128x128xf32, #tpu.memory_space<vmem>>, vector<1x1x16xf32>,
        %get3A_633 = vector.shape_cast %get3A_632 : vector<1x1x16xf32> to vector<16xf32>
        %swap3A_634 = arith.constant 1 : i32
        %swap3A_635 = arith.index_cast %swap3A_634 : i32 to index
        %swap3A_636 = arith.index_cast %add3A_602 : i32 to index
        %swap3A_637 = arith.constant 16 : index
        %swap3A_638 = tpu.vector_load %arg8[%swap3A_635, %swap3A_636, %swap3A_637] {strides = array<i32>} : memref<2x128x64xf32, #tpu.memory_space<vmem>>, vector<1x1x16xf32>,
        %swap3A_639 = vector.shape_cast %swap3A_638 : vector<1x1x16xf32> to vector<16xf32>
        %swap3A_640 = vector.shape_cast %get3A_633 : vector<16xf32> to vector<1x1x16xf32>
        tpu.vector_store %arg8[%swap3A_635, %swap3A_636, %swap3A_637], %swap3A_640 {strides = array<i32>} : memref<2x128x64xf32, #tpu.memory_space<vmem>>, vector<1x1x16xf32>,
        %add3A_641 = arith.constant 32 : i32
        %add3A_642 = arith.addi %mul3A_608, %add3A_641 : i32
        %multiple_of3A_643 = tpu.assume_multiple %add3A_642, 16 : i32
        %get3A_644 = arith.constant 1 : i32
        %get3A_645 = arith.index_cast %get3A_644 : i32 to index
        %get3A_646 = arith.index_cast %add3A_602 : i32 to index
        %get3A_647 = arith.index_cast %multiple_of3A_643 : i32 to index
        %get3A_648 = tpu.vector_load %arg7[%get3A_645, %get3A_646, %get3A_647] {strides = array<i32>} : memref<2x128x128xf32, #tpu.memory_space<vmem>>, vector<1x1x16xf32>,
        %get3A_649 = vector.shape_cast %get3A_648 : vector<1x1x16xf32> to vector<16xf32>
        %swap3A_650 = arith.constant 1 : i32
        %swap3A_651 = arith.index_cast %swap3A_650 : i32 to index
        %swap3A_652 = arith.index_cast %add3A_602 : i32 to index
        %swap3A_653 = arith.constant 32 : index
        %swap3A_654 = tpu.vector_load %arg8[%swap3A_651, %swap3A_652, %swap3A_653] {strides = array<i32>} : memref<2x128x64xf32, #tpu.memory_space<vmem>>, vector<1x1x16xf32>,
        %swap3A_655 = vector.shape_cast %swap3A_654 : vector<1x1x16xf32> to vector<16xf32>
        %swap3A_656 = vector.shape_cast %get3A_649 : vector<16xf32> to vector<1x1x16xf32>
        tpu.vector_store %arg8[%swap3A_651, %swap3A_652, %swap3A_653], %swap3A_656 {strides = array<i32>} : memref<2x128x64xf32, #tpu.memory_space<vmem>>, vector<1x1x16xf32>,
        %add3A_657 = arith.constant 48 : i32
        %add3A_658 = arith.addi %mul3A_608, %add3A_657 : i32
        %multiple_of3A_659 = tpu.assume_multiple %add3A_658, 16 : i32
        %get3A_660 = arith.constant 1 : i32
        %get3A_661 = arith.index_cast %get3A_660 : i32 to index
        %get3A_662 = arith.index_cast %add3A_602 : i32 to index
        %get3A_663 = arith.index_cast %multiple_of3A_659 : i32 to index
        %get3A_664 = tpu.vector_load %arg7[%get3A_661, %get3A_662, %get3A_663] {strides = array<i32>} : memref<2x128x128xf32, #tpu.memory_space<vmem>>, vector<1x1x16xf32>,
        %get3A_665 = vector.shape_cast %get3A_664 : vector<1x1x16xf32> to vector<16xf32>
        %swap3A_666 = arith.constant 1 : i32
        %swap3A_667 = arith.index_cast %swap3A_666 : i32 to index
        %swap3A_668 = arith.index_cast %add3A_602 : i32 to index
        %swap3A_669 = arith.constant 48 : index
        %swap3A_670 = tpu.vector_load %arg8[%swap3A_667, %swap3A_668, %swap3A_669] {strides = array<i32>} : memref<2x128x64xf32, #tpu.memory_space<vmem>>, vector<1x1x16xf32>,
        %swap3A_671 = vector.shape_cast %swap3A_670 : vector<1x1x16xf32> to vector<16xf32>
        %swap3A_672 = vector.shape_cast %get3A_665 : vector<16xf32> to vector<1x1x16xf32>
        tpu.vector_store %arg8[%swap3A_667, %swap3A_668, %swap3A_669], %swap3A_672 {strides = array<i32>} : memref<2x128x64xf32, #tpu.memory_space<vmem>>, vector<1x1x16xf32>,
        %add3A_673 = arith.constant 4 : i32
        %add3A_674 = arith.addi %multiple_of3A, %add3A_673 : i32
        %slice3A_675 = vector.extract_strided_slice %get3A_387 {offsets = [4], sizes = [1], strides = [1]} : vector<16xi32> to vector<1xi32>
        %squeeze3A_676 = vector.extract %slice3A_675[0] : i32 from vector<1xi32>
        %and3A_677 = arith.constant 1 : i32
        %and3A_678 = arith.andi %squeeze3A_676, %and3A_677 : i32
        %mul3A_679 = arith.constant 64 : i32
        %mul3A_680 = arith.muli %and3A_678, %mul3A_679 : i32
        %add3A_681 = arith.constant 0 : i32
        %add3A_682 = arith.addi %mul3A_680, %add3A_681 : i32
        %multiple_of3A_683 = tpu.assume_multiple %add3A_682, 16 : i32
        %get3A_684 = arith.constant 1 : i32
        %get3A_685 = arith.index_cast %get3A_684 : i32 to index
        %get3A_686 = arith.index_cast %add3A_674 : i32 to index
        %get3A_687 = arith.index_cast %multiple_of3A_683 : i32 to index
        %get3A_688 = tpu.vector_load %arg7[%get3A_685, %get3A_686, %get3A_687] {strides = array<i32>} : memref<2x128x128xf32, #tpu.memory_space<vmem>>, vector<1x1x16xf32>,
        %get3A_689 = vector.shape_cast %get3A_688 : vector<1x1x16xf32> to vector<16xf32>
        %swap3A_690 = arith.constant 1 : i32
        %swap3A_691 = arith.index_cast %swap3A_690 : i32 to index
        %swap3A_692 = arith.index_cast %add3A_674 : i32 to index
        %swap3A_693 = arith.constant 0 : index
        %swap3A_694 = tpu.vector_load %arg8[%swap3A_691, %swap3A_692, %swap3A_693] {strides = array<i32>} : memref<2x128x64xf32, #tpu.memory_space<vmem>>, vector<1x1x16xf32>,
        %swap3A_695 = vector.shape_cast %swap3A_694 : vector<1x1x16xf32> to vector<16xf32>
        %swap3A_696 = vector.shape_cast %get3A_689 : vector<16xf32> to vector<1x1x16xf32>
        tpu.vector_store %arg8[%swap3A_691, %swap3A_692, %swap3A_693], %swap3A_696 {strides = array<i32>} : memref<2x128x64xf32, #tpu.memory_space<vmem>>, vector<1x1x16xf32>,
        %add3A_697 = arith.constant 16 : i32
        %add3A_698 = arith.addi %mul3A_680, %add3A_697 : i32
        %multiple_of3A_699 = tpu.assume_multiple %add3A_698, 16 : i32
        %get3A_700 = arith.constant 1 : i32
        %get3A_701 = arith.index_cast %get3A_700 : i32 to index
        %get3A_702 = arith.index_cast %add3A_674 : i32 to index
        %get3A_703 = arith.index_cast %multiple_of3A_699 : i32 to index
        %get3A_704 = tpu.vector_load %arg7[%get3A_701, %get3A_702, %get3A_703] {strides = array<i32>} : memref<2x128x128xf32, #tpu.memory_space<vmem>>, vector<1x1x16xf32>,
        %get3A_705 = vector.shape_cast %get3A_704 : vector<1x1x16xf32> to vector<16xf32>
        %swap3A_706 = arith.constant 1 : i32
        %swap3A_707 = arith.index_cast %swap3A_706 : i32 to index
        %swap3A_708 = arith.index_cast %add3A_674 : i32 to index
        %swap3A_709 = arith.constant 16 : index
        %swap3A_710 = tpu.vector_load %arg8[%swap3A_707, %swap3A_708, %swap3A_709] {strides = array<i32>} : memref<2x128x64xf32, #tpu.memory_space<vmem>>, vector<1x1x16xf32>,
        %swap3A_711 = vector.shape_cast %swap3A_710 : vector<1x1x16xf32> to vector<16xf32>
        %swap3A_712 = vector.shape_cast %get3A_705 : vector<16xf32> to vector<1x1x16xf32>
        tpu.vector_store %arg8[%swap3A_707, %swap3A_708, %swap3A_709], %swap3A_712 {strides = array<i32>} : memref<2x128x64xf32, #tpu.memory_space<vmem>>, vector<1x1x16xf32>,
        %add3A_713 = arith.constant 32 : i32
        %add3A_714 = arith.addi %mul3A_680, %add3A_713 : i32
        %multiple_of3A_715 = tpu.assume_multiple %add3A_714, 16 : i32
        %get3A_716 = arith.constant 1 : i32
        %get3A_717 = arith.index_cast %get3A_716 : i32 to index
        %get3A_718 = arith.index_cast %add3A_674 : i32 to index
        %get3A_719 = arith.index_cast %multiple_of3A_715 : i32 to index
        %get3A_720 = tpu.vector_load %arg7[%get3A_717, %get3A_718, %get3A_719] {strides = array<i32>} : memref<2x128x128xf32, #tpu.memory_space<vmem>>, vector<1x1x16xf32>,
        %get3A_721 = vector.shape_cast %get3A_720 : vector<1x1x16xf32> to vector<16xf32>
        %swap3A_722 = arith.constant 1 : i32
        %swap3A_723 = arith.index_cast %swap3A_722 : i32 to index
        %swap3A_724 = arith.index_cast %add3A_674 : i32 to index
        %swap3A_725 = arith.constant 32 : index
        %swap3A_726 = tpu.vector_load %arg8[%swap3A_723, %swap3A_724, %swap3A_725] {strides = array<i32>} : memref<2x128x64xf32, #tpu.memory_space<vmem>>, vector<1x1x16xf32>,
        %swap3A_727 = vector.shape_cast %swap3A_726 : vector<1x1x16xf32> to vector<16xf32>
        %swap3A_728 = vector.shape_cast %get3A_721 : vector<16xf32> to vector<1x1x16xf32>
        tpu.vector_store %arg8[%swap3A_723, %swap3A_724, %swap3A_725], %swap3A_728 {strides = array<i32>} : memref<2x128x64xf32, #tpu.memory_space<vmem>>, vector<1x1x16xf32>,
        %add3A_729 = arith.constant 48 : i32
        %add3A_730 = arith.addi %mul3A_680, %add3A_729 : i32
        %multiple_of3A_731 = tpu.assume_multiple %add3A_730, 16 : i32
        %get3A_732 = arith.constant 1 : i32
        %get3A_733 = arith.index_cast %get3A_732 : i32 to index
        %get3A_734 = arith.index_cast %add3A_674 : i32 to index
        %get3A_735 = arith.index_cast %multiple_of3A_731 : i32 to index
        %get3A_736 = tpu.vector_load %arg7[%get3A_733, %get3A_734, %get3A_735] {strides = array<i32>} : memref<2x128x128xf32, #tpu.memory_space<vmem>>, vector<1x1x16xf32>,
        %get3A_737 = vector.shape_cast %get3A_736 : vector<1x1x16xf32> to vector<16xf32>
        %swap3A_738 = arith.constant 1 : i32
        %swap3A_739 = arith.index_cast %swap3A_738 : i32 to index
        %swap3A_740 = arith.index_cast %add3A_674 : i32 to index
        %swap3A_741 = arith.constant 48 : index
        %swap3A_742 = tpu.vector_load %arg8[%swap3A_739, %swap3A_740, %swap3A_741] {strides = array<i32>} : memref<2x128x64xf32, #tpu.memory_space<vmem>>, vector<1x1x16xf32>,
        %swap3A_743 = vector.shape_cast %swap3A_742 : vector<1x1x16xf32> to vector<16xf32>
        %swap3A_744 = vector.shape_cast %get3A_737 : vector<16xf32> to vector<1x1x16xf32>
        tpu.vector_store %arg8[%swap3A_739, %swap3A_740, %swap3A_741], %swap3A_744 {strides = array<i32>} : memref<2x128x64xf32, #tpu.memory_space<vmem>>, vector<1x1x16xf32>,
        %add3A_745 = arith.constant 5 : i32
        %add3A_746 = arith.addi %multiple_of3A, %add3A_745 : i32
        %slice3A_747 = vector.extract_strided_slice %get3A_387 {offsets = [5], sizes = [1], strides = [1]} : vector<16xi32> to vector<1xi32>
        %squeeze3A_748 = vector.extract %slice3A_747[0] : i32 from vector<1xi32>
        %and3A_749 = arith.constant 1 : i32
        %and3A_750 = arith.andi %squeeze3A_748, %and3A_749 : i32
        %mul3A_751 = arith.constant 64 : i32
        %mul3A_752 = arith.muli %and3A_750, %mul3A_751 : i32
        %add3A_753 = arith.constant 0 : i32
        %add3A_754 = arith.addi %mul3A_752, %add3A_753 : i32
        %multiple_of3A_755 = tpu.assume_multiple %add3A_754, 16 : i32
        %get3A_756 = arith.constant 1 : i32
        %get3A_757 = arith.index_cast %get3A_756 : i32 to index
        %get3A_758 = arith.index_cast %add3A_746 : i32 to index
        %get3A_759 = arith.index_cast %multiple_of3A_755 : i32 to index
        %get3A_760 = tpu.vector_load %arg7[%get3A_757, %get3A_758, %get3A_759] {strides = array<i32>} : memref<2x128x128xf32, #tpu.memory_space<vmem>>, vector<1x1x16xf32>,
        %get3A_761 = vector.shape_cast %get3A_760 : vector<1x1x16xf32> to vector<16xf32>
        %swap3A_762 = arith.constant 1 : i32
        %swap3A_763 = arith.index_cast %swap3A_762 : i32 to index
        %swap3A_764 = arith.index_cast %add3A_746 : i32 to index
        %swap3A_765 = arith.constant 0 : index
        %swap3A_766 = tpu.vector_load %arg8[%swap3A_763, %swap3A_764, %swap3A_765] {strides = array<i32>} : memref<2x128x64xf32, #tpu.memory_space<vmem>>, vector<1x1x16xf32>,
        %swap3A_767 = vector.shape_cast %swap3A_766 : vector<1x1x16xf32> to vector<16xf32>
        %swap3A_768 = vector.shape_cast %get3A_761 : vector<16xf32> to vector<1x1x16xf32>
        tpu.vector_store %arg8[%swap3A_763, %swap3A_764, %swap3A_765], %swap3A_768 {strides = array<i32>} : memref<2x128x64xf32, #tpu.memory_space<vmem>>, vector<1x1x16xf32>,
        %add3A_769 = arith.constant 16 : i32
        %add3A_770 = arith.addi %mul3A_752, %add3A_769 : i32
        %multiple_of3A_771 = tpu.assume_multiple %add3A_770, 16 : i32
        %get3A_772 = arith.constant 1 : i32
        %get3A_773 = arith.index_cast %get3A_772 : i32 to index
        %get3A_774 = arith.index_cast %add3A_746 : i32 to index
        %get3A_775 = arith.index_cast %multiple_of3A_771 : i32 to index
        %get3A_776 = tpu.vector_load %arg7[%get3A_773, %get3A_774, %get3A_775] {strides = array<i32>} : memref<2x128x128xf32, #tpu.memory_space<vmem>>, vector<1x1x16xf32>,
        %get3A_777 = vector.shape_cast %get3A_776 : vector<1x1x16xf32> to vector<16xf32>
        %swap3A_778 = arith.constant 1 : i32
        %swap3A_779 = arith.index_cast %swap3A_778 : i32 to index
        %swap3A_780 = arith.index_cast %add3A_746 : i32 to index
        %swap3A_781 = arith.constant 16 : index
        %swap3A_782 = tpu.vector_load %arg8[%swap3A_779, %swap3A_780, %swap3A_781] {strides = array<i32>} : memref<2x128x64xf32, #tpu.memory_space<vmem>>, vector<1x1x16xf32>,
        %swap3A_783 = vector.shape_cast %swap3A_782 : vector<1x1x16xf32> to vector<16xf32>
        %swap3A_784 = vector.shape_cast %get3A_777 : vector<16xf32> to vector<1x1x16xf32>
        tpu.vector_store %arg8[%swap3A_779, %swap3A_780, %swap3A_781], %swap3A_784 {strides = array<i32>} : memref<2x128x64xf32, #tpu.memory_space<vmem>>, vector<1x1x16xf32>,
        %add3A_785 = arith.constant 32 : i32
        %add3A_786 = arith.addi %mul3A_752, %add3A_785 : i32
        %multiple_of3A_787 = tpu.assume_multiple %add3A_786, 16 : i32
        %get3A_788 = arith.constant 1 : i32
        %get3A_789 = arith.index_cast %get3A_788 : i32 to index
        %get3A_790 = arith.index_cast %add3A_746 : i32 to index
        %get3A_791 = arith.index_cast %multiple_of3A_787 : i32 to index
        %get3A_792 = tpu.vector_load %arg7[%get3A_789, %get3A_790, %get3A_791] {strides = array<i32>} : memref<2x128x128xf32, #tpu.memory_space<vmem>>, vector<1x1x16xf32>,
        %get3A_793 = vector.shape_cast %get3A_792 : vector<1x1x16xf32> to vector<16xf32>
        %swap3A_794 = arith.constant 1 : i32
        %swap3A_795 = arith.index_cast %swap3A_794 : i32 to index
        %swap3A_796 = arith.index_cast %add3A_746 : i32 to index
        %swap3A_797 = arith.constant 32 : index
        %swap3A_798 = tpu.vector_load %arg8[%swap3A_795, %swap3A_796, %swap3A_797] {strides = array<i32>} : memref<2x128x64xf32, #tpu.memory_space<vmem>>, vector<1x1x16xf32>,
        %swap3A_799 = vector.shape_cast %swap3A_798 : vector<1x1x16xf32> to vector<16xf32>
        %swap3A_800 = vector.shape_cast %get3A_793 : vector<16xf32> to vector<1x1x16xf32>
        tpu.vector_store %arg8[%swap3A_795, %swap3A_796, %swap3A_797], %swap3A_800 {strides = array<i32>} : memref<2x128x64xf32, #tpu.memory_space<vmem>>, vector<1x1x16xf32>,
        %add3A_801 = arith.constant 48 : i32
        %add3A_802 = arith.addi %mul3A_752, %add3A_801 : i32
        %multiple_of3A_803 = tpu.assume_multiple %add3A_802, 16 : i32
        %get3A_804 = arith.constant 1 : i32
        %get3A_805 = arith.index_cast %get3A_804 : i32 to index
        %get3A_806 = arith.index_cast %add3A_746 : i32 to index
        %get3A_807 = arith.index_cast %multiple_of3A_803 : i32 to index
        %get3A_808 = tpu.vector_load %arg7[%get3A_805, %get3A_806, %get3A_807] {strides = array<i32>} : memref<2x128x128xf32, #tpu.memory_space<vmem>>, vector<1x1x16xf32>,
        %get3A_809 = vector.shape_cast %get3A_808 : vector<1x1x16xf32> to vector<16xf32>
        %swap3A_810 = arith.constant 1 : i32
        %swap3A_811 = arith.index_cast %swap3A_810 : i32 to index
        %swap3A_812 = arith.index_cast %add3A_746 : i32 to index
        %swap3A_813 = arith.constant 48 : index
        %swap3A_814 = tpu.vector_load %arg8[%swap3A_811, %swap3A_812, %swap3A_813] {strides = array<i32>} : memref<2x128x64xf32, #tpu.memory_space<vmem>>, vector<1x1x16xf32>,
        %swap3A_815 = vector.shape_cast %swap3A_814 : vector<1x1x16xf32> to vector<16xf32>
        %swap3A_816 = vector.shape_cast %get3A_809 : vector<16xf32> to vector<1x1x16xf32>
        tpu.vector_store %arg8[%swap3A_811, %swap3A_812, %swap3A_813], %swap3A_816 {strides = array<i32>} : memref<2x128x64xf32, #tpu.memory_space<vmem>>, vector<1x1x16xf32>,
        %add3A_817 = arith.constant 6 : i32
        %add3A_818 = arith.addi %multiple_of3A, %add3A_817 : i32
        %slice3A_819 = vector.extract_strided_slice %get3A_387 {offsets = [6], sizes = [1], strides = [1]} : vector<16xi32> to vector<1xi32>
        %squeeze3A_820 = vector.extract %slice3A_819[0] : i32 from vector<1xi32>
        %and3A_821 = arith.constant 1 : i32
        %and3A_822 = arith.andi %squeeze3A_820, %and3A_821 : i32
        %mul3A_823 = arith.constant 64 : i32
        %mul3A_824 = arith.muli %and3A_822, %mul3A_823 : i32
        %add3A_825 = arith.constant 0 : i32
        %add3A_826 = arith.addi %mul3A_824, %add3A_825 : i32
        %multiple_of3A_827 = tpu.assume_multiple %add3A_826, 16 : i32
        %get3A_828 = arith.constant 1 : i32
        %get3A_829 = arith.index_cast %get3A_828 : i32 to index
        %get3A_830 = arith.index_cast %add3A_818 : i32 to index
        %get3A_831 = arith.index_cast %multiple_of3A_827 : i32 to index
        %get3A_832 = tpu.vector_load %arg7[%get3A_829, %get3A_830, %get3A_831] {strides = array<i32>} : memref<2x128x128xf32, #tpu.memory_space<vmem>>, vector<1x1x16xf32>,
        %get3A_833 = vector.shape_cast %get3A_832 : vector<1x1x16xf32> to vector<16xf32>
        %swap3A_834 = arith.constant 1 : i32
        %swap3A_835 = arith.index_cast %swap3A_834 : i32 to index
        %swap3A_836 = arith.index_cast %add3A_818 : i32 to index
        %swap3A_837 = arith.constant 0 : index
        %swap3A_838 = tpu.vector_load %arg8[%swap3A_835, %swap3A_836, %swap3A_837] {strides = array<i32>} : memref<2x128x64xf32, #tpu.memory_space<vmem>>, vector<1x1x16xf32>,
        %swap3A_839 = vector.shape_cast %swap3A_838 : vector<1x1x16xf32> to vector<16xf32>
        %swap3A_840 = vector.shape_cast %get3A_833 : vector<16xf32> to vector<1x1x16xf32>
        tpu.vector_store %arg8[%swap3A_835, %swap3A_836, %swap3A_837], %swap3A_840 {strides = array<i32>} : memref<2x128x64xf32, #tpu.memory_space<vmem>>, vector<1x1x16xf32>,
        %add3A_841 = arith.constant 16 : i32
        %add3A_842 = arith.addi %mul3A_824, %add3A_841 : i32
        %multiple_of3A_843 = tpu.assume_multiple %add3A_842, 16 : i32
        %get3A_844 = arith.constant 1 : i32
        %get3A_845 = arith.index_cast %get3A_844 : i32 to index
        %get3A_846 = arith.index_cast %add3A_818 : i32 to index
        %get3A_847 = arith.index_cast %multiple_of3A_843 : i32 to index
        %get3A_848 = tpu.vector_load %arg7[%get3A_845, %get3A_846, %get3A_847] {strides = array<i32>} : memref<2x128x128xf32, #tpu.memory_space<vmem>>, vector<1x1x16xf32>,
        %get3A_849 = vector.shape_cast %get3A_848 : vector<1x1x16xf32> to vector<16xf32>
        %swap3A_850 = arith.constant 1 : i32
        %swap3A_851 = arith.index_cast %swap3A_850 : i32 to index
        %swap3A_852 = arith.index_cast %add3A_818 : i32 to index
        %swap3A_853 = arith.constant 16 : index
        %swap3A_854 = tpu.vector_load %arg8[%swap3A_851, %swap3A_852, %swap3A_853] {strides = array<i32>} : memref<2x128x64xf32, #tpu.memory_space<vmem>>, vector<1x1x16xf32>,
        %swap3A_855 = vector.shape_cast %swap3A_854 : vector<1x1x16xf32> to vector<16xf32>
        %swap3A_856 = vector.shape_cast %get3A_849 : vector<16xf32> to vector<1x1x16xf32>
        tpu.vector_store %arg8[%swap3A_851, %swap3A_852, %swap3A_853], %swap3A_856 {strides = array<i32>} : memref<2x128x64xf32, #tpu.memory_space<vmem>>, vector<1x1x16xf32>,
        %add3A_857 = arith.constant 32 : i32
        %add3A_858 = arith.addi %mul3A_824, %add3A_857 : i32
        %multiple_of3A_859 = tpu.assume_multiple %add3A_858, 16 : i32
        %get3A_860 = arith.constant 1 : i32
        %get3A_861 = arith.index_cast %get3A_860 : i32 to index
        %get3A_862 = arith.index_cast %add3A_818 : i32 to index
        %get3A_863 = arith.index_cast %multiple_of3A_859 : i32 to index
        %get3A_864 = tpu.vector_load %arg7[%get3A_861, %get3A_862, %get3A_863] {strides = array<i32>} : memref<2x128x128xf32, #tpu.memory_space<vmem>>, vector<1x1x16xf32>,
        %get3A_865 = vector.shape_cast %get3A_864 : vector<1x1x16xf32> to vector<16xf32>
        %swap3A_866 = arith.constant 1 : i32
        %swap3A_867 = arith.index_cast %swap3A_866 : i32 to index
        %swap3A_868 = arith.index_cast %add3A_818 : i32 to index
        %swap3A_869 = arith.constant 32 : index
        %swap3A_870 = tpu.vector_load %arg8[%swap3A_867, %swap3A_868, %swap3A_869] {strides = array<i32>} : memref<2x128x64xf32, #tpu.memory_space<vmem>>, vector<1x1x16xf32>,
        %swap3A_871 = vector.shape_cast %swap3A_870 : vector<1x1x16xf32> to vector<16xf32>
        %swap3A_872 = vector.shape_cast %get3A_865 : vector<16xf32> to vector<1x1x16xf32>
        tpu.vector_store %arg8[%swap3A_867, %swap3A_868, %swap3A_869], %swap3A_872 {strides = array<i32>} : memref<2x128x64xf32, #tpu.memory_space<vmem>>, vector<1x1x16xf32>,
        %add3A_873 = arith.constant 48 : i32
        %add3A_874 = arith.addi %mul3A_824, %add3A_873 : i32
        %multiple_of3A_875 = tpu.assume_multiple %add3A_874, 16 : i32
        %get3A_876 = arith.constant 1 : i32
        %get3A_877 = arith.index_cast %get3A_876 : i32 to index
        %get3A_878 = arith.index_cast %add3A_818 : i32 to index
        %get3A_879 = arith.index_cast %multiple_of3A_875 : i32 to index
        %get3A_880 = tpu.vector_load %arg7[%get3A_877, %get3A_878, %get3A_879] {strides = array<i32>} : memref<2x128x128xf32, #tpu.memory_space<vmem>>, vector<1x1x16xf32>,
        %get3A_881 = vector.shape_cast %get3A_880 : vector<1x1x16xf32> to vector<16xf32>
        %swap3A_882 = arith.constant 1 : i32
        %swap3A_883 = arith.index_cast %swap3A_882 : i32 to index
        %swap3A_884 = arith.index_cast %add3A_818 : i32 to index
        %swap3A_885 = arith.constant 48 : index
        %swap3A_886 = tpu.vector_load %arg8[%swap3A_883, %swap3A_884, %swap3A_885] {strides = array<i32>} : memref<2x128x64xf32, #tpu.memory_space<vmem>>, vector<1x1x16xf32>,
        %swap3A_887 = vector.shape_cast %swap3A_886 : vector<1x1x16xf32> to vector<16xf32>
        %swap3A_888 = vector.shape_cast %get3A_881 : vector<16xf32> to vector<1x1x16xf32>
        tpu.vector_store %arg8[%swap3A_883, %swap3A_884, %swap3A_885], %swap3A_888 {strides = array<i32>} : memref<2x128x64xf32, #tpu.memory_space<vmem>>, vector<1x1x16xf32>,
        %add3A_889 = arith.constant 7 : i32
        %add3A_890 = arith.addi %multiple_of3A, %add3A_889 : i32
        %slice3A_891 = vector.extract_strided_slice %get3A_387 {offsets = [7], sizes = [1], strides = [1]} : vector<16xi32> to vector<1xi32>
        %squeeze3A_892 = vector.extract %slice3A_891[0] : i32 from vector<1xi32>
        %and3A_893 = arith.constant 1 : i32
        %and3A_894 = arith.andi %squeeze3A_892, %and3A_893 : i32
        %mul3A_895 = arith.constant 64 : i32
        %mul3A_896 = arith.muli %and3A_894, %mul3A_895 : i32
        %add3A_897 = arith.constant 0 : i32
        %add3A_898 = arith.addi %mul3A_896, %add3A_897 : i32
        %multiple_of3A_899 = tpu.assume_multiple %add3A_898, 16 : i32
        %get3A_900 = arith.constant 1 : i32
        %get3A_901 = arith.index_cast %get3A_900 : i32 to index
        %get3A_902 = arith.index_cast %add3A_890 : i32 to index
        %get3A_903 = arith.index_cast %multiple_of3A_899 : i32 to index
        %get3A_904 = tpu.vector_load %arg7[%get3A_901, %get3A_902, %get3A_903] {strides = array<i32>} : memref<2x128x128xf32, #tpu.memory_space<vmem>>, vector<1x1x16xf32>,
        %get3A_905 = vector.shape_cast %get3A_904 : vector<1x1x16xf32> to vector<16xf32>
        %swap3A_906 = arith.constant 1 : i32
        %swap3A_907 = arith.index_cast %swap3A_906 : i32 to index
        %swap3A_908 = arith.index_cast %add3A_890 : i32 to index
        %swap3A_909 = arith.constant 0 : index
        %swap3A_910 = tpu.vector_load %arg8[%swap3A_907, %swap3A_908, %swap3A_909] {strides = array<i32>} : memref<2x128x64xf32, #tpu.memory_space<vmem>>, vector<1x1x16xf32>,
        %swap3A_911 = vector.shape_cast %swap3A_910 : vector<1x1x16xf32> to vector<16xf32>
        %swap3A_912 = vector.shape_cast %get3A_905 : vector<16xf32> to vector<1x1x16xf32>
        tpu.vector_store %arg8[%swap3A_907, %swap3A_908, %swap3A_909], %swap3A_912 {strides = array<i32>} : memref<2x128x64xf32, #tpu.memory_space<vmem>>, vector<1x1x16xf32>,
        %add3A_913 = arith.constant 16 : i32
        %add3A_914 = arith.addi %mul3A_896, %add3A_913 : i32
        %multiple_of3A_915 = tpu.assume_multiple %add3A_914, 16 : i32
        %get3A_916 = arith.constant 1 : i32
        %get3A_917 = arith.index_cast %get3A_916 : i32 to index
        %get3A_918 = arith.index_cast %add3A_890 : i32 to index
        %get3A_919 = arith.index_cast %multiple_of3A_915 : i32 to index
        %get3A_920 = tpu.vector_load %arg7[%get3A_917, %get3A_918, %get3A_919] {strides = array<i32>} : memref<2x128x128xf32, #tpu.memory_space<vmem>>, vector<1x1x16xf32>,
        %get3A_921 = vector.shape_cast %get3A_920 : vector<1x1x16xf32> to vector<16xf32>
        %swap3A_922 = arith.constant 1 : i32
        %swap3A_923 = arith.index_cast %swap3A_922 : i32 to index
        %swap3A_924 = arith.index_cast %add3A_890 : i32 to index
        %swap3A_925 = arith.constant 16 : index
        %swap3A_926 = tpu.vector_load %arg8[%swap3A_923, %swap3A_924, %swap3A_925] {strides = array<i32>} : memref<2x128x64xf32, #tpu.memory_space<vmem>>, vector<1x1x16xf32>,
        %swap3A_927 = vector.shape_cast %swap3A_926 : vector<1x1x16xf32> to vector<16xf32>
        %swap3A_928 = vector.shape_cast %get3A_921 : vector<16xf32> to vector<1x1x16xf32>
        tpu.vector_store %arg8[%swap3A_923, %swap3A_924, %swap3A_925], %swap3A_928 {strides = array<i32>} : memref<2x128x64xf32, #tpu.memory_space<vmem>>, vector<1x1x16xf32>,
        %add3A_929 = arith.constant 32 : i32
        %add3A_930 = arith.addi %mul3A_896, %add3A_929 : i32
        %multiple_of3A_931 = tpu.assume_multiple %add3A_930, 16 : i32
        %get3A_932 = arith.constant 1 : i32
        %get3A_933 = arith.index_cast %get3A_932 : i32 to index
        %get3A_934 = arith.index_cast %add3A_890 : i32 to index
        %get3A_935 = arith.index_cast %multiple_of3A_931 : i32 to index
        %get3A_936 = tpu.vector_load %arg7[%get3A_933, %get3A_934, %get3A_935] {strides = array<i32>} : memref<2x128x128xf32, #tpu.memory_space<vmem>>, vector<1x1x16xf32>,
        %get3A_937 = vector.shape_cast %get3A_936 : vector<1x1x16xf32> to vector<16xf32>
        %swap3A_938 = arith.constant 1 : i32
        %swap3A_939 = arith.index_cast %swap3A_938 : i32 to index
        %swap3A_940 = arith.index_cast %add3A_890 : i32 to index
        %swap3A_941 = arith.constant 32 : index
        %swap3A_942 = tpu.vector_load %arg8[%swap3A_939, %swap3A_940, %swap3A_941] {strides = array<i32>} : memref<2x128x64xf32, #tpu.memory_space<vmem>>, vector<1x1x16xf32>,
        %swap3A_943 = vector.shape_cast %swap3A_942 : vector<1x1x16xf32> to vector<16xf32>
        %swap3A_944 = vector.shape_cast %get3A_937 : vector<16xf32> to vector<1x1x16xf32>
        tpu.vector_store %arg8[%swap3A_939, %swap3A_940, %swap3A_941], %swap3A_944 {strides = array<i32>} : memref<2x128x64xf32, #tpu.memory_space<vmem>>, vector<1x1x16xf32>,
        %add3A_945 = arith.constant 48 : i32
        %add3A_946 = arith.addi %mul3A_896, %add3A_945 : i32
        %multiple_of3A_947 = tpu.assume_multiple %add3A_946, 16 : i32
        %get3A_948 = arith.constant 1 : i32
        %get3A_949 = arith.index_cast %get3A_948 : i32 to index
        %get3A_950 = arith.index_cast %add3A_890 : i32 to index
        %get3A_951 = arith.index_cast %multiple_of3A_947 : i32 to index
        %get3A_952 = tpu.vector_load %arg7[%get3A_949, %get3A_950, %get3A_951] {strides = array<i32>} : memref<2x128x128xf32, #tpu.memory_space<vmem>>, vector<1x1x16xf32>,
        %get3A_953 = vector.shape_cast %get3A_952 : vector<1x1x16xf32> to vector<16xf32>
        %swap3A_954 = arith.constant 1 : i32
        %swap3A_955 = arith.index_cast %swap3A_954 : i32 to index
        %swap3A_956 = arith.index_cast %add3A_890 : i32 to index
        %swap3A_957 = arith.constant 48 : index
        %swap3A_958 = tpu.vector_load %arg8[%swap3A_955, %swap3A_956, %swap3A_957] {strides = array<i32>} : memref<2x128x64xf32, #tpu.memory_space<vmem>>, vector<1x1x16xf32>,
        %swap3A_959 = vector.shape_cast %swap3A_958 : vector<1x1x16xf32> to vector<16xf32>
        %swap3A_960 = vector.shape_cast %get3A_953 : vector<16xf32> to vector<1x1x16xf32>
        tpu.vector_store %arg8[%swap3A_955, %swap3A_956, %swap3A_957], %swap3A_960 {strides = array<i32>} : memref<2x128x64xf32, #tpu.memory_space<vmem>>, vector<1x1x16xf32>,
        %add3A_961 = arith.constant 8 : i32
        %add3A_962 = arith.addi %multiple_of3A, %add3A_961 : i32
        %slice3A_963 = vector.extract_strided_slice %get3A_387 {offsets = [8], sizes = [1], strides = [1]} : vector<16xi32> to vector<1xi32>
        %squeeze3A_964 = vector.extract %slice3A_963[0] : i32 from vector<1xi32>
        %and3A_965 = arith.constant 1 : i32
        %and3A_966 = arith.andi %squeeze3A_964, %and3A_965 : i32
        %mul3A_967 = arith.constant 64 : i32
        %mul3A_968 = arith.muli %and3A_966, %mul3A_967 : i32
        %add3A_969 = arith.constant 0 : i32
        %add3A_970 = arith.addi %mul3A_968, %add3A_969 : i32
        %multiple_of3A_971 = tpu.assume_multiple %add3A_970, 16 : i32
        %get3A_972 = arith.constant 1 : i32
        %get3A_973 = arith.index_cast %get3A_972 : i32 to index
        %get3A_974 = arith.index_cast %add3A_962 : i32 to index
        %get3A_975 = arith.index_cast %multiple_of3A_971 : i32 to index
        %get3A_976 = tpu.vector_load %arg7[%get3A_973, %get3A_974, %get3A_975] {strides = array<i32>} : memref<2x128x128xf32, #tpu.memory_space<vmem>>, vector<1x1x16xf32>,
        %get3A_977 = vector.shape_cast %get3A_976 : vector<1x1x16xf32> to vector<16xf32>
        %swap3A_978 = arith.constant 1 : i32
        %swap3A_979 = arith.index_cast %swap3A_978 : i32 to index
        %swap3A_980 = arith.index_cast %add3A_962 : i32 to index
        %swap3A_981 = arith.constant 0 : index
        %swap3A_982 = tpu.vector_load %arg8[%swap3A_979, %swap3A_980, %swap3A_981] {strides = array<i32>} : memref<2x128x64xf32, #tpu.memory_space<vmem>>, vector<1x1x16xf32>,
        %swap3A_983 = vector.shape_cast %swap3A_982 : vector<1x1x16xf32> to vector<16xf32>
        %swap3A_984 = vector.shape_cast %get3A_977 : vector<16xf32> to vector<1x1x16xf32>
        tpu.vector_store %arg8[%swap3A_979, %swap3A_980, %swap3A_981], %swap3A_984 {strides = array<i32>} : memref<2x128x64xf32, #tpu.memory_space<vmem>>, vector<1x1x16xf32>,
        %add3A_985 = arith.constant 16 : i32
        %add3A_986 = arith.addi %mul3A_968, %add3A_985 : i32
        %multiple_of3A_987 = tpu.assume_multiple %add3A_986, 16 : i32
        %get3A_988 = arith.constant 1 : i32
        %get3A_989 = arith.index_cast %get3A_988 : i32 to index
        %get3A_990 = arith.index_cast %add3A_962 : i32 to index
        %get3A_991 = arith.index_cast %multiple_of3A_987 : i32 to index
        %get3A_992 = tpu.vector_load %arg7[%get3A_989, %get3A_990, %get3A_991] {strides = array<i32>} : memref<2x128x128xf32, #tpu.memory_space<vmem>>, vector<1x1x16xf32>,
        %get3A_993 = vector.shape_cast %get3A_992 : vector<1x1x16xf32> to vector<16xf32>
        %swap3A_994 = arith.constant 1 : i32
        %swap3A_995 = arith.index_cast %swap3A_994 : i32 to index
        %swap3A_996 = arith.index_cast %add3A_962 : i32 to index
        %swap3A_997 = arith.constant 16 : index
        %swap3A_998 = tpu.vector_load %arg8[%swap3A_995, %swap3A_996, %swap3A_997] {strides = array<i32>} : memref<2x128x64xf32, #tpu.memory_space<vmem>>, vector<1x1x16xf32>,
        %swap3A_999 = vector.shape_cast %swap3A_998 : vector<1x1x16xf32> to vector<16xf32>
        %swap3A_1000 = vector.shape_cast %get3A_993 : vector<16xf32> to vector<1x1x16xf32>
        tpu.vector_store %arg8[%swap3A_995, %swap3A_996, %swap3A_997], %swap3A_1000 {strides = array<i32>} : memref<2x128x64xf32, #tpu.memory_space<vmem>>, vector<1x1x16xf32>,
        %add3A_1001 = arith.constant 32 : i32
        %add3A_1002 = arith.addi %mul3A_968, %add3A_1001 : i32
        %multiple_of3A_1003 = tpu.assume_multiple %add3A_1002, 16 : i32
        %get3A_1004 = arith.constant 1 : i32
        %get3A_1005 = arith.index_cast %get3A_1004 : i32 to index
        %get3A_1006 = arith.index_cast %add3A_962 : i32 to index
        %get3A_1007 = arith.index_cast %multiple_of3A_1003 : i32 to index
        %get3A_1008 = tpu.vector_load %arg7[%get3A_1005, %get3A_1006, %get3A_1007] {strides = array<i32>} : memref<2x128x128xf32, #tpu.memory_space<vmem>>, vector<1x1x16xf32>,
        %get3A_1009 = vector.shape_cast %get3A_1008 : vector<1x1x16xf32> to vector<16xf32>
        %swap3A_1010 = arith.constant 1 : i32
        %swap3A_1011 = arith.index_cast %swap3A_1010 : i32 to index
        %swap3A_1012 = arith.index_cast %add3A_962 : i32 to index
        %swap3A_1013 = arith.constant 32 : index
        %swap3A_1014 = tpu.vector_load %arg8[%swap3A_1011, %swap3A_1012, %swap3A_1013] {strides = array<i32>} : memref<2x128x64xf32, #tpu.memory_space<vmem>>, vector<1x1x16xf32>,
        %swap3A_1015 = vector.shape_cast %swap3A_1014 : vector<1x1x16xf32> to vector<16xf32>
        %swap3A_1016 = vector.shape_cast %get3A_1009 : vector<16xf32> to vector<1x1x16xf32>
        tpu.vector_store %arg8[%swap3A_1011, %swap3A_1012, %swap3A_1013], %swap3A_1016 {strides = array<i32>} : memref<2x128x64xf32, #tpu.memory_space<vmem>>, vector<1x1x16xf32>,
        %add3A_1017 = arith.constant 48 : i32
        %add3A_1018 = arith.addi %mul3A_968, %add3A_1017 : i32
        %multiple_of3A_1019 = tpu.assume_multiple %add3A_1018, 16 : i32
        %get3A_1020 = arith.constant 1 : i32
        %get3A_1021 = arith.index_cast %get3A_1020 : i32 to index
        %get3A_1022 = arith.index_cast %add3A_962 : i32 to index
        %get3A_1023 = arith.index_cast %multiple_of3A_1019 : i32 to index
        %get3A_1024 = tpu.vector_load %arg7[%get3A_1021, %get3A_1022, %get3A_1023] {strides = array<i32>} : memref<2x128x128xf32, #tpu.memory_space<vmem>>, vector<1x1x16xf32>,
        %get3A_1025 = vector.shape_cast %get3A_1024 : vector<1x1x16xf32> to vector<16xf32>
        %swap3A_1026 = arith.constant 1 : i32
        %swap3A_1027 = arith.index_cast %swap3A_1026 : i32 to index
        %swap3A_1028 = arith.index_cast %add3A_962 : i32 to index
        %swap3A_1029 = arith.constant 48 : index
        %swap3A_1030 = tpu.vector_load %arg8[%swap3A_1027, %swap3A_1028, %swap3A_1029] {strides = array<i32>} : memref<2x128x64xf32, #tpu.memory_space<vmem>>, vector<1x1x16xf32>,
        %swap3A_1031 = vector.shape_cast %swap3A_1030 : vector<1x1x16xf32> to vector<16xf32>
        %swap3A_1032 = vector.shape_cast %get3A_1025 : vector<16xf32> to vector<1x1x16xf32>
        tpu.vector_store %arg8[%swap3A_1027, %swap3A_1028, %swap3A_1029], %swap3A_1032 {strides = array<i32>} : memref<2x128x64xf32, #tpu.memory_space<vmem>>, vector<1x1x16xf32>,
        %add3A_1033 = arith.constant 9 : i32
        %add3A_1034 = arith.addi %multiple_of3A, %add3A_1033 : i32
        %slice3A_1035 = vector.extract_strided_slice %get3A_387 {offsets = [9], sizes = [1], strides = [1]} : vector<16xi32> to vector<1xi32>
        %squeeze3A_1036 = vector.extract %slice3A_1035[0] : i32 from vector<1xi32>
        %and3A_1037 = arith.constant 1 : i32
        %and3A_1038 = arith.andi %squeeze3A_1036, %and3A_1037 : i32
        %mul3A_1039 = arith.constant 64 : i32
        %mul3A_1040 = arith.muli %and3A_1038, %mul3A_1039 : i32
        %add3A_1041 = arith.constant 0 : i32
        %add3A_1042 = arith.addi %mul3A_1040, %add3A_1041 : i32
        %multiple_of3A_1043 = tpu.assume_multiple %add3A_1042, 16 : i32
        %get3A_1044 = arith.constant 1 : i32
        %get3A_1045 = arith.index_cast %get3A_1044 : i32 to index
        %get3A_1046 = arith.index_cast %add3A_1034 : i32 to index
        %get3A_1047 = arith.index_cast %multiple_of3A_1043 : i32 to index
        %get3A_1048 = tpu.vector_load %arg7[%get3A_1045, %get3A_1046, %get3A_1047] {strides = array<i32>} : memref<2x128x128xf32, #tpu.memory_space<vmem>>, vector<1x1x16xf32>,
        %get3A_1049 = vector.shape_cast %get3A_1048 : vector<1x1x16xf32> to vector<16xf32>
        %swap3A_1050 = arith.constant 1 : i32
        %swap3A_1051 = arith.index_cast %swap3A_1050 : i32 to index
        %swap3A_1052 = arith.index_cast %add3A_1034 : i32 to index
        %swap3A_1053 = arith.constant 0 : index
        %swap3A_1054 = tpu.vector_load %arg8[%swap3A_1051, %swap3A_1052, %swap3A_1053] {strides = array<i32>} : memref<2x128x64xf32, #tpu.memory_space<vmem>>, vector<1x1x16xf32>,
        %swap3A_1055 = vector.shape_cast %swap3A_1054 : vector<1x1x16xf32> to vector<16xf32>
        %swap3A_1056 = vector.shape_cast %get3A_1049 : vector<16xf32> to vector<1x1x16xf32>
        tpu.vector_store %arg8[%swap3A_1051, %swap3A_1052, %swap3A_1053], %swap3A_1056 {strides = array<i32>} : memref<2x128x64xf32, #tpu.memory_space<vmem>>, vector<1x1x16xf32>,
        %add3A_1057 = arith.constant 16 : i32
        %add3A_1058 = arith.addi %mul3A_1040, %add3A_1057 : i32
        %multiple_of3A_1059 = tpu.assume_multiple %add3A_1058, 16 : i32
        %get3A_1060 = arith.constant 1 : i32
        %get3A_1061 = arith.index_cast %get3A_1060 : i32 to index
        %get3A_1062 = arith.index_cast %add3A_1034 : i32 to index
        %get3A_1063 = arith.index_cast %multiple_of3A_1059 : i32 to index
        %get3A_1064 = tpu.vector_load %arg7[%get3A_1061, %get3A_1062, %get3A_1063] {strides = array<i32>} : memref<2x128x128xf32, #tpu.memory_space<vmem>>, vector<1x1x16xf32>,
        %get3A_1065 = vector.shape_cast %get3A_1064 : vector<1x1x16xf32> to vector<16xf32>
        %swap3A_1066 = arith.constant 1 : i32
        %swap3A_1067 = arith.index_cast %swap3A_1066 : i32 to index
        %swap3A_1068 = arith.index_cast %add3A_1034 : i32 to index
        %swap3A_1069 = arith.constant 16 : index
        %swap3A_1070 = tpu.vector_load %arg8[%swap3A_1067, %swap3A_1068, %swap3A_1069] {strides = array<i32>} : memref<2x128x64xf32, #tpu.memory_space<vmem>>, vector<1x1x16xf32>,
        %swap3A_1071 = vector.shape_cast %swap3A_1070 : vector<1x1x16xf32> to vector<16xf32>
        %swap3A_1072 = vector.shape_cast %get3A_1065 : vector<16xf32> to vector<1x1x16xf32>
        tpu.vector_store %arg8[%swap3A_1067, %swap3A_1068, %swap3A_1069], %swap3A_1072 {strides = array<i32>} : memref<2x128x64xf32, #tpu.memory_space<vmem>>, vector<1x1x16xf32>,
        %add3A_1073 = arith.constant 32 : i32
        %add3A_1074 = arith.addi %mul3A_1040, %add3A_1073 : i32
        %multiple_of3A_1075 = tpu.assume_multiple %add3A_1074, 16 : i32
        %get3A_1076 = arith.constant 1 : i32
        %get3A_1077 = arith.index_cast %get3A_1076 : i32 to index
        %get3A_1078 = arith.index_cast %add3A_1034 : i32 to index
        %get3A_1079 = arith.index_cast %multiple_of3A_1075 : i32 to index
        %get3A_1080 = tpu.vector_load %arg7[%get3A_1077, %get3A_1078, %get3A_1079] {strides = array<i32>} : memref<2x128x128xf32, #tpu.memory_space<vmem>>, vector<1x1x16xf32>,
        %get3A_1081 = vector.shape_cast %get3A_1080 : vector<1x1x16xf32> to vector<16xf32>
        %swap3A_1082 = arith.constant 1 : i32
        %swap3A_1083 = arith.index_cast %swap3A_1082 : i32 to index
        %swap3A_1084 = arith.index_cast %add3A_1034 : i32 to index
        %swap3A_1085 = arith.constant 32 : index
        %swap3A_1086 = tpu.vector_load %arg8[%swap3A_1083, %swap3A_1084, %swap3A_1085] {strides = array<i32>} : memref<2x128x64xf32, #tpu.memory_space<vmem>>, vector<1x1x16xf32>,
        %swap3A_1087 = vector.shape_cast %swap3A_1086 : vector<1x1x16xf32> to vector<16xf32>
        %swap3A_1088 = vector.shape_cast %get3A_1081 : vector<16xf32> to vector<1x1x16xf32>
        tpu.vector_store %arg8[%swap3A_1083, %swap3A_1084, %swap3A_1085], %swap3A_1088 {strides = array<i32>} : memref<2x128x64xf32, #tpu.memory_space<vmem>>, vector<1x1x16xf32>,
        %add3A_1089 = arith.constant 48 : i32
        %add3A_1090 = arith.addi %mul3A_1040, %add3A_1089 : i32
        %multiple_of3A_1091 = tpu.assume_multiple %add3A_1090, 16 : i32
        %get3A_1092 = arith.constant 1 : i32
        %get3A_1093 = arith.index_cast %get3A_1092 : i32 to index
        %get3A_1094 = arith.index_cast %add3A_1034 : i32 to index
        %get3A_1095 = arith.index_cast %multiple_of3A_1091 : i32 to index
        %get3A_1096 = tpu.vector_load %arg7[%get3A_1093, %get3A_1094, %get3A_1095] {strides = array<i32>} : memref<2x128x128xf32, #tpu.memory_space<vmem>>, vector<1x1x16xf32>,
        %get3A_1097 = vector.shape_cast %get3A_1096 : vector<1x1x16xf32> to vector<16xf32>
        %swap3A_1098 = arith.constant 1 : i32
        %swap3A_1099 = arith.index_cast %swap3A_1098 : i32 to index
        %swap3A_1100 = arith.index_cast %add3A_1034 : i32 to index
        %swap3A_1101 = arith.constant 48 : index
        %swap3A_1102 = tpu.vector_load %arg8[%swap3A_1099, %swap3A_1100, %swap3A_1101] {strides = array<i32>} : memref<2x128x64xf32, #tpu.memory_space<vmem>>, vector<1x1x16xf32>,
        %swap3A_1103 = vector.shape_cast %swap3A_1102 : vector<1x1x16xf32> to vector<16xf32>
        %swap3A_1104 = vector.shape_cast %get3A_1097 : vector<16xf32> to vector<1x1x16xf32>
        tpu.vector_store %arg8[%swap3A_1099, %swap3A_1100, %swap3A_1101], %swap3A_1104 {strides = array<i32>} : memref<2x128x64xf32, #tpu.memory_space<vmem>>, vector<1x1x16xf32>,
        %add3A_1105 = arith.constant 10 : i32
        %add3A_1106 = arith.addi %multiple_of3A, %add3A_1105 : i32
        %slice3A_1107 = vector.extract_strided_slice %get3A_387 {offsets = [10], sizes = [1], strides = [1]} : vector<16xi32> to vector<1xi32>
        %squeeze3A_1108 = vector.extract %slice3A_1107[0] : i32 from vector<1xi32>
        %and3A_1109 = arith.constant 1 : i32
        %and3A_1110 = arith.andi %squeeze3A_1108, %and3A_1109 : i32
        %mul3A_1111 = arith.constant 64 : i32
        %mul3A_1112 = arith.muli %and3A_1110, %mul3A_1111 : i32
        %add3A_1113 = arith.constant 0 : i32
        %add3A_1114 = arith.addi %mul3A_1112, %add3A_1113 : i32
        %multiple_of3A_1115 = tpu.assume_multiple %add3A_1114, 16 : i32
        %get3A_1116 = arith.constant 1 : i32
        %get3A_1117 = arith.index_cast %get3A_1116 : i32 to index
        %get3A_1118 = arith.index_cast %add3A_1106 : i32 to index
        %get3A_1119 = arith.index_cast %multiple_of3A_1115 : i32 to index
        %get3A_1120 = tpu.vector_load %arg7[%get3A_1117, %get3A_1118, %get3A_1119] {strides = array<i32>} : memref<2x128x128xf32, #tpu.memory_space<vmem>>, vector<1x1x16xf32>,
        %get3A_1121 = vector.shape_cast %get3A_1120 : vector<1x1x16xf32> to vector<16xf32>
        %swap3A_1122 = arith.constant 1 : i32
        %swap3A_1123 = arith.index_cast %swap3A_1122 : i32 to index
        %swap3A_1124 = arith.index_cast %add3A_1106 : i32 to index
        %swap3A_1125 = arith.constant 0 : index
        %swap3A_1126 = tpu.vector_load %arg8[%swap3A_1123, %swap3A_1124, %swap3A_1125] {strides = array<i32>} : memref<2x128x64xf32, #tpu.memory_space<vmem>>, vector<1x1x16xf32>,
        %swap3A_1127 = vector.shape_cast %swap3A_1126 : vector<1x1x16xf32> to vector<16xf32>
        %swap3A_1128 = vector.shape_cast %get3A_1121 : vector<16xf32> to vector<1x1x16xf32>
        tpu.vector_store %arg8[%swap3A_1123, %swap3A_1124, %swap3A_1125], %swap3A_1128 {strides = array<i32>} : memref<2x128x64xf32, #tpu.memory_space<vmem>>, vector<1x1x16xf32>,
        %add3A_1129 = arith.constant 16 : i32
        %add3A_1130 = arith.addi %mul3A_1112, %add3A_1129 : i32
        %multiple_of3A_1131 = tpu.assume_multiple %add3A_1130, 16 : i32
        %get3A_1132 = arith.constant 1 : i32
        %get3A_1133 = arith.index_cast %get3A_1132 : i32 to index
        %get3A_1134 = arith.index_cast %add3A_1106 : i32 to index
        %get3A_1135 = arith.index_cast %multiple_of3A_1131 : i32 to index
        %get3A_1136 = tpu.vector_load %arg7[%get3A_1133, %get3A_1134, %get3A_1135] {strides = array<i32>} : memref<2x128x128xf32, #tpu.memory_space<vmem>>, vector<1x1x16xf32>,
        %get3A_1137 = vector.shape_cast %get3A_1136 : vector<1x1x16xf32> to vector<16xf32>
        %swap3A_1138 = arith.constant 1 : i32
        %swap3A_1139 = arith.index_cast %swap3A_1138 : i32 to index
        %swap3A_1140 = arith.index_cast %add3A_1106 : i32 to index
        %swap3A_1141 = arith.constant 16 : index
        %swap3A_1142 = tpu.vector_load %arg8[%swap3A_1139, %swap3A_1140, %swap3A_1141] {strides = array<i32>} : memref<2x128x64xf32, #tpu.memory_space<vmem>>, vector<1x1x16xf32>,
        %swap3A_1143 = vector.shape_cast %swap3A_1142 : vector<1x1x16xf32> to vector<16xf32>
        %swap3A_1144 = vector.shape_cast %get3A_1137 : vector<16xf32> to vector<1x1x16xf32>
        tpu.vector_store %arg8[%swap3A_1139, %swap3A_1140, %swap3A_1141], %swap3A_1144 {strides = array<i32>} : memref<2x128x64xf32, #tpu.memory_space<vmem>>, vector<1x1x16xf32>,
        %add3A_1145 = arith.constant 32 : i32
        %add3A_1146 = arith.addi %mul3A_1112, %add3A_1145 : i32
        %multiple_of3A_1147 = tpu.assume_multiple %add3A_1146, 16 : i32
        %get3A_1148 = arith.constant 1 : i32
        %get3A_1149 = arith.index_cast %get3A_1148 : i32 to index
        %get3A_1150 = arith.index_cast %add3A_1106 : i32 to index
        %get3A_1151 = arith.index_cast %multiple_of3A_1147 : i32 to index
        %get3A_1152 = tpu.vector_load %arg7[%get3A_1149, %get3A_1150, %get3A_1151] {strides = array<i32>} : memref<2x128x128xf32, #tpu.memory_space<vmem>>, vector<1x1x16xf32>,
        %get3A_1153 = vector.shape_cast %get3A_1152 : vector<1x1x16xf32> to vector<16xf32>
        %swap3A_1154 = arith.constant 1 : i32
        %swap3A_1155 = arith.index_cast %swap3A_1154 : i32 to index
        %swap3A_1156 = arith.index_cast %add3A_1106 : i32 to index
        %swap3A_1157 = arith.constant 32 : index
        %swap3A_1158 = tpu.vector_load %arg8[%swap3A_1155, %swap3A_1156, %swap3A_1157] {strides = array<i32>} : memref<2x128x64xf32, #tpu.memory_space<vmem>>, vector<1x1x16xf32>,
        %swap3A_1159 = vector.shape_cast %swap3A_1158 : vector<1x1x16xf32> to vector<16xf32>
        %swap3A_1160 = vector.shape_cast %get3A_1153 : vector<16xf32> to vector<1x1x16xf32>
        tpu.vector_store %arg8[%swap3A_1155, %swap3A_1156, %swap3A_1157], %swap3A_1160 {strides = array<i32>} : memref<2x128x64xf32, #tpu.memory_space<vmem>>, vector<1x1x16xf32>,
        %add3A_1161 = arith.constant 48 : i32
        %add3A_1162 = arith.addi %mul3A_1112, %add3A_1161 : i32
        %multiple_of3A_1163 = tpu.assume_multiple %add3A_1162, 16 : i32
        %get3A_1164 = arith.constant 1 : i32
        %get3A_1165 = arith.index_cast %get3A_1164 : i32 to index
        %get3A_1166 = arith.index_cast %add3A_1106 : i32 to index
        %get3A_1167 = arith.index_cast %multiple_of3A_1163 : i32 to index
        %get3A_1168 = tpu.vector_load %arg7[%get3A_1165, %get3A_1166, %get3A_1167] {strides = array<i32>} : memref<2x128x128xf32, #tpu.memory_space<vmem>>, vector<1x1x16xf32>,
        %get3A_1169 = vector.shape_cast %get3A_1168 : vector<1x1x16xf32> to vector<16xf32>
        %swap3A_1170 = arith.constant 1 : i32
        %swap3A_1171 = arith.index_cast %swap3A_1170 : i32 to index
        %swap3A_1172 = arith.index_cast %add3A_1106 : i32 to index
        %swap3A_1173 = arith.constant 48 : index
        %swap3A_1174 = tpu.vector_load %arg8[%swap3A_1171, %swap3A_1172, %swap3A_1173] {strides = array<i32>} : memref<2x128x64xf32, #tpu.memory_space<vmem>>, vector<1x1x16xf32>,
        %swap3A_1175 = vector.shape_cast %swap3A_1174 : vector<1x1x16xf32> to vector<16xf32>
        %swap3A_1176 = vector.shape_cast %get3A_1169 : vector<16xf32> to vector<1x1x16xf32>
        tpu.vector_store %arg8[%swap3A_1171, %swap3A_1172, %swap3A_1173], %swap3A_1176 {strides = array<i32>} : memref<2x128x64xf32, #tpu.memory_space<vmem>>, vector<1x1x16xf32>,
        %add3A_1177 = arith.constant 11 : i32
        %add3A_1178 = arith.addi %multiple_of3A, %add3A_1177 : i32
        %slice3A_1179 = vector.extract_strided_slice %get3A_387 {offsets = [11], sizes = [1], strides = [1]} : vector<16xi32> to vector<1xi32>
        %squeeze3A_1180 = vector.extract %slice3A_1179[0] : i32 from vector<1xi32>
        %and3A_1181 = arith.constant 1 : i32
        %and3A_1182 = arith.andi %squeeze3A_1180, %and3A_1181 : i32
        %mul3A_1183 = arith.constant 64 : i32
        %mul3A_1184 = arith.muli %and3A_1182, %mul3A_1183 : i32
        %add3A_1185 = arith.constant 0 : i32
        %add3A_1186 = arith.addi %mul3A_1184, %add3A_1185 : i32
        %multiple_of3A_1187 = tpu.assume_multiple %add3A_1186, 16 : i32
        %get3A_1188 = arith.constant 1 : i32
        %get3A_1189 = arith.index_cast %get3A_1188 : i32 to index
        %get3A_1190 = arith.index_cast %add3A_1178 : i32 to index
        %get3A_1191 = arith.index_cast %multiple_of3A_1187 : i32 to index
        %get3A_1192 = tpu.vector_load %arg7[%get3A_1189, %get3A_1190, %get3A_1191] {strides = array<i32>} : memref<2x128x128xf32, #tpu.memory_space<vmem>>, vector<1x1x16xf32>,
        %get3A_1193 = vector.shape_cast %get3A_1192 : vector<1x1x16xf32> to vector<16xf32>
        %swap3A_1194 = arith.constant 1 : i32
        %swap3A_1195 = arith.index_cast %swap3A_1194 : i32 to index
        %swap3A_1196 = arith.index_cast %add3A_1178 : i32 to index
        %swap3A_1197 = arith.constant 0 : index
        %swap3A_1198 = tpu.vector_load %arg8[%swap3A_1195, %swap3A_1196, %swap3A_1197] {strides = array<i32>} : memref<2x128x64xf32, #tpu.memory_space<vmem>>, vector<1x1x16xf32>,
        %swap3A_1199 = vector.shape_cast %swap3A_1198 : vector<1x1x16xf32> to vector<16xf32>
        %swap3A_1200 = vector.shape_cast %get3A_1193 : vector<16xf32> to vector<1x1x16xf32>
        tpu.vector_store %arg8[%swap3A_1195, %swap3A_1196, %swap3A_1197], %swap3A_1200 {strides = array<i32>} : memref<2x128x64xf32, #tpu.memory_space<vmem>>, vector<1x1x16xf32>,
        %add3A_1201 = arith.constant 16 : i32
        %add3A_1202 = arith.addi %mul3A_1184, %add3A_1201 : i32
        %multiple_of3A_1203 = tpu.assume_multiple %add3A_1202, 16 : i32
        %get3A_1204 = arith.constant 1 : i32
        %get3A_1205 = arith.index_cast %get3A_1204 : i32 to index
        %get3A_1206 = arith.index_cast %add3A_1178 : i32 to index
        %get3A_1207 = arith.index_cast %multiple_of3A_1203 : i32 to index
        %get3A_1208 = tpu.vector_load %arg7[%get3A_1205, %get3A_1206, %get3A_1207] {strides = array<i32>} : memref<2x128x128xf32, #tpu.memory_space<vmem>>, vector<1x1x16xf32>,
        %get3A_1209 = vector.shape_cast %get3A_1208 : vector<1x1x16xf32> to vector<16xf32>
        %swap3A_1210 = arith.constant 1 : i32
        %swap3A_1211 = arith.index_cast %swap3A_1210 : i32 to index
        %swap3A_1212 = arith.index_cast %add3A_1178 : i32 to index
        %swap3A_1213 = arith.constant 16 : index
        %swap3A_1214 = tpu.vector_load %arg8[%swap3A_1211, %swap3A_1212, %swap3A_1213] {strides = array<i32>} : memref<2x128x64xf32, #tpu.memory_space<vmem>>, vector<1x1x16xf32>,
        %swap3A_1215 = vector.shape_cast %swap3A_1214 : vector<1x1x16xf32> to vector<16xf32>
        %swap3A_1216 = vector.shape_cast %get3A_1209 : vector<16xf32> to vector<1x1x16xf32>
        tpu.vector_store %arg8[%swap3A_1211, %swap3A_1212, %swap3A_1213], %swap3A_1216 {strides = array<i32>} : memref<2x128x64xf32, #tpu.memory_space<vmem>>, vector<1x1x16xf32>,
        %add3A_1217 = arith.constant 32 : i32
        %add3A_1218 = arith.addi %mul3A_1184, %add3A_1217 : i32
        %multiple_of3A_1219 = tpu.assume_multiple %add3A_1218, 16 : i32
        %get3A_1220 = arith.constant 1 : i32
        %get3A_1221 = arith.index_cast %get3A_1220 : i32 to index
        %get3A_1222 = arith.index_cast %add3A_1178 : i32 to index
        %get3A_1223 = arith.index_cast %multiple_of3A_1219 : i32 to index
        %get3A_1224 = tpu.vector_load %arg7[%get3A_1221, %get3A_1222, %get3A_1223] {strides = array<i32>} : memref<2x128x128xf32, #tpu.memory_space<vmem>>, vector<1x1x16xf32>,
        %get3A_1225 = vector.shape_cast %get3A_1224 : vector<1x1x16xf32> to vector<16xf32>
        %swap3A_1226 = arith.constant 1 : i32
        %swap3A_1227 = arith.index_cast %swap3A_1226 : i32 to index
        %swap3A_1228 = arith.index_cast %add3A_1178 : i32 to index
        %swap3A_1229 = arith.constant 32 : index
        %swap3A_1230 = tpu.vector_load %arg8[%swap3A_1227, %swap3A_1228, %swap3A_1229] {strides = array<i32>} : memref<2x128x64xf32, #tpu.memory_space<vmem>>, vector<1x1x16xf32>,
        %swap3A_1231 = vector.shape_cast %swap3A_1230 : vector<1x1x16xf32> to vector<16xf32>
        %swap3A_1232 = vector.shape_cast %get3A_1225 : vector<16xf32> to vector<1x1x16xf32>
        tpu.vector_store %arg8[%swap3A_1227, %swap3A_1228, %swap3A_1229], %swap3A_1232 {strides = array<i32>} : memref<2x128x64xf32, #tpu.memory_space<vmem>>, vector<1x1x16xf32>,
        %add3A_1233 = arith.constant 48 : i32
        %add3A_1234 = arith.addi %mul3A_1184, %add3A_1233 : i32
        %multiple_of3A_1235 = tpu.assume_multiple %add3A_1234, 16 : i32
        %get3A_1236 = arith.constant 1 : i32
        %get3A_1237 = arith.index_cast %get3A_1236 : i32 to index
        %get3A_1238 = arith.index_cast %add3A_1178 : i32 to index
        %get3A_1239 = arith.index_cast %multiple_of3A_1235 : i32 to index
        %get3A_1240 = tpu.vector_load %arg7[%get3A_1237, %get3A_1238, %get3A_1239] {strides = array<i32>} : memref<2x128x128xf32, #tpu.memory_space<vmem>>, vector<1x1x16xf32>,
        %get3A_1241 = vector.shape_cast %get3A_1240 : vector<1x1x16xf32> to vector<16xf32>
        %swap3A_1242 = arith.constant 1 : i32
        %swap3A_1243 = arith.index_cast %swap3A_1242 : i32 to index
        %swap3A_1244 = arith.index_cast %add3A_1178 : i32 to index
        %swap3A_1245 = arith.constant 48 : index
        %swap3A_1246 = tpu.vector_load %arg8[%swap3A_1243, %swap3A_1244, %swap3A_1245] {strides = array<i32>} : memref<2x128x64xf32, #tpu.memory_space<vmem>>, vector<1x1x16xf32>,
        %swap3A_1247 = vector.shape_cast %swap3A_1246 : vector<1x1x16xf32> to vector<16xf32>
        %swap3A_1248 = vector.shape_cast %get3A_1241 : vector<16xf32> to vector<1x1x16xf32>
        tpu.vector_store %arg8[%swap3A_1243, %swap3A_1244, %swap3A_1245], %swap3A_1248 {strides = array<i32>} : memref<2x128x64xf32, #tpu.memory_space<vmem>>, vector<1x1x16xf32>,
        %add3A_1249 = arith.constant 12 : i32
        %add3A_1250 = arith.addi %multiple_of3A, %add3A_1249 : i32
        %slice3A_1251 = vector.extract_strided_slice %get3A_387 {offsets = [12], sizes = [1], strides = [1]} : vector<16xi32> to vector<1xi32>
        %squeeze3A_1252 = vector.extract %slice3A_1251[0] : i32 from vector<1xi32>
        %and3A_1253 = arith.constant 1 : i32
        %and3A_1254 = arith.andi %squeeze3A_1252, %and3A_1253 : i32
        %mul3A_1255 = arith.constant 64 : i32
        %mul3A_1256 = arith.muli %and3A_1254, %mul3A_1255 : i32
        %add3A_1257 = arith.constant 0 : i32
        %add3A_1258 = arith.addi %mul3A_1256, %add3A_1257 : i32
        %multiple_of3A_1259 = tpu.assume_multiple %add3A_1258, 16 : i32
        %get3A_1260 = arith.constant 1 : i32
        %get3A_1261 = arith.index_cast %get3A_1260 : i32 to index
        %get3A_1262 = arith.index_cast %add3A_1250 : i32 to index
        %get3A_1263 = arith.index_cast %multiple_of3A_1259 : i32 to index
        %get3A_1264 = tpu.vector_load %arg7[%get3A_1261, %get3A_1262, %get3A_1263] {strides = array<i32>} : memref<2x128x128xf32, #tpu.memory_space<vmem>>, vector<1x1x16xf32>,
        %get3A_1265 = vector.shape_cast %get3A_1264 : vector<1x1x16xf32> to vector<16xf32>
        %swap3A_1266 = arith.constant 1 : i32
        %swap3A_1267 = arith.index_cast %swap3A_1266 : i32 to index
        %swap3A_1268 = arith.index_cast %add3A_1250 : i32 to index
        %swap3A_1269 = arith.constant 0 : index
        %swap3A_1270 = tpu.vector_load %arg8[%swap3A_1267, %swap3A_1268, %swap3A_1269] {strides = array<i32>} : memref<2x128x64xf32, #tpu.memory_space<vmem>>, vector<1x1x16xf32>,
        %swap3A_1271 = vector.shape_cast %swap3A_1270 : vector<1x1x16xf32> to vector<16xf32>
        %swap3A_1272 = vector.shape_cast %get3A_1265 : vector<16xf32> to vector<1x1x16xf32>
        tpu.vector_store %arg8[%swap3A_1267, %swap3A_1268, %swap3A_1269], %swap3A_1272 {strides = array<i32>} : memref<2x128x64xf32, #tpu.memory_space<vmem>>, vector<1x1x16xf32>,
        %add3A_1273 = arith.constant 16 : i32
        %add3A_1274 = arith.addi %mul3A_1256, %add3A_1273 : i32
        %multiple_of3A_1275 = tpu.assume_multiple %add3A_1274, 16 : i32
        %get3A_1276 = arith.constant 1 : i32
        %get3A_1277 = arith.index_cast %get3A_1276 : i32 to index
        %get3A_1278 = arith.index_cast %add3A_1250 : i32 to index
        %get3A_1279 = arith.index_cast %multiple_of3A_1275 : i32 to index
        %get3A_1280 = tpu.vector_load %arg7[%get3A_1277, %get3A_1278, %get3A_1279] {strides = array<i32>} : memref<2x128x128xf32, #tpu.memory_space<vmem>>, vector<1x1x16xf32>,
        %get3A_1281 = vector.shape_cast %get3A_1280 : vector<1x1x16xf32> to vector<16xf32>
        %swap3A_1282 = arith.constant 1 : i32
        %swap3A_1283 = arith.index_cast %swap3A_1282 : i32 to index
        %swap3A_1284 = arith.index_cast %add3A_1250 : i32 to index
        %swap3A_1285 = arith.constant 16 : index
        %swap3A_1286 = tpu.vector_load %arg8[%swap3A_1283, %swap3A_1284, %swap3A_1285] {strides = array<i32>} : memref<2x128x64xf32, #tpu.memory_space<vmem>>, vector<1x1x16xf32>,
        %swap3A_1287 = vector.shape_cast %swap3A_1286 : vector<1x1x16xf32> to vector<16xf32>
        %swap3A_1288 = vector.shape_cast %get3A_1281 : vector<16xf32> to vector<1x1x16xf32>
        tpu.vector_store %arg8[%swap3A_1283, %swap3A_1284, %swap3A_1285], %swap3A_1288 {strides = array<i32>} : memref<2x128x64xf32, #tpu.memory_space<vmem>>, vector<1x1x16xf32>,
        %add3A_1289 = arith.constant 32 : i32
        %add3A_1290 = arith.addi %mul3A_1256, %add3A_1289 : i32
        %multiple_of3A_1291 = tpu.assume_multiple %add3A_1290, 16 : i32
        %get3A_1292 = arith.constant 1 : i32
        %get3A_1293 = arith.index_cast %get3A_1292 : i32 to index
        %get3A_1294 = arith.index_cast %add3A_1250 : i32 to index
        %get3A_1295 = arith.index_cast %multiple_of3A_1291 : i32 to index
        %get3A_1296 = tpu.vector_load %arg7[%get3A_1293, %get3A_1294, %get3A_1295] {strides = array<i32>} : memref<2x128x128xf32, #tpu.memory_space<vmem>>, vector<1x1x16xf32>,
        %get3A_1297 = vector.shape_cast %get3A_1296 : vector<1x1x16xf32> to vector<16xf32>
        %swap3A_1298 = arith.constant 1 : i32
        %swap3A_1299 = arith.index_cast %swap3A_1298 : i32 to index
        %swap3A_1300 = arith.index_cast %add3A_1250 : i32 to index
        %swap3A_1301 = arith.constant 32 : index
        %swap3A_1302 = tpu.vector_load %arg8[%swap3A_1299, %swap3A_1300, %swap3A_1301] {strides = array<i32>} : memref<2x128x64xf32, #tpu.memory_space<vmem>>, vector<1x1x16xf32>,
        %swap3A_1303 = vector.shape_cast %swap3A_1302 : vector<1x1x16xf32> to vector<16xf32>
        %swap3A_1304 = vector.shape_cast %get3A_1297 : vector<16xf32> to vector<1x1x16xf32>
        tpu.vector_store %arg8[%swap3A_1299, %swap3A_1300, %swap3A_1301], %swap3A_1304 {strides = array<i32>} : memref<2x128x64xf32, #tpu.memory_space<vmem>>, vector<1x1x16xf32>,
        %add3A_1305 = arith.constant 48 : i32
        %add3A_1306 = arith.addi %mul3A_1256, %add3A_1305 : i32
        %multiple_of3A_1307 = tpu.assume_multiple %add3A_1306, 16 : i32
        %get3A_1308 = arith.constant 1 : i32
        %get3A_1309 = arith.index_cast %get3A_1308 : i32 to index
        %get3A_1310 = arith.index_cast %add3A_1250 : i32 to index
        %get3A_1311 = arith.index_cast %multiple_of3A_1307 : i32 to index
        %get3A_1312 = tpu.vector_load %arg7[%get3A_1309, %get3A_1310, %get3A_1311] {strides = array<i32>} : memref<2x128x128xf32, #tpu.memory_space<vmem>>, vector<1x1x16xf32>,
        %get3A_1313 = vector.shape_cast %get3A_1312 : vector<1x1x16xf32> to vector<16xf32>
        %swap3A_1314 = arith.constant 1 : i32
        %swap3A_1315 = arith.index_cast %swap3A_1314 : i32 to index
        %swap3A_1316 = arith.index_cast %add3A_1250 : i32 to index
        %swap3A_1317 = arith.constant 48 : index
        %swap3A_1318 = tpu.vector_load %arg8[%swap3A_1315, %swap3A_1316, %swap3A_1317] {strides = array<i32>} : memref<2x128x64xf32, #tpu.memory_space<vmem>>, vector<1x1x16xf32>,
        %swap3A_1319 = vector.shape_cast %swap3A_1318 : vector<1x1x16xf32> to vector<16xf32>
        %swap3A_1320 = vector.shape_cast %get3A_1313 : vector<16xf32> to vector<1x1x16xf32>
        tpu.vector_store %arg8[%swap3A_1315, %swap3A_1316, %swap3A_1317], %swap3A_1320 {strides = array<i32>} : memref<2x128x64xf32, #tpu.memory_space<vmem>>, vector<1x1x16xf32>,
        %add3A_1321 = arith.constant 13 : i32
        %add3A_1322 = arith.addi %multiple_of3A, %add3A_1321 : i32
        %slice3A_1323 = vector.extract_strided_slice %get3A_387 {offsets = [13], sizes = [1], strides = [1]} : vector<16xi32> to vector<1xi32>
        %squeeze3A_1324 = vector.extract %slice3A_1323[0] : i32 from vector<1xi32>
        %and3A_1325 = arith.constant 1 : i32
        %and3A_1326 = arith.andi %squeeze3A_1324, %and3A_1325 : i32
        %mul3A_1327 = arith.constant 64 : i32
        %mul3A_1328 = arith.muli %and3A_1326, %mul3A_1327 : i32
        %add3A_1329 = arith.constant 0 : i32
        %add3A_1330 = arith.addi %mul3A_1328, %add3A_1329 : i32
        %multiple_of3A_1331 = tpu.assume_multiple %add3A_1330, 16 : i32
        %get3A_1332 = arith.constant 1 : i32
        %get3A_1333 = arith.index_cast %get3A_1332 : i32 to index
        %get3A_1334 = arith.index_cast %add3A_1322 : i32 to index
        %get3A_1335 = arith.index_cast %multiple_of3A_1331 : i32 to index
        %get3A_1336 = tpu.vector_load %arg7[%get3A_1333, %get3A_1334, %get3A_1335] {strides = array<i32>} : memref<2x128x128xf32, #tpu.memory_space<vmem>>, vector<1x1x16xf32>,
        %get3A_1337 = vector.shape_cast %get3A_1336 : vector<1x1x16xf32> to vector<16xf32>
        %swap3A_1338 = arith.constant 1 : i32
        %swap3A_1339 = arith.index_cast %swap3A_1338 : i32 to index
        %swap3A_1340 = arith.index_cast %add3A_1322 : i32 to index
        %swap3A_1341 = arith.constant 0 : index
        %swap3A_1342 = tpu.vector_load %arg8[%swap3A_1339, %swap3A_1340, %swap3A_1341] {strides = array<i32>} : memref<2x128x64xf32, #tpu.memory_space<vmem>>, vector<1x1x16xf32>,
        %swap3A_1343 = vector.shape_cast %swap3A_1342 : vector<1x1x16xf32> to vector<16xf32>
        %swap3A_1344 = vector.shape_cast %get3A_1337 : vector<16xf32> to vector<1x1x16xf32>
        tpu.vector_store %arg8[%swap3A_1339, %swap3A_1340, %swap3A_1341], %swap3A_1344 {strides = array<i32>} : memref<2x128x64xf32, #tpu.memory_space<vmem>>, vector<1x1x16xf32>,
        %add3A_1345 = arith.constant 16 : i32
        %add3A_1346 = arith.addi %mul3A_1328, %add3A_1345 : i32
        %multiple_of3A_1347 = tpu.assume_multiple %add3A_1346, 16 : i32
        %get3A_1348 = arith.constant 1 : i32
        %get3A_1349 = arith.index_cast %get3A_1348 : i32 to index
        %get3A_1350 = arith.index_cast %add3A_1322 : i32 to index
        %get3A_1351 = arith.index_cast %multiple_of3A_1347 : i32 to index
        %get3A_1352 = tpu.vector_load %arg7[%get3A_1349, %get3A_1350, %get3A_1351] {strides = array<i32>} : memref<2x128x128xf32, #tpu.memory_space<vmem>>, vector<1x1x16xf32>,
        %get3A_1353 = vector.shape_cast %get3A_1352 : vector<1x1x16xf32> to vector<16xf32>
        %swap3A_1354 = arith.constant 1 : i32
        %swap3A_1355 = arith.index_cast %swap3A_1354 : i32 to index
        %swap3A_1356 = arith.index_cast %add3A_1322 : i32 to index
        %swap3A_1357 = arith.constant 16 : index
        %swap3A_1358 = tpu.vector_load %arg8[%swap3A_1355, %swap3A_1356, %swap3A_1357] {strides = array<i32>} : memref<2x128x64xf32, #tpu.memory_space<vmem>>, vector<1x1x16xf32>,
        %swap3A_1359 = vector.shape_cast %swap3A_1358 : vector<1x1x16xf32> to vector<16xf32>
        %swap3A_1360 = vector.shape_cast %get3A_1353 : vector<16xf32> to vector<1x1x16xf32>
        tpu.vector_store %arg8[%swap3A_1355, %swap3A_1356, %swap3A_1357], %swap3A_1360 {strides = array<i32>} : memref<2x128x64xf32, #tpu.memory_space<vmem>>, vector<1x1x16xf32>,
        %add3A_1361 = arith.constant 32 : i32
        %add3A_1362 = arith.addi %mul3A_1328, %add3A_1361 : i32
        %multiple_of3A_1363 = tpu.assume_multiple %add3A_1362, 16 : i32
        %get3A_1364 = arith.constant 1 : i32
        %get3A_1365 = arith.index_cast %get3A_1364 : i32 to index
        %get3A_1366 = arith.index_cast %add3A_1322 : i32 to index
        %get3A_1367 = arith.index_cast %multiple_of3A_1363 : i32 to index
        %get3A_1368 = tpu.vector_load %arg7[%get3A_1365, %get3A_1366, %get3A_1367] {strides = array<i32>} : memref<2x128x128xf32, #tpu.memory_space<vmem>>, vector<1x1x16xf32>,
        %get3A_1369 = vector.shape_cast %get3A_1368 : vector<1x1x16xf32> to vector<16xf32>
        %swap3A_1370 = arith.constant 1 : i32
        %swap3A_1371 = arith.index_cast %swap3A_1370 : i32 to index
        %swap3A_1372 = arith.index_cast %add3A_1322 : i32 to index
        %swap3A_1373 = arith.constant 32 : index
        %swap3A_1374 = tpu.vector_load %arg8[%swap3A_1371, %swap3A_1372, %swap3A_1373] {strides = array<i32>} : memref<2x128x64xf32, #tpu.memory_space<vmem>>, vector<1x1x16xf32>,
        %swap3A_1375 = vector.shape_cast %swap3A_1374 : vector<1x1x16xf32> to vector<16xf32>
        %swap3A_1376 = vector.shape_cast %get3A_1369 : vector<16xf32> to vector<1x1x16xf32>
        tpu.vector_store %arg8[%swap3A_1371, %swap3A_1372, %swap3A_1373], %swap3A_1376 {strides = array<i32>} : memref<2x128x64xf32, #tpu.memory_space<vmem>>, vector<1x1x16xf32>,
        %add3A_1377 = arith.constant 48 : i32
        %add3A_1378 = arith.addi %mul3A_1328, %add3A_1377 : i32
        %multiple_of3A_1379 = tpu.assume_multiple %add3A_1378, 16 : i32
        %get3A_1380 = arith.constant 1 : i32
        %get3A_1381 = arith.index_cast %get3A_1380 : i32 to index
        %get3A_1382 = arith.index_cast %add3A_1322 : i32 to index
        %get3A_1383 = arith.index_cast %multiple_of3A_1379 : i32 to index
        %get3A_1384 = tpu.vector_load %arg7[%get3A_1381, %get3A_1382, %get3A_1383] {strides = array<i32>} : memref<2x128x128xf32, #tpu.memory_space<vmem>>, vector<1x1x16xf32>,
        %get3A_1385 = vector.shape_cast %get3A_1384 : vector<1x1x16xf32> to vector<16xf32>
        %swap3A_1386 = arith.constant 1 : i32
        %swap3A_1387 = arith.index_cast %swap3A_1386 : i32 to index
        %swap3A_1388 = arith.index_cast %add3A_1322 : i32 to index
        %swap3A_1389 = arith.constant 48 : index
        %swap3A_1390 = tpu.vector_load %arg8[%swap3A_1387, %swap3A_1388, %swap3A_1389] {strides = array<i32>} : memref<2x128x64xf32, #tpu.memory_space<vmem>>, vector<1x1x16xf32>,
        %swap3A_1391 = vector.shape_cast %swap3A_1390 : vector<1x1x16xf32> to vector<16xf32>
        %swap3A_1392 = vector.shape_cast %get3A_1385 : vector<16xf32> to vector<1x1x16xf32>
        tpu.vector_store %arg8[%swap3A_1387, %swap3A_1388, %swap3A_1389], %swap3A_1392 {strides = array<i32>} : memref<2x128x64xf32, #tpu.memory_space<vmem>>, vector<1x1x16xf32>,
        %add3A_1393 = arith.constant 14 : i32
        %add3A_1394 = arith.addi %multiple_of3A, %add3A_1393 : i32
        %slice3A_1395 = vector.extract_strided_slice %get3A_387 {offsets = [14], sizes = [1], strides = [1]} : vector<16xi32> to vector<1xi32>
        %squeeze3A_1396 = vector.extract %slice3A_1395[0] : i32 from vector<1xi32>
        %and3A_1397 = arith.constant 1 : i32
        %and3A_1398 = arith.andi %squeeze3A_1396, %and3A_1397 : i32
        %mul3A_1399 = arith.constant 64 : i32
        %mul3A_1400 = arith.muli %and3A_1398, %mul3A_1399 : i32
        %add3A_1401 = arith.constant 0 : i32
        %add3A_1402 = arith.addi %mul3A_1400, %add3A_1401 : i32
        %multiple_of3A_1403 = tpu.assume_multiple %add3A_1402, 16 : i32
        %get3A_1404 = arith.constant 1 : i32
        %get3A_1405 = arith.index_cast %get3A_1404 : i32 to index
        %get3A_1406 = arith.index_cast %add3A_1394 : i32 to index
        %get3A_1407 = arith.index_cast %multiple_of3A_1403 : i32 to index
        %get3A_1408 = tpu.vector_load %arg7[%get3A_1405, %get3A_1406, %get3A_1407] {strides = array<i32>} : memref<2x128x128xf32, #tpu.memory_space<vmem>>, vector<1x1x16xf32>,
        %get3A_1409 = vector.shape_cast %get3A_1408 : vector<1x1x16xf32> to vector<16xf32>
        %swap3A_1410 = arith.constant 1 : i32
        %swap3A_1411 = arith.index_cast %swap3A_1410 : i32 to index
        %swap3A_1412 = arith.index_cast %add3A_1394 : i32 to index
        %swap3A_1413 = arith.constant 0 : index
        %swap3A_1414 = tpu.vector_load %arg8[%swap3A_1411, %swap3A_1412, %swap3A_1413] {strides = array<i32>} : memref<2x128x64xf32, #tpu.memory_space<vmem>>, vector<1x1x16xf32>,
        %swap3A_1415 = vector.shape_cast %swap3A_1414 : vector<1x1x16xf32> to vector<16xf32>
        %swap3A_1416 = vector.shape_cast %get3A_1409 : vector<16xf32> to vector<1x1x16xf32>
        tpu.vector_store %arg8[%swap3A_1411, %swap3A_1412, %swap3A_1413], %swap3A_1416 {strides = array<i32>} : memref<2x128x64xf32, #tpu.memory_space<vmem>>, vector<1x1x16xf32>,
        %add3A_1417 = arith.constant 16 : i32
        %add3A_1418 = arith.addi %mul3A_1400, %add3A_1417 : i32
        %multiple_of3A_1419 = tpu.assume_multiple %add3A_1418, 16 : i32
        %get3A_1420 = arith.constant 1 : i32
        %get3A_1421 = arith.index_cast %get3A_1420 : i32 to index
        %get3A_1422 = arith.index_cast %add3A_1394 : i32 to index
        %get3A_1423 = arith.index_cast %multiple_of3A_1419 : i32 to index
        %get3A_1424 = tpu.vector_load %arg7[%get3A_1421, %get3A_1422, %get3A_1423] {strides = array<i32>} : memref<2x128x128xf32, #tpu.memory_space<vmem>>, vector<1x1x16xf32>,
        %get3A_1425 = vector.shape_cast %get3A_1424 : vector<1x1x16xf32> to vector<16xf32>
        %swap3A_1426 = arith.constant 1 : i32
        %swap3A_1427 = arith.index_cast %swap3A_1426 : i32 to index
        %swap3A_1428 = arith.index_cast %add3A_1394 : i32 to index
        %swap3A_1429 = arith.constant 16 : index
        %swap3A_1430 = tpu.vector_load %arg8[%swap3A_1427, %swap3A_1428, %swap3A_1429] {strides = array<i32>} : memref<2x128x64xf32, #tpu.memory_space<vmem>>, vector<1x1x16xf32>,
        %swap3A_1431 = vector.shape_cast %swap3A_1430 : vector<1x1x16xf32> to vector<16xf32>
        %swap3A_1432 = vector.shape_cast %get3A_1425 : vector<16xf32> to vector<1x1x16xf32>
        tpu.vector_store %arg8[%swap3A_1427, %swap3A_1428, %swap3A_1429], %swap3A_1432 {strides = array<i32>} : memref<2x128x64xf32, #tpu.memory_space<vmem>>, vector<1x1x16xf32>,
        %add3A_1433 = arith.constant 32 : i32
        %add3A_1434 = arith.addi %mul3A_1400, %add3A_1433 : i32
        %multiple_of3A_1435 = tpu.assume_multiple %add3A_1434, 16 : i32
        %get3A_1436 = arith.constant 1 : i32
        %get3A_1437 = arith.index_cast %get3A_1436 : i32 to index
        %get3A_1438 = arith.index_cast %add3A_1394 : i32 to index
        %get3A_1439 = arith.index_cast %multiple_of3A_1435 : i32 to index
        %get3A_1440 = tpu.vector_load %arg7[%get3A_1437, %get3A_1438, %get3A_1439] {strides = array<i32>} : memref<2x128x128xf32, #tpu.memory_space<vmem>>, vector<1x1x16xf32>,
        %get3A_1441 = vector.shape_cast %get3A_1440 : vector<1x1x16xf32> to vector<16xf32>
        %swap3A_1442 = arith.constant 1 : i32
        %swap3A_1443 = arith.index_cast %swap3A_1442 : i32 to index
        %swap3A_1444 = arith.index_cast %add3A_1394 : i32 to index
        %swap3A_1445 = arith.constant 32 : index
        %swap3A_1446 = tpu.vector_load %arg8[%swap3A_1443, %swap3A_1444, %swap3A_1445] {strides = array<i32>} : memref<2x128x64xf32, #tpu.memory_space<vmem>>, vector<1x1x16xf32>,
        %swap3A_1447 = vector.shape_cast %swap3A_1446 : vector<1x1x16xf32> to vector<16xf32>
        %swap3A_1448 = vector.shape_cast %get3A_1441 : vector<16xf32> to vector<1x1x16xf32>
        tpu.vector_store %arg8[%swap3A_1443, %swap3A_1444, %swap3A_1445], %swap3A_1448 {strides = array<i32>} : memref<2x128x64xf32, #tpu.memory_space<vmem>>, vector<1x1x16xf32>,
        %add3A_1449 = arith.constant 48 : i32
        %add3A_1450 = arith.addi %mul3A_1400, %add3A_1449 : i32
        %multiple_of3A_1451 = tpu.assume_multiple %add3A_1450, 16 : i32
        %get3A_1452 = arith.constant 1 : i32
        %get3A_1453 = arith.index_cast %get3A_1452 : i32 to index
        %get3A_1454 = arith.index_cast %add3A_1394 : i32 to index
        %get3A_1455 = arith.index_cast %multiple_of3A_1451 : i32 to index
        %get3A_1456 = tpu.vector_load %arg7[%get3A_1453, %get3A_1454, %get3A_1455] {strides = array<i32>} : memref<2x128x128xf32, #tpu.memory_space<vmem>>, vector<1x1x16xf32>,
        %get3A_1457 = vector.shape_cast %get3A_1456 : vector<1x1x16xf32> to vector<16xf32>
        %swap3A_1458 = arith.constant 1 : i32
        %swap3A_1459 = arith.index_cast %swap3A_1458 : i32 to index
        %swap3A_1460 = arith.index_cast %add3A_1394 : i32 to index
        %swap3A_1461 = arith.constant 48 : index
        %swap3A_1462 = tpu.vector_load %arg8[%swap3A_1459, %swap3A_1460, %swap3A_1461] {strides = array<i32>} : memref<2x128x64xf32, #tpu.memory_space<vmem>>, vector<1x1x16xf32>,
        %swap3A_1463 = vector.shape_cast %swap3A_1462 : vector<1x1x16xf32> to vector<16xf32>
        %swap3A_1464 = vector.shape_cast %get3A_1457 : vector<16xf32> to vector<1x1x16xf32>
        tpu.vector_store %arg8[%swap3A_1459, %swap3A_1460, %swap3A_1461], %swap3A_1464 {strides = array<i32>} : memref<2x128x64xf32, #tpu.memory_space<vmem>>, vector<1x1x16xf32>,
        %add3A_1465 = arith.constant 15 : i32
        %add3A_1466 = arith.addi %multiple_of3A, %add3A_1465 : i32
        %slice3A_1467 = vector.extract_strided_slice %get3A_387 {offsets = [15], sizes = [1], strides = [1]} : vector<16xi32> to vector<1xi32>
        %squeeze3A_1468 = vector.extract %slice3A_1467[0] : i32 from vector<1xi32>
        %and3A_1469 = arith.constant 1 : i32
        %and3A_1470 = arith.andi %squeeze3A_1468, %and3A_1469 : i32
        %mul3A_1471 = arith.constant 64 : i32
        %mul3A_1472 = arith.muli %and3A_1470, %mul3A_1471 : i32
        %add3A_1473 = arith.constant 0 : i32
        %add3A_1474 = arith.addi %mul3A_1472, %add3A_1473 : i32
        %multiple_of3A_1475 = tpu.assume_multiple %add3A_1474, 16 : i32
        %get3A_1476 = arith.constant 1 : i32
        %get3A_1477 = arith.index_cast %get3A_1476 : i32 to index
        %get3A_1478 = arith.index_cast %add3A_1466 : i32 to index
        %get3A_1479 = arith.index_cast %multiple_of3A_1475 : i32 to index
        %get3A_1480 = tpu.vector_load %arg7[%get3A_1477, %get3A_1478, %get3A_1479] {strides = array<i32>} : memref<2x128x128xf32, #tpu.memory_space<vmem>>, vector<1x1x16xf32>,
        %get3A_1481 = vector.shape_cast %get3A_1480 : vector<1x1x16xf32> to vector<16xf32>
        %swap3A_1482 = arith.constant 1 : i32
        %swap3A_1483 = arith.index_cast %swap3A_1482 : i32 to index
        %swap3A_1484 = arith.index_cast %add3A_1466 : i32 to index
        %swap3A_1485 = arith.constant 0 : index
        %swap3A_1486 = tpu.vector_load %arg8[%swap3A_1483, %swap3A_1484, %swap3A_1485] {strides = array<i32>} : memref<2x128x64xf32, #tpu.memory_space<vmem>>, vector<1x1x16xf32>,
        %swap3A_1487 = vector.shape_cast %swap3A_1486 : vector<1x1x16xf32> to vector<16xf32>
        %swap3A_1488 = vector.shape_cast %get3A_1481 : vector<16xf32> to vector<1x1x16xf32>
        tpu.vector_store %arg8[%swap3A_1483, %swap3A_1484, %swap3A_1485], %swap3A_1488 {strides = array<i32>} : memref<2x128x64xf32, #tpu.memory_space<vmem>>, vector<1x1x16xf32>,
        %add3A_1489 = arith.constant 16 : i32
        %add3A_1490 = arith.addi %mul3A_1472, %add3A_1489 : i32
        %multiple_of3A_1491 = tpu.assume_multiple %add3A_1490, 16 : i32
        %get3A_1492 = arith.constant 1 : i32
        %get3A_1493 = arith.index_cast %get3A_1492 : i32 to index
        %get3A_1494 = arith.index_cast %add3A_1466 : i32 to index
        %get3A_1495 = arith.index_cast %multiple_of3A_1491 : i32 to index
        %get3A_1496 = tpu.vector_load %arg7[%get3A_1493, %get3A_1494, %get3A_1495] {strides = array<i32>} : memref<2x128x128xf32, #tpu.memory_space<vmem>>, vector<1x1x16xf32>,
        %get3A_1497 = vector.shape_cast %get3A_1496 : vector<1x1x16xf32> to vector<16xf32>
        %swap3A_1498 = arith.constant 1 : i32
        %swap3A_1499 = arith.index_cast %swap3A_1498 : i32 to index
        %swap3A_1500 = arith.index_cast %add3A_1466 : i32 to index
        %swap3A_1501 = arith.constant 16 : index
        %swap3A_1502 = tpu.vector_load %arg8[%swap3A_1499, %swap3A_1500, %swap3A_1501] {strides = array<i32>} : memref<2x128x64xf32, #tpu.memory_space<vmem>>, vector<1x1x16xf32>,
        %swap3A_1503 = vector.shape_cast %swap3A_1502 : vector<1x1x16xf32> to vector<16xf32>
        %swap3A_1504 = vector.shape_cast %get3A_1497 : vector<16xf32> to vector<1x1x16xf32>
        tpu.vector_store %arg8[%swap3A_1499, %swap3A_1500, %swap3A_1501], %swap3A_1504 {strides = array<i32>} : memref<2x128x64xf32, #tpu.memory_space<vmem>>, vector<1x1x16xf32>,
        %add3A_1505 = arith.constant 32 : i32
        %add3A_1506 = arith.addi %mul3A_1472, %add3A_1505 : i32
        %multiple_of3A_1507 = tpu.assume_multiple %add3A_1506, 16 : i32
        %get3A_1508 = arith.constant 1 : i32
        %get3A_1509 = arith.index_cast %get3A_1508 : i32 to index
        %get3A_1510 = arith.index_cast %add3A_1466 : i32 to index
        %get3A_1511 = arith.index_cast %multiple_of3A_1507 : i32 to index
        %get3A_1512 = tpu.vector_load %arg7[%get3A_1509, %get3A_1510, %get3A_1511] {strides = array<i32>} : memref<2x128x128xf32, #tpu.memory_space<vmem>>, vector<1x1x16xf32>,
        %get3A_1513 = vector.shape_cast %get3A_1512 : vector<1x1x16xf32> to vector<16xf32>
        %swap3A_1514 = arith.constant 1 : i32
        %swap3A_1515 = arith.index_cast %swap3A_1514 : i32 to index
        %swap3A_1516 = arith.index_cast %add3A_1466 : i32 to index
        %swap3A_1517 = arith.constant 32 : index
        %swap3A_1518 = tpu.vector_load %arg8[%swap3A_1515, %swap3A_1516, %swap3A_1517] {strides = array<i32>} : memref<2x128x64xf32, #tpu.memory_space<vmem>>, vector<1x1x16xf32>,
        %swap3A_1519 = vector.shape_cast %swap3A_1518 : vector<1x1x16xf32> to vector<16xf32>
        %swap3A_1520 = vector.shape_cast %get3A_1513 : vector<16xf32> to vector<1x1x16xf32>
        tpu.vector_store %arg8[%swap3A_1515, %swap3A_1516, %swap3A_1517], %swap3A_1520 {strides = array<i32>} : memref<2x128x64xf32, #tpu.memory_space<vmem>>, vector<1x1x16xf32>,
        %add3A_1521 = arith.constant 48 : i32
        %add3A_1522 = arith.addi %mul3A_1472, %add3A_1521 : i32
        %multiple_of3A_1523 = tpu.assume_multiple %add3A_1522, 16 : i32
        %get3A_1524 = arith.constant 1 : i32
        %get3A_1525 = arith.index_cast %get3A_1524 : i32 to index
        %get3A_1526 = arith.index_cast %add3A_1466 : i32 to index
        %get3A_1527 = arith.index_cast %multiple_of3A_1523 : i32 to index
        %get3A_1528 = tpu.vector_load %arg7[%get3A_1525, %get3A_1526, %get3A_1527] {strides = array<i32>} : memref<2x128x128xf32, #tpu.memory_space<vmem>>, vector<1x1x16xf32>,
        %get3A_1529 = vector.shape_cast %get3A_1528 : vector<1x1x16xf32> to vector<16xf32>
        %swap3A_1530 = arith.constant 1 : i32
        %swap3A_1531 = arith.index_cast %swap3A_1530 : i32 to index
        %swap3A_1532 = arith.index_cast %add3A_1466 : i32 to index
        %swap3A_1533 = arith.constant 48 : index
        %swap3A_1534 = tpu.vector_load %arg8[%swap3A_1531, %swap3A_1532, %swap3A_1533] {strides = array<i32>} : memref<2x128x64xf32, #tpu.memory_space<vmem>>, vector<1x1x16xf32>,
        %swap3A_1535 = vector.shape_cast %swap3A_1534 : vector<1x1x16xf32> to vector<16xf32>
        %swap3A_1536 = vector.shape_cast %get3A_1529 : vector<16xf32> to vector<1x1x16xf32>
        tpu.vector_store %arg8[%swap3A_1531, %swap3A_1532, %swap3A_1533], %swap3A_1536 {strides = array<i32>} : memref<2x128x64xf32, #tpu.memory_space<vmem>>, vector<1x1x16xf32>,
      }
      %scan3A_366 = arith.constant 8 : i32
      %dma_start3A_367 = arith.constant 1 : i32
      %dma_start3A_368 = arith.constant 0 : i32
      %dma_start3A_369 = arith.constant 0 : i32
      %dma_start3A_370 = tpu.memref_slice %arg8[%dma_start3A_367, %dma_start3A_368, %dma_start3A_369] : memref<2x128x64xf32, #tpu.memory_space<vmem>> -> memref<1x128x64xf32, #tpu.memory_space<vmem>>
      %dma_start3A_371 = tpu.memref_squeeze %dma_start3A_370 : memref<1x128x64xf32, #tpu.memory_space<vmem>> -> memref<128x64xf32, #tpu.memory_space<vmem>>
      %dma_start3A_372 = arith.constant 0 : i32
      %dma_start3A_373 = tpu.memref_slice %arg4[%add3A_348, %dma_start3A_372] : memref<819200x64xf32, #tpu.memory_space<hbm>> -> memref<128x64xf32, #tpu.memory_space<hbm>>
      %dma_start3A_374 = arith.constant 0 : i32
      %dma_start3A_375 = tpu.memref_slice %arg4[%add3A_348, %dma_start3A_374] : memref<819200x64xf32, #tpu.memory_space<hbm>> -> memref<128x64xf32, #tpu.memory_space<hbm>>
      %dma_start3A_376 = arith.constant 0 : i32
      %dma_start3A_377 = arith.constant 0 : i32
      %dma_start3A_378 = tpu.memref_slice %arg8[%dma_start3A_367, %dma_start3A_376, %dma_start3A_377] : memref<2x128x64xf32, #tpu.memory_space<vmem>> -> memref<1x128x64xf32, #tpu.memory_space<vmem>>
      %dma_start3A_379 = tpu.memref_squeeze %dma_start3A_378 : memref<1x128x64xf32, #tpu.memory_space<vmem>> -> memref<128x64xf32, #tpu.memory_space<vmem>>
      tpu.enqueue_dma source(%dma_start3A_379 : memref<128x64xf32, #tpu.memory_space<vmem>>) target(%dma_start3A_375 : memref<128x64xf32, #tpu.memory_space<hbm>>) target_semaphore(%arg12 : memref<!tpu.dma_semaphore, #tpu.memory_space<semaphore_mem>>)
    }
    %scan3A_7 = arith.constant 100 : i32
    %add3A_8 = arith.constant 25344 : i32
    %add3A_9 = arith.addi %mul3A_2, %add3A_8 : i32
    %dma_wait3A = arith.constant 0 : i32
    %dma_wait3A_10 = arith.constant 0 : i32
    %dma_wait3A_11 = arith.constant 0 : i32
    %dma_wait3A_12 = tpu.memref_slice %arg8[%dma_wait3A, %dma_wait3A_10, %dma_wait3A_11] : memref<2x128x64xf32, #tpu.memory_space<vmem>> -> memref<1x128x64xf32, #tpu.memory_space<vmem>>
    %dma_wait3A_13 = tpu.memref_squeeze %dma_wait3A_12 : memref<1x128x64xf32, #tpu.memory_space<vmem>> -> memref<128x64xf32, #tpu.memory_space<vmem>>
    %dma_wait3A_14 = arith.constant 0 : i32
    %dma_wait3A_15 = tpu.memref_slice %arg4[%add3A_9, %dma_wait3A_14] : memref<819200x64xf32, #tpu.memory_space<hbm>> -> memref<128x64xf32, #tpu.memory_space<hbm>>
    %dma_wait3A_16 = arith.constant 0 : i32
    %dma_wait3A_17 = tpu.memref_slice %arg4[%add3A_9, %dma_wait3A_16] : memref<819200x64xf32, #tpu.memory_space<hbm>> -> memref<128x64xf32, #tpu.memory_space<hbm>>
    %dma_wait3A_18 = arith.constant 0 : i32
    %dma_wait3A_19 = arith.constant 0 : i32
    %dma_wait3A_20 = tpu.memref_slice %arg8[%dma_wait3A, %dma_wait3A_18, %dma_wait3A_19] : memref<2x128x64xf32, #tpu.memory_space<vmem>> -> memref<1x128x64xf32, #tpu.memory_space<vmem>>
    %dma_wait3A_21 = tpu.memref_squeeze %dma_wait3A_20 : memref<1x128x64xf32, #tpu.memory_space<vmem>> -> memref<128x64xf32, #tpu.memory_space<vmem>>
    tpu.wait_dma2 semaphore(%arg11 : memref<!tpu.dma_semaphore, #tpu.memory_space<semaphore_mem>>) src(%dma_wait3A_21 : memref<128x64xf32, #tpu.memory_space<vmem>>) dst(%dma_wait3A_17 : memref<128x64xf32, #tpu.memory_space<hbm>>)
    %add3A_22 = arith.constant 25472 : i32
    %add3A_23 = arith.addi %mul3A_2, %add3A_22 : i32
    %dma_wait3A_24 = arith.constant 1 : i32
    %dma_wait3A_25 = arith.constant 0 : i32
    %dma_wait3A_26 = arith.constant 0 : i32
    %dma_wait3A_27 = tpu.memref_slice %arg8[%dma_wait3A_24, %dma_wait3A_25, %dma_wait3A_26] : memref<2x128x64xf32, #tpu.memory_space<vmem>> -> memref<1x128x64xf32, #tpu.memory_space<vmem>>
    %dma_wait3A_28 = tpu.memref_squeeze %dma_wait3A_27 : memref<1x128x64xf32, #tpu.memory_space<vmem>> -> memref<128x64xf32, #tpu.memory_space<vmem>>
    %dma_wait3A_29 = arith.constant 0 : i32
    %dma_wait3A_30 = tpu.memref_slice %arg4[%add3A_23, %dma_wait3A_29] : memref<819200x64xf32, #tpu.memory_space<hbm>> -> memref<128x64xf32, #tpu.memory_space<hbm>>
    %dma_wait3A_31 = arith.constant 0 : i32
    %dma_wait3A_32 = tpu.memref_slice %arg4[%add3A_23, %dma_wait3A_31] : memref<819200x64xf32, #tpu.memory_space<hbm>> -> memref<128x64xf32, #tpu.memory_space<hbm>>
    %dma_wait3A_33 = arith.constant 0 : i32
    %dma_wait3A_34 = arith.constant 0 : i32
    %dma_wait3A_35 = tpu.memref_slice %arg8[%dma_wait3A_24, %dma_wait3A_33, %dma_wait3A_34] : memref<2x128x64xf32, #tpu.memory_space<vmem>> -> memref<1x128x64xf32, #tpu.memory_space<vmem>>
    %dma_wait3A_36 = tpu.memref_squeeze %dma_wait3A_35 : memref<1x128x64xf32, #tpu.memory_space<vmem>> -> memref<128x64xf32, #tpu.memory_space<vmem>>
    tpu.wait_dma2 semaphore(%arg12 : memref<!tpu.dma_semaphore, #tpu.memory_space<semaphore_mem>>) src(%dma_wait3A_36 : memref<128x64xf32, #tpu.memory_space<vmem>>) dst(%dma_wait3A_32 : memref<128x64xf32, #tpu.memory_space<hbm>>)
    return
  }
}

</mosaic_0001>

<sc_bundles>
// kernel: kernel.3.cloned.1.call-start
scs
__scs_entry_jumppad:
0x0: {  	(pc) =	sbr.rel $0x88, $3  }
0x1: {  	(tag) =	ssettag $0x0;
	lr =	simm.s32 $0x1  }
0x2: {  	[smem:$0x3F9F] =	sst lr;
	_ =	strace $0xD0000000  }
0x3: {  	_ = 	snop  }
0x4: {  	_ = 	snop  }
0x5: {  	_ = 	snop  }
0x6: {  	_ = 	snop  }
0x7: {  	_ = 	snop  }
__scs_overlays_trampoline_lowered:
0x8: {  	[smem:$0x3FAE] =	sst s0  }
0x9: {  	[smem:$0x3FAF] =	sst s1  }
0xa: {  	[smem:$0x3FB0] =	sst s2  }
0xb: {  	[smem:$0x3FB1] =	sst s3  }
0xc: {  	[smem:$0x3FB2] =	sst s4  }
0xd: {  	[smem:$0x3FB3] =	sst s5  }
0xe: {  	[smem:$0x3FB4] =	sst s6  }
0xf: {  	[smem:$0x3FB5] =	sst s7  }
0x10: {  	[smem:$0x3FB6] =	sst s8  }
0x11: {  	[smem:$0x3FB7] =	sst s9;
	s0 =	simm.s32 @!p0 $0x0  }
0x12: {  	s1 =	sld [smem:$0x3F9D];
	s0 =	simm.s32 @p0 $0x1  }
0x13: {  	[smem:$0x3FB8] =	sst s0;
	s0 =	simm.s32 @!p1 $0x0  }
0x14: {  	s2 =	sld [smem:$0x3F9C];
	s0 =	simm.s32 @p1 $0x1  }
0x15: {  	[smem:$0x3FB9] =	sst s0;
	s0 =	simm.s32 @!p2 $0x0  }
0x16: {  	s3 =	sld [smem:$0x3FDB];
	s0 =	simm.s32 @p2 $0x1  }
0x17: {  	s4 =	simm.s32 $0x1BF5;
	[smem:$0x3FBB] =	sst s0  }
0x18: {  	s0 =	sld [smem:$0x3F9E];
	_ =	swait.ge [sflag:s4], $0x0  }
0x19: {  	s7 =	sld [smem:$0x3F9F]  }
0x1a: {  	s8 =	sadd.s32 $0xFFFFE003, lr  }
0x1b: {  	s9 =	sadd.s32 $0xFFFFFEF7, lr;
	s5 =	simm.s32 $0xFFFFFFFF;
	p2 =	slt.u32 s8, $0xFFFFF086  }
0x1c: {  	p1 =	slt.u32 s9, $0xF7A;
	s5 =	simm.s32 @!p2 $0x0  }
0x1d: {  	s5 =	simm.s32 @p1 $0x1;
	p0 =	seq.s32 s7, s2  }
0x1e: {  	s7 =	smul.u32 @!p0 $0xF7A, s2;
	p2 =	seq.s32 @!p0 s5, $0x0  }
0x1f: {  	s9 =	smul.u32 $0xF7A, s1;
	s8 =	simm.s32 @!p0 $0x1BF5;
	p2 =	por !p2, p0  }
0x20: {  	[sflag:s8] =	ssyncset.s32 @!p0 $0xFFFFF086;
	s6 =	sadd.s32 @!p0 s3, s7;
	s7 =	simm.s32 @!p0 $0x108  }
0x21: {  	s3 =	sadd.s32 s3, s9;
	s6 =	sadd.s32 @!p0 $0x88, s6;
	s7 =	simm.s32 @p2 $0x1082  }
0x22: {  	[simem:s7], [sflag:s8] =	dma.local @!p0 [hbm:s6], $0xF7A  }
0x23: {  	s9 =	sor.u32 $0xD0000000, s2;
	s6 =	simm.s32 $0x108;
	_ =	swait.ge @!p0 [sflag:s8], $0x0  }
0x24: {  	s3 =	sadd.s32 $0x88, s3;
	s6 =	simm.s32 @!p1 $0x1082;
	[sflag:s4] =	ssyncset.s32 $0xFFFFF086  }
0x25: {  	[simem:s6], [sflag:s4] =	dma.local [hbm:s3], $0xF7A  }
0x26: {  	[smem:$0x3F9F] =	sst s1;
	(tag) =	ssettag s2;
	_ =	strace s9  }
0x27: {  	s1 =	sld [smem:$0x3FAF]  }
0x28: {  	s2 =	sld [smem:$0x3FB0]  }
0x29: {  	s4 =	sld [smem:$0x3FB2]  }
0x2a: {  	p0 =	seq.s32 s5, $0x0;
	s5 =	sld [smem:$0x3FB3]  }
0x2b: {  	s6 =	sld [smem:$0x3FB4]  }
0x2c: {  	s7 =	sld [smem:$0x3FB5]  }
0x2d: {  	s3 =	simm.s32 $0x108;
	s8 =	sld [smem:$0x3FB6]  }
0x2e: {  	s3 =	simm.s32 @!p0 $0x1082;
	s9 =	sld [smem:$0x3FB7]  }
0x2f: {  	lr =	sadd.s32 s0, s3;
	s0 =	sld [smem:$0x3FAE]  }
0x30: {  	s3 =	sld [smem:$0x3FB1]  }
0x31: {  	[smem:$0x3FBA] =	sst s10  }
0x32: {  	s10 =	sld [smem:$0x3FB8];
	_ =	sdelay $0x3  }
0x33: {  	p0 =	seq.s32 s10, $0x1;
	s10 =	sld [smem:$0x3FBA];
	_ =	sdelay $0x3  }
0x34: {  	[smem:$0x3FBA] =	sst s10  }
0x35: {  	s10 =	sld [smem:$0x3FB9];
	_ =	sdelay $0x3  }
0x36: {  	p1 =	seq.s32 s10, $0x1;
	s10 =	sld [smem:$0x3FBA];
	_ =	sdelay $0x3  }
0x37: {  	[smem:$0x3FBA] =	sst s10  }
0x38: {  	s10 =	sld [smem:$0x3FBB]  }
0x39: {  	_ = 	snop;
	(pc) =	sbr.ind lr, $3  }
0x3a: {  	_ = 	snop  }
0x3b: {  	_ = 	snop  }
0x3c: {  	p2 =	seq.s32 s10, $0x1;
	s10 =	sld [smem:$0x3FBA]  }
0x3d: {  	_ =	shalt  }
0x3e: {  	_ =	shalt  }
0x3f: {  	_ =	shalt  }
0x40: {  	_ =	shalt  }
0x41: {  	_ =	shalt  }
0x42: {  	_ =	shalt  }
0x43: {  	_ =	shalt  }
0x44: {  	_ =	shalt  }
0x45: {  	_ =	shalt  }
0x46: {  	_ =	shalt  }
0x47: {  	_ =	shalt  }
0x48: {  	_ =	shalt  }
0x49: {  	_ =	shalt  }
0x4a: {  	_ =	shalt  }
0x4b: {  	_ =	shalt  }
0x4c: {  	_ =	shalt  }
0x4d: {  	_ =	shalt  }
0x4e: {  	_ =	shalt  }
0x4f: {  	_ =	shalt  }
0x50: {  	_ =	shalt  }
0x51: {  	_ =	shalt  }
0x52: {  	_ =	shalt  }
0x53: {  	_ =	shalt  }
0x54: {  	_ =	shalt  }
0x55: {  	_ =	shalt  }
0x56: {  	_ =	shalt  }
0x57: {  	_ =	shalt  }
0x58: {  	_ =	shalt  }
0x59: {  	_ =	shalt  }
0x5a: {  	_ =	shalt  }
0x5b: {  	_ =	shalt  }
0x5c: {  	_ =	shalt  }
0x5d: {  	_ =	shalt  }
0x5e: {  	_ =	shalt  }
0x5f: {  	_ =	shalt  }
0x60: {  	_ =	shalt  }
0x61: {  	_ =	shalt  }
0x62: {  	_ =	shalt  }
0x63: {  	_ =	shalt  }
0x64: {  	_ =	shalt  }
0x65: {  	_ =	shalt  }
0x66: {  	_ =	shalt  }
0x67: {  	_ =	shalt  }
0x68: {  	_ =	shalt  }
0x69: {  	_ =	shalt  }
0x6a: {  	_ =	shalt  }
0x6b: {  	_ =	shalt  }
0x6c: {  	_ =	shalt  }
0x6d: {  	_ =	shalt  }
0x6e: {  	_ =	shalt  }
0x6f: {  	_ =	shalt  }
0x70: {  	_ =	shalt  }
0x71: {  	_ =	shalt  }
0x72: {  	_ =	shalt  }
0x73: {  	_ =	shalt  }
0x74: {  	_ =	shalt  }
0x75: {  	_ =	shalt  }
0x76: {  	_ =	shalt  }
0x77: {  	_ =	shalt  }
0x78: {  	_ =	shalt  }
0x79: {  	_ =	shalt  }
0x7a: {  	_ =	shalt  }
0x7b: {  	_ =	shalt  }
0x7c: {  	_ =	shalt  }
0x7d: {  	_ =	shalt  }
0x7e: {  	_ =	shalt  }
0x7f: {  	_ =	shalt  }
0x80: {  	_ =	shalt  }
0x81: {  	_ =	shalt  }
0x82: {  	_ =	shalt  }
0x83: {  	_ =	shalt  }
0x84: {  	_ =	shalt  }
0x85: {  	_ =	shalt  }
0x86: {  	_ =	shalt  }
0x87: {  	_ =	shalt  }
.Lfunc_end0:
.L_simem_size_0:
called_computation.1_lowered:
.L_overlay_start_0:
0x88: {  	s2 =	sld [smem:$0x3FD9]  }
0x89: {  	s3 =	sld [smem:$0x3FFE];
	_ =	sdelay $0x1  }
0x8a: {  	s1 =	srdreg.scid  }
0x8b: {  	s0 =	sand.u32 $0x1, s1  }
0x8c: {  	s17 =	sshll.u32 s0, $0xA;
	s2 =	sadd.s32 s3, s2  }
0x8d: {  	s2 =	sadd.s32 s2, s17  }
0x8e: {  	[smem:$0x3FC6] =	sst s2  }
0x8f: {  	_ = 	snop  }
0x90: {  	s2 =	sld [smem:$0x3FD0];
	(tm) =	ssettm $0x1  }
0x91: {  	s18 =	sld [smem:$0x3FFB];
	_ =	sdelay $0x3  }
0x92: {  	_ =	strace s18  }
0x93: {  	s3 =	sld [smem:$0x3FFC];
	_ =	sdelay $0x3  }
0x94: {  	_ =	strace s3  }
0x95: {  	s3 =	sld [smem:$0x3FFD];
	_ =	sdelay $0x3  }
0x96: {  	_ =	strace s3  }
0x97: {  	_ =	strace $0x8FFFFFFF  }
0x98: {  	s19 =	sld [smem:$0x3FDB];
	_ =	sdelay $0x1  }
0x99: {  	s4 =	simm.s32 $_scs_section_size  }
0x9a: {  	s5 =	simm.s32 $_size__tile_overlayer_lowered;
	s6 =	simm.s32 $_tile_overlayer_lowered  }
0x9b: {  	s22 =	simm.s32 $0x1BFF;
	s21 =	sshll.u32 s6, $0x1;
	s3 =	sadd.s32 s4, s19  }
0x9c: {  	s7 =	simm.s32 $0x0;
	s20 =	sshll.u32 s5, $0x1;
	s5 =	sadd.s32 s21, s3  }
0x9d: {  	[timem:s7], [sflag:s22] =	dma.local [hbm:s5], s20  }
0x9e: {  	_ =	swait.ge [sflag:s22], s20  }
0x9f: {  	s4 =	ssub.s32 $0x0, s20;
	[sflag:s22] =	ssyncset.done $0x0  }
0xa0: {  	[sflag:s22] =	ssyncadd.s32 s4;
	_ =	sdelay $0x1  }
0xa1: {  	s23 =	simm.s32 $0x1B8B  }
0xa2: {  	_ =	swait.ge [sflag:s23], $0x1  }
0xa3: {  	[sflag:s23] =	ssyncset.done $0x0  }
0xa4: {  	s25 =	simm.s32 $0x1B8E;
	s24 =	sld [smem:$0x3FFE];
	[sflag:s23] =	ssyncadd.s32 $0xFFFFFFFF  }
0xa5: {  	s26 =	simm.s32 $execute0_lowered;
	[smem:$0x3FD2] =	sst s25  }
0xa6: {  	s5 =	sshll.u32 s26, $0x1;
	_ =	strace $0x80000046;
	[dreg:$0x1] =	wrdreg $0xFFFFFFFF  }
0xa7: {  	s28 =	simm.s32 $_size_execute0_lowered;
	s3 =	sadd.s32 s3, s5;
	[dreg:$0x0] =	wrdreg $0x0  }
0xa8: {  	s5 =	sshll.u32 s28, $0x1;
	[dreg:$0x2] =	wrdreg s3  }
0xa9: {  	[dreg:$0x3] =	wrdreg s5  }
0xaa: {  	[dreg:$0x4] =	wrdreg $0xC0  }
0xab: {  	_ =	task [dreg:s7], $0x5FFFF  }
0xac: {  	[dreg:$0x1] =	wrdreg $0xFFFFFFFF  }
0xad: {  	[dreg:$0x0] =	wrdreg $0x60  }
0xae: {  	[dreg:$0x2] =	wrdreg s2  }
0xaf: {  	[dreg:$0x3] =	wrdreg s24  }
0xb0: {  	[dreg:$0x4] =	wrdreg $0x9  }
0xb1: {  	_ =	task.clear_ibuf [dreg:s7], $0x5FFFF;
	_ =	strace $0x90000046  }
0xb2: {  	s29 =	simm.s32 $0x9;
	_ =	strace $0x80000048  }
0xb3: {  	_ =	swait.ge [sflag:s29], $0x1  }
0xb4: {  	[sflag:s29] =	ssyncadd.s32 $0xFFFFFFFF  }
0xb5: {  	_ =	strace $0x90000048  }
0xb6: {  	_ =	sfence  }
0xb7: {  	s30 =	sld [smem:$0x0];
	_ =	sdelay $0x2  }
0xb8: {  	s31 =	sshll.u32 s1, $0xD;
	s1 =	sshrl.u32 s1, $0x2  }
0xb9: {  	s3 =	sand.u32 $0x4000, s31;
	s1 =	sadd.s32 s1, s30  }
0xba: {  	s0 =	sor.u32 s3, s0;
	s1 =	sshll.u32 s1, $0x11  }
0xbb: {  	s0 =	sor.u32 s1, s0  }
0xbc: {  	s0 =	sadd.s32 $0x8F2B, s0  }
0xbd: {  	[sflag:s0] =	ssyncadd.remote.s32 $0x1  }
0xbe: {  	_ =	sfence.sel $0xFFFF  }
0xbf: {  	[dreg:$0x0] =	wrdreg $0xFFFFFFFF;
	(pc) =	sbr.abs _section_cstart, $3  }
0xc0: {  	[dreg:$0x1] =	wrdreg $0xFFFFFFFF  }
0xc1: {  	_ =	task.clear_ibuf [dreg:s7], $0x2FFFF;
	_ =	strace $0x9FFFFFFF  }
0xc2: {  	(tm) =	ssettm $0x7FFFFFFF  }
0xc3: {  	_ =	shalt  }
tec
execute0_lowered:
.L_overlay_start_1:
0x0: {  	(tag) =	ssettag $0x1  }
0x1: {  	s1 =	rddreg [dreg:$0x0]  }
0x2: {  	s5 =	rddreg [dreg:$0x1]  }
0x3: {  	s0 =	rddreg [dreg:$0x2];
	s2 =	simm.s32 $0x0  }
0x4: {  	s3 =	srdreg.scid;
	s10 =	simm.s32 $0x200;
	s11 =	simm.s32 $0x300  }
0x5: {  	s12 =	simm.s32 $0x280;
	s13 =	simm.s32 $0x4300;
	s14 =	simm.s32 $0x1  }
0x6: {  	s15 =	simm.s32 $0x8300;
	s16 =	simm.s32 $0x2;
	s17 =	simm.s32 $0xC300  }
0x7: {  	s18 =	simm.s32 $0x3;
	s19 =	simm.s32 $0x4;
	s20 =	simm.s32 $0x0  }
0x8: {  	[smem:$0x7FF] =	sst s2;
	s6 =	sand.u32 $0x1, s3;
	s3 =	stileid.u32  }
0x9: {  	s4 =	sadd.s32 $0xF42E00, s5;
	s5 =	sadd.s32 $0xA00, s5;
	s7 =	ssub.s32 $0x2, s6  }
0xa: {  	_ =	strace $0x80000047;
	s9 =	sshll.u32 s3, $0x1;
	s8 =	sshrl.u32 s7, $0x1  }
0xb: {  	s6 =	sor.u32 s6, s9;
	s9 =	simm.s32 $0x80;
	s7 =	ssub.s32 s7, s8  }
0xc: {  	s6 =	smul.u32 $0x6400, s6;
	s8 =	simm.s32 $0x5;
	s7 =	smax.u32 s7, $0x1  }
.LBB2_1:
0xd: {  	s21 =	simm.s32 $0x0  }
.LBB2_2:
0xe: {  	p0 =	seq.s32 s21, $0x0  }
0xf: {  	s22 =	sshll.u32 s21, $0x8;
	s24 =	simm.s32 @!p0 $0x3  }
0x10: {  	s23 =	sadd.s32 s6, s22;
	_ =	swait.ge @!p0 [sflag:s24], $0x4000  }
0x11: {  	s25 =	sshrl.u32 s23, $0x3;
	[sflag:s24] =	ssyncset.done @!p0 $0x0  }
0x12: {  	s30 =	sadd.s32 s1, s25;
	[sflag:s24] =	ssyncadd.s32 @!p0 $0xFFFFC000  }
0x13: {  	[tilespmem:s2], [sflag:$0x5] =	stream.linear.gather [hbm4b:s30+s2], $0x80, $0x38;
	[tilespmem:$0x10300] =	vst v63  }
0x14: {  	_ =	swait.ge [sflag:s8], $0x80  }
0x15: {  	[sflag:s8] =	ssyncset.done $0x0  }
0x16: {  	[sflag:s8] =	ssyncadd.s32 $0xFFFFFF80  }
0x17: {  	v0 =	vld [tilespmem:$0x0]  }
0x18: {  	v1 =	vld [tilespmem:$0x10]  }
0x19: {  	v2 =	vld [tilespmem:$0x20]  }
0x1a: {  	v3 =	vld [tilespmem:$0x30]  }
0x1b: {  	v4 =	vld [tilespmem:$0x40]  }
0x1c: {  	v5 =	vld [tilespmem:$0x50];
	v0 =	vshrl.u32 v0, $0x1  }
0x1d: {  	v41 =	vld [tilespmem:$0x60];
	v40 =	vshrl.u32 v1, $0x1;
	[tilespmem:$0x200] =	vst v0  }
0x1e: {  	v43 =	vld [tilespmem:$0x70];
	v42 =	vshrl.u32 v2, $0x1;
	[tilespmem:$0x210] =	vst v40  }
0x1f: {  	v44 =	vshrl.u32 v3, $0x1;
	[tilespmem:$0x220] =	vst v42  }
0x20: {  	v45 =	vshrl.u32 v4, $0x1;
	[tilespmem:$0x230] =	vst v44  }
0x21: {  	v46 =	vshrl.u32 v5, $0x1;
	[tilespmem:$0x240] =	vst v45  }
0x22: {  	v47 =	vshrl.u32 v41, $0x1;
	[tilespmem:$0x250] =	vst v46  }
0x23: {  	v48 =	vshrl.u32 v43, $0x1;
	[tilespmem:$0x260] =	vst v47  }
0x24: {  	s22 =	sadd.s32 s22, s6;
	s24 =	simm.s32 @!p0 $0x4;
	[tilespmem:$0x270] =	vst v48  }
0x25: {  	[tilespmem:s11], [sflag:$0x1] =	stream.indirect.gather [hbm4b:s4+s9], $0x80, s10, s9, $0xb8;
	[tilespmem:$0x10300] =	vst v63  }
0x26: {  	s22 =	sadd.s32 $0x80, s22;
	_ =	swait.ge @!p0 [sflag:s24], $0x4000  }
0x27: {  	s31 =	sshrl.u32 s22, $0x3;
	[sflag:s24] =	ssyncset.done @!p0 $0x0  }
0x28: {  	s25 =	sadd.s32 s1, s31;
	[sflag:s24] =	ssyncadd.s32 @!p0 $0xFFFFC000;
	s24 =	simm.s32 $0x0  }
0x29: {  	[tilespmem:s9], [sflag:$0x5] =	stream.linear.gather [hbm4b:s25+s24], $0x80, $0x38;
	[tilespmem:$0x10300] =	vst v63  }
0x2a: {  	_ =	swait.ge [sflag:s8], $0x80  }
0x2b: {  	[sflag:s8] =	ssyncset.done $0x0  }
0x2c: {  	[sflag:s8] =	ssyncadd.s32 $0xFFFFFF80  }
0x2d: {  	v49 =	vld [tilespmem:$0x80]  }
0x2e: {  	v50 =	vld [tilespmem:$0x90]  }
0x2f: {  	v51 =	vld [tilespmem:$0xA0]  }
0x30: {  	v52 =	vld [tilespmem:$0xB0]  }
0x31: {  	v53 =	vld [tilespmem:$0xC0]  }
0x32: {  	v54 =	vld [tilespmem:$0xD0];
	v0 =	vshrl.u32 v49, $0x1  }
0x33: {  	v56 =	vld [tilespmem:$0xE0];
	v55 =	vshrl.u32 v50, $0x1;
	[tilespmem:$0x280] =	vst v0  }
0x34: {  	v58 =	vld [tilespmem:$0xF0];
	v57 =	vshrl.u32 v51, $0x1;
	[tilespmem:$0x290] =	vst v55  }
0x35: {  	v59 =	vshrl.u32 v52, $0x1;
	[tilespmem:$0x2A0] =	vst v57  }
0x36: {  	v60 =	vshrl.u32 v53, $0x1;
	[tilespmem:$0x2B0] =	vst v59  }
0x37: {  	v61 =	vshrl.u32 v54, $0x1;
	[tilespmem:$0x2C0] =	vst v60  }
0x38: {  	v62 =	vshrl.u32 v56, $0x1;
	[tilespmem:$0x2D0] =	vst v61  }
0x39: {  	v63 =	vshrl.u32 v58, $0x1;
	[tilespmem:$0x2E0] =	vst v62  }
0x3a: {  	[tilespmem:$0x2F0] =	vst v63  }
0x3b: {  	[tilespmem:s13], [sflag:$0x2] =	stream.indirect.gather [hbm4b:s4+s9], $0x80, s12, s9, $0xb8;
	[tilespmem:$0x10300] =	vst v63  }
0x3c: {  	_ =	swait.ge [sflag:s14], $0x4000  }
0x3d: {  	[sflag:s14] =	ssyncset.done $0x0  }
0x3e: {  	s25 =	simm.s32 $0x0;
	[sflag:s14] =	ssyncadd.s32 $0xFFFFC000  }
.LBB2_3:
0x3f: {  	v0 =	vld [tilespmem:s24+$0x0];
	_ =	sdelay $0x4  }
0x40: {  	(v2sf) =	vpush v0, $0x0;
	_ =	sdelay $0xe  }
0x41: {  	s26 =	spop (v2sf)  }
0x42: {  	s26 =	sand.u32 $0x1, s26  }
0x43: {  	s28 =	sshll.u32 s26, $0x6;
	s26 =	sshra.s32 s25, $0x2  }
0x44: {  	s28 =	sadd.s32 s26, s28  }
0x45: {  	v1 =	vld [tilespmem:s28+$0x300];
	_ =	sdelay $0x4  }
0x46: {  	(v2sf) =	vpush v0, $0x1;
	[tilespmem:s26+$0x8300] =	vst v1  }
0x47: {  	v1 =	vld [tilespmem:s28+$0x310];
	_ =	sdelay $0x4  }
0x48: {  	[tilespmem:s26+$0x8310] =	vst v1  }
0x49: {  	v1 =	vld [tilespmem:s28+$0x320];
	_ =	sdelay $0x4  }
0x4a: {  	[tilespmem:s26+$0x8320] =	vst v1  }
0x4b: {  	v1 =	vld [tilespmem:s28+$0x330];
	_ =	sdelay $0x1  }
0x4c: {  	s29 =	spop (v2sf)  }
0x4d: {  	s28 =	sand.u32 $0x1, s29  }
0x4e: {  	s28 =	sshll.u32 s28, $0x6  }
0x4f: {  	s28 =	sadd.s32 s26, s28;
	[tilespmem:s26+$0x8330] =	vst v1  }
0x50: {  	v1 =	vld [tilespmem:s28+$0x380];
	_ =	sdelay $0x4  }
0x51: {  	(v2sf) =	vpush v0, $0x2;
	[tilespmem:s26+$0x8380] =	vst v1  }
0x52: {  	v1 =	vld [tilespmem:s28+$0x390];
	_ =	sdelay $0x4  }
0x53: {  	[tilespmem:s26+$0x8390] =	vst v1  }
0x54: {  	v1 =	vld [tilespmem:s28+$0x3A0];
	_ =	sdelay $0x4  }
0x55: {  	[tilespmem:s26+$0x83A0] =	vst v1  }
0x56: {  	v1 =	vld [tilespmem:s28+$0x3B0];
	_ =	sdelay $0x1  }
0x57: {  	s30 =	spop (v2sf)  }
0x58: {  	s28 =	sand.u32 $0x1, s30  }
0x59: {  	s28 =	sshll.u32 s28, $0x6  }
0x5a: {  	s28 =	sadd.s32 s26, s28;
	[tilespmem:s26+$0x83B0] =	vst v1  }
0x5b: {  	v1 =	vld [tilespmem:s28+$0x400];
	_ =	sdelay $0x4  }
0x5c: {  	(v2sf) =	vpush v0, $0x3;
	[tilespmem:s26+$0x8400] =	vst v1  }
0x5d: {  	v1 =	vld [tilespmem:s28+$0x410];
	_ =	sdelay $0x4  }
0x5e: {  	[tilespmem:s26+$0x8410] =	vst v1  }
0x5f: {  	v1 =	vld [tilespmem:s28+$0x420];
	_ =	sdelay $0x4  }
0x60: {  	[tilespmem:s26+$0x8420] =	vst v1  }
0x61: {  	v1 =	vld [tilespmem:s28+$0x430];
	_ =	sdelay $0x1  }
0x62: {  	s31 =	spop (v2sf)  }
0x63: {  	s28 =	sand.u32 $0x1, s31  }
0x64: {  	s28 =	sshll.u32 s28, $0x6  }
0x65: {  	s28 =	sadd.s32 s26, s28;
	[tilespmem:s26+$0x8430] =	vst v1  }
0x66: {  	v1 =	vld [tilespmem:s28+$0x480];
	_ =	sdelay $0x4  }
0x67: {  	(v2sf) =	vpush v0, $0x4;
	[tilespmem:s26+$0x8480] =	vst v1  }
0x68: {  	v1 =	vld [tilespmem:s28+$0x490];
	_ =	sdelay $0x4  }
0x69: {  	[tilespmem:s26+$0x8490] =	vst v1  }
0x6a: {  	v1 =	vld [tilespmem:s28+$0x4A0];
	_ =	sdelay $0x4  }
0x6b: {  	[tilespmem:s26+$0x84A0] =	vst v1  }
0x6c: {  	v1 =	vld [tilespmem:s28+$0x4B0];
	_ =	sdelay $0x1  }
0x6d: {  	s29 =	spop (v2sf)  }
0x6e: {  	s28 =	sand.u32 $0x1, s29  }
0x6f: {  	s28 =	sshll.u32 s28, $0x6  }
0x70: {  	s28 =	sadd.s32 s26, s28;
	[tilespmem:s26+$0x84B0] =	vst v1  }
0x71: {  	v1 =	vld [tilespmem:s28+$0x500];
	_ =	sdelay $0x4  }
0x72: {  	(v2sf) =	vpush v0, $0x5;
	[tilespmem:s26+$0x8500] =	vst v1  }
0x73: {  	v1 =	vld [tilespmem:s28+$0x510];
	_ =	sdelay $0x4  }
0x74: {  	[tilespmem:s26+$0x8510] =	vst v1  }
0x75: {  	v1 =	vld [tilespmem:s28+$0x520];
	_ =	sdelay $0x4  }
0x76: {  	[tilespmem:s26+$0x8520] =	vst v1  }
0x77: {  	v1 =	vld [tilespmem:s28+$0x530];
	_ =	sdelay $0x1  }
0x78: {  	s30 =	spop (v2sf)  }
0x79: {  	s28 =	sand.u32 $0x1, s30  }
0x7a: {  	s28 =	sshll.u32 s28, $0x6  }
0x7b: {  	s28 =	sadd.s32 s26, s28;
	[tilespmem:s26+$0x8530] =	vst v1  }
0x7c: {  	v1 =	vld [tilespmem:s28+$0x580];
	_ =	sdelay $0x4  }
0x7d: {  	(v2sf) =	vpush v0, $0x6;
	[tilespmem:s26+$0x8580] =	vst v1  }
0x7e: {  	v1 =	vld [tilespmem:s28+$0x590];
	_ =	sdelay $0x4  }
0x7f: {  	[tilespmem:s26+$0x8590] =	vst v1  }
0x80: {  	v1 =	vld [tilespmem:s28+$0x5A0];
	_ =	sdelay $0x4  }
0x81: {  	[tilespmem:s26+$0x85A0] =	vst v1  }
0x82: {  	v1 =	vld [tilespmem:s28+$0x5B0];
	_ =	sdelay $0x1  }
0x83: {  	s31 =	spop (v2sf)  }
0x84: {  	s28 =	sand.u32 $0x1, s31  }
0x85: {  	s28 =	sshll.u32 s28, $0x6  }
0x86: {  	s28 =	sadd.s32 s26, s28;
	[tilespmem:s26+$0x85B0] =	vst v1  }
0x87: {  	v1 =	vld [tilespmem:s28+$0x600];
	_ =	sdelay $0x4  }
0x88: {  	(v2sf) =	vpush v0, $0x7;
	[tilespmem:s26+$0x8600] =	vst v1  }
0x89: {  	v1 =	vld [tilespmem:s28+$0x610];
	_ =	sdelay $0x4  }
0x8a: {  	[tilespmem:s26+$0x8610] =	vst v1  }
0x8b: {  	v1 =	vld [tilespmem:s28+$0x620];
	_ =	sdelay $0x4  }
0x8c: {  	[tilespmem:s26+$0x8620] =	vst v1  }
0x8d: {  	v1 =	vld [tilespmem:s28+$0x630];
	_ =	sdelay $0x1  }
0x8e: {  	s29 =	spop (v2sf)  }
0x8f: {  	s28 =	sand.u32 $0x1, s29  }
0x90: {  	s28 =	sshll.u32 s28, $0x6  }
0x91: {  	s28 =	sadd.s32 s26, s28;
	[tilespmem:s26+$0x8630] =	vst v1  }
0x92: {  	v1 =	vld [tilespmem:s28+$0x680];
	_ =	sdelay $0x4  }
0x93: {  	(v2sf) =	vpush v0, $0x8;
	[tilespmem:s26+$0x8680] =	vst v1  }
0x94: {  	v1 =	vld [tilespmem:s28+$0x690];
	_ =	sdelay $0x4  }
0x95: {  	[tilespmem:s26+$0x8690] =	vst v1  }
0x96: {  	v1 =	vld [tilespmem:s28+$0x6A0];
	_ =	sdelay $0x4  }
0x97: {  	[tilespmem:s26+$0x86A0] =	vst v1  }
0x98: {  	v1 =	vld [tilespmem:s28+$0x6B0];
	_ =	sdelay $0x1  }
0x99: {  	s30 =	spop (v2sf)  }
0x9a: {  	s28 =	sand.u32 $0x1, s30  }
0x9b: {  	s28 =	sshll.u32 s28, $0x6  }
0x9c: {  	s28 =	sadd.s32 s26, s28;
	[tilespmem:s26+$0x86B0] =	vst v1  }
0x9d: {  	v1 =	vld [tilespmem:s28+$0x700];
	_ =	sdelay $0x4  }
0x9e: {  	(v2sf) =	vpush v0, $0x9;
	[tilespmem:s26+$0x8700] =	vst v1  }
0x9f: {  	v1 =	vld [tilespmem:s28+$0x710];
	_ =	sdelay $0x4  }
0xa0: {  	[tilespmem:s26+$0x8710] =	vst v1  }
0xa1: {  	v1 =	vld [tilespmem:s28+$0x720];
	_ =	sdelay $0x4  }
0xa2: {  	[tilespmem:s26+$0x8720] =	vst v1  }
0xa3: {  	v1 =	vld [tilespmem:s28+$0x730];
	_ =	sdelay $0x1  }
0xa4: {  	s31 =	spop (v2sf)  }
0xa5: {  	s28 =	sand.u32 $0x1, s31  }
0xa6: {  	s28 =	sshll.u32 s28, $0x6  }
0xa7: {  	s28 =	sadd.s32 s26, s28;
	[tilespmem:s26+$0x8730] =	vst v1  }
0xa8: {  	v1 =	vld [tilespmem:s28+$0x780];
	_ =	sdelay $0x4  }
0xa9: {  	(v2sf) =	vpush v0, $0xA;
	[tilespmem:s26+$0x8780] =	vst v1  }
0xaa: {  	v1 =	vld [tilespmem:s28+$0x790];
	_ =	sdelay $0x4  }
0xab: {  	[tilespmem:s26+$0x8790] =	vst v1  }
0xac: {  	v1 =	vld [tilespmem:s28+$0x7A0];
	_ =	sdelay $0x4  }
0xad: {  	[tilespmem:s26+$0x87A0] =	vst v1  }
0xae: {  	v1 =	vld [tilespmem:s28+$0x7B0];
	_ =	sdelay $0x1  }
0xaf: {  	s29 =	spop (v2sf)  }
0xb0: {  	s28 =	sand.u32 $0x1, s29  }
0xb1: {  	s28 =	sshll.u32 s28, $0x6  }
0xb2: {  	s28 =	sadd.s32 s26, s28;
	[tilespmem:s26+$0x87B0] =	vst v1  }
0xb3: {  	v1 =	vld [tilespmem:s28+$0x800];
	_ =	sdelay $0x4  }
0xb4: {  	(v2sf) =	vpush v0, $0xB;
	[tilespmem:s26+$0x8800] =	vst v1  }
0xb5: {  	v1 =	vld [tilespmem:s28+$0x810];
	_ =	sdelay $0x4  }
0xb6: {  	[tilespmem:s26+$0x8810] =	vst v1  }
0xb7: {  	v1 =	vld [tilespmem:s28+$0x820];
	_ =	sdelay $0x4  }
0xb8: {  	[tilespmem:s26+$0x8820] =	vst v1  }
0xb9: {  	v1 =	vld [tilespmem:s28+$0x830];
	_ =	sdelay $0x1  }
0xba: {  	s30 =	spop (v2sf)  }
0xbb: {  	s28 =	sand.u32 $0x1, s30  }
0xbc: {  	s28 =	sshll.u32 s28, $0x6  }
0xbd: {  	s28 =	sadd.s32 s26, s28;
	[tilespmem:s26+$0x8830] =	vst v1  }
0xbe: {  	v1 =	vld [tilespmem:s28+$0x880];
	_ =	sdelay $0x4  }
0xbf: {  	(v2sf) =	vpush v0, $0xC;
	[tilespmem:s26+$0x8880] =	vst v1  }
0xc0: {  	v1 =	vld [tilespmem:s28+$0x890];
	_ =	sdelay $0x4  }
0xc1: {  	[tilespmem:s26+$0x8890] =	vst v1  }
0xc2: {  	v1 =	vld [tilespmem:s28+$0x8A0];
	_ =	sdelay $0x4  }
0xc3: {  	[tilespmem:s26+$0x88A0] =	vst v1  }
0xc4: {  	v1 =	vld [tilespmem:s28+$0x8B0];
	_ =	sdelay $0x1  }
0xc5: {  	s31 =	spop (v2sf)  }
0xc6: {  	s28 =	sand.u32 $0x1, s31  }
0xc7: {  	s28 =	sshll.u32 s28, $0x6  }
0xc8: {  	s28 =	sadd.s32 s26, s28;
	[tilespmem:s26+$0x88B0] =	vst v1  }
0xc9: {  	v1 =	vld [tilespmem:s28+$0x900];
	_ =	sdelay $0x4  }
0xca: {  	(v2sf) =	vpush v0, $0xD;
	[tilespmem:s26+$0x8900] =	vst v1  }
0xcb: {  	v1 =	vld [tilespmem:s28+$0x910];
	_ =	sdelay $0x4  }
0xcc: {  	[tilespmem:s26+$0x8910] =	vst v1  }
0xcd: {  	v1 =	vld [tilespmem:s28+$0x920];
	_ =	sdelay $0x4  }
0xce: {  	[tilespmem:s26+$0x8920] =	vst v1  }
0xcf: {  	v1 =	vld [tilespmem:s28+$0x930];
	_ =	sdelay $0x1  }
0xd0: {  	s29 =	spop (v2sf)  }
0xd1: {  	s28 =	sand.u32 $0x1, s29  }
0xd2: {  	s28 =	sshll.u32 s28, $0x6  }
0xd3: {  	s28 =	sadd.s32 s26, s28;
	[tilespmem:s26+$0x8930] =	vst v1  }
0xd4: {  	v1 =	vld [tilespmem:s28+$0x980];
	_ =	sdelay $0x4  }
0xd5: {  	(v2sf) =	vpush v0, $0xE;
	[tilespmem:s26+$0x8980] =	vst v1  }
0xd6: {  	v1 =	vld [tilespmem:s28+$0x990];
	_ =	sdelay $0x4  }
0xd7: {  	[tilespmem:s26+$0x8990] =	vst v1  }
0xd8: {  	v1 =	vld [tilespmem:s28+$0x9A0];
	_ =	sdelay $0x4  }
0xd9: {  	[tilespmem:s26+$0x89A0] =	vst v1  }
0xda: {  	v1 =	vld [tilespmem:s28+$0x9B0];
	_ =	sdelay $0x1  }
0xdb: {  	s30 =	spop (v2sf)  }
0xdc: {  	s28 =	sand.u32 $0x1, s30  }
0xdd: {  	s28 =	sshll.u32 s28, $0x6  }
0xde: {  	s28 =	sadd.s32 s26, s28;
	[tilespmem:s26+$0x89B0] =	vst v1  }
0xdf: {  	v1 =	vld [tilespmem:s28+$0xA00];
	_ =	sdelay $0x4  }
0xe0: {  	(v2sf) =	vpush v0, $0xF;
	[tilespmem:s26+$0x8A00] =	vst v1  }
0xe1: {  	v63 =	vld [tilespmem:s28+$0xA10];
	_ =	sdelay $0x4  }
0xe2: {  	[tilespmem:s26+$0x8A10] =	vst v63  }
0xe3: {  	v0 =	vld [tilespmem:s28+$0xA20];
	_ =	sdelay $0x4  }
0xe4: {  	[tilespmem:s26+$0x8A20] =	vst v0  }
0xe5: {  	v0 =	vld [tilespmem:s28+$0xA30];
	_ =	sdelay $0x1  }
0xe6: {  	s31 =	spop (v2sf)  }
0xe7: {  	s28 =	sand.u32 $0x1, s31  }
0xe8: {  	s28 =	sshll.u32 s28, $0x6  }
0xe9: {  	s28 =	sadd.s32 s26, s28;
	[tilespmem:s26+$0x8A30] =	vst v0  }
0xea: {  	v0 =	vld [tilespmem:s28+$0xA80];
	_ =	sdelay $0x4  }
0xeb: {  	[tilespmem:s26+$0x8A80] =	vst v0  }
0xec: {  	v0 =	vld [tilespmem:s28+$0xA90];
	_ =	sdelay $0x4  }
0xed: {  	[tilespmem:s26+$0x8A90] =	vst v0  }
0xee: {  	v0 =	vld [tilespmem:s28+$0xAA0];
	_ =	sdelay $0x4  }
0xef: {  	[tilespmem:s26+$0x8AA0] =	vst v0  }
0xf0: {  	p0 =	sne.s32 s25, $0xE000;
	v0 =	vld [tilespmem:s28+$0xAB0]  }
.Ltmp0:
0xf1: {  	_ = 	snop;
	(pc) =	sbr.rel @p0 .LBB2_3-.Ltmp0, $2  }
0xf2: {  	_ =	sdelay $0x2  }
0xf3: {  	s24 =	sadd.s32 $0x10, s24;
	s25 =	sadd.s32 $0x2000, s25;
	[tilespmem:s26+$0x8AB0] =	vst v0  }
0xf4: {  	s23 =	sshll.u32 s23, $0x4  }
0xf5: {  	s24 =	sadd.s32 s5, s23;
	s23 =	simm.s32 $0x0  }
0xf6: {  	[hbm4b:s24+s23] =	stream.linear.scatter [tilespmem:s15], [sflag:$0x3], $0x4000, $0x38;
	[tilespmem:$0x10300] =	vst v63  }
0xf7: {  	_ =	swait.ge [sflag:s16], $0x4000  }
0xf8: {  	[sflag:s16] =	ssyncset.done $0x0  }
0xf9: {  	s24 =	simm.s32 $0x80;
	[sflag:s16] =	ssyncadd.s32 $0xFFFFC000  }
.LBB2_5:
0xfa: {  	v0 =	vld [tilespmem:s24+$0x0];
	_ =	sdelay $0x4  }
0xfb: {  	(v2sf) =	vpush v0, $0x0;
	_ =	sdelay $0xe  }
0xfc: {  	s25 =	spop (v2sf)  }
0xfd: {  	s25 =	sand.u32 $0x1, s25  }
0xfe: {  	s26 =	sshll.u32 s25, $0x6;
	s25 =	sshra.s32 s23, $0x2  }
0xff: {  	s26 =	sadd.s32 s25, s26  }
0x100: {  	v1 =	vld [tilespmem:s26+$0x4300];
	_ =	sdelay $0x4  }
0x101: {  	(v2sf) =	vpush v0, $0x1;
	[tilespmem:s25+$0xC300] =	vst v1  }
0x102: {  	v1 =	vld [tilespmem:s26+$0x4310];
	_ =	sdelay $0x4  }
0x103: {  	[tilespmem:s25+$0xC310] =	vst v1  }
0x104: {  	v1 =	vld [tilespmem:s26+$0x4320];
	_ =	sdelay $0x4  }
0x105: {  	[tilespmem:s25+$0xC320] =	vst v1  }
0x106: {  	v1 =	vld [tilespmem:s26+$0x4330];
	_ =	sdelay $0x1  }
0x107: {  	s29 =	spop (v2sf)  }
0x108: {  	s26 =	sand.u32 $0x1, s29  }
0x109: {  	s26 =	sshll.u32 s26, $0x6  }
0x10a: {  	s26 =	sadd.s32 s25, s26;
	[tilespmem:s25+$0xC330] =	vst v1  }
0x10b: {  	v1 =	vld [tilespmem:s26+$0x4380];
	_ =	sdelay $0x4  }
0x10c: {  	(v2sf) =	vpush v0, $0x2;
	[tilespmem:s25+$0xC380] =	vst v1  }
0x10d: {  	v1 =	vld [tilespmem:s26+$0x4390];
	_ =	sdelay $0x4  }
0x10e: {  	[tilespmem:s25+$0xC390] =	vst v1  }
0x10f: {  	v1 =	vld [tilespmem:s26+$0x43A0];
	_ =	sdelay $0x4  }
0x110: {  	[tilespmem:s25+$0xC3A0] =	vst v1  }
0x111: {  	v1 =	vld [tilespmem:s26+$0x43B0];
	_ =	sdelay $0x1  }
0x112: {  	s30 =	spop (v2sf)  }
0x113: {  	s26 =	sand.u32 $0x1, s30  }
0x114: {  	s26 =	sshll.u32 s26, $0x6  }
0x115: {  	s26 =	sadd.s32 s25, s26;
	[tilespmem:s25+$0xC3B0] =	vst v1  }
0x116: {  	v1 =	vld [tilespmem:s26+$0x4400];
	_ =	sdelay $0x4  }
0x117: {  	(v2sf) =	vpush v0, $0x3;
	[tilespmem:s25+$0xC400] =	vst v1  }
0x118: {  	v1 =	vld [tilespmem:s26+$0x4410];
	_ =	sdelay $0x4  }
0x119: {  	[tilespmem:s25+$0xC410] =	vst v1  }
0x11a: {  	v1 =	vld [tilespmem:s26+$0x4420];
	_ =	sdelay $0x4  }
0x11b: {  	[tilespmem:s25+$0xC420] =	vst v1  }
0x11c: {  	v1 =	vld [tilespmem:s26+$0x4430];
	_ =	sdelay $0x1  }
0x11d: {  	s31 =	spop (v2sf)  }
0x11e: {  	s26 =	sand.u32 $0x1, s31  }
0x11f: {  	s26 =	sshll.u32 s26, $0x6  }
0x120: {  	s26 =	sadd.s32 s25, s26;
	[tilespmem:s25+$0xC430] =	vst v1  }
0x121: {  	v1 =	vld [tilespmem:s26+$0x4480];
	_ =	sdelay $0x4  }
0x122: {  	(v2sf) =	vpush v0, $0x4;
	[tilespmem:s25+$0xC480] =	vst v1  }
0x123: {  	v1 =	vld [tilespmem:s26+$0x4490];
	_ =	sdelay $0x4  }
0x124: {  	[tilespmem:s25+$0xC490] =	vst v1  }
0x125: {  	v1 =	vld [tilespmem:s26+$0x44A0];
	_ =	sdelay $0x4  }
0x126: {  	[tilespmem:s25+$0xC4A0] =	vst v1  }
0x127: {  	v1 =	vld [tilespmem:s26+$0x44B0];
	_ =	sdelay $0x1  }
0x128: {  	s28 =	spop (v2sf)  }
0x129: {  	s26 =	sand.u32 $0x1, s28  }
0x12a: {  	s26 =	sshll.u32 s26, $0x6  }
0x12b: {  	s26 =	sadd.s32 s25, s26;
	[tilespmem:s25+$0xC4B0] =	vst v1  }
0x12c: {  	v1 =	vld [tilespmem:s26+$0x4500];
	_ =	sdelay $0x4  }
0x12d: {  	(v2sf) =	vpush v0, $0x5;
	[tilespmem:s25+$0xC500] =	vst v1  }
0x12e: {  	v1 =	vld [tilespmem:s26+$0x4510];
	_ =	sdelay $0x4  }
0x12f: {  	[tilespmem:s25+$0xC510] =	vst v1  }
0x130: {  	v1 =	vld [tilespmem:s26+$0x4520];
	_ =	sdelay $0x4  }
0x131: {  	[tilespmem:s25+$0xC520] =	vst v1  }
0x132: {  	v1 =	vld [tilespmem:s26+$0x4530];
	_ =	sdelay $0x1  }
0x133: {  	s29 =	spop (v2sf)  }
0x134: {  	s26 =	sand.u32 $0x1, s29  }
0x135: {  	s26 =	sshll.u32 s26, $0x6  }
0x136: {  	s26 =	sadd.s32 s25, s26;
	[tilespmem:s25+$0xC530] =	vst v1  }
0x137: {  	v1 =	vld [tilespmem:s26+$0x4580];
	_ =	sdelay $0x4  }
0x138: {  	(v2sf) =	vpush v0, $0x6;
	[tilespmem:s25+$0xC580] =	vst v1  }
0x139: {  	v1 =	vld [tilespmem:s26+$0x4590];
	_ =	sdelay $0x4  }
0x13a: {  	[tilespmem:s25+$0xC590] =	vst v1  }
0x13b: {  	v1 =	vld [tilespmem:s26+$0x45A0];
	_ =	sdelay $0x4  }
0x13c: {  	[tilespmem:s25+$0xC5A0] =	vst v1  }
0x13d: {  	v1 =	vld [tilespmem:s26+$0x45B0];
	_ =	sdelay $0x1  }
0x13e: {  	s30 =	spop (v2sf)  }
0x13f: {  	s26 =	sand.u32 $0x1, s30  }
0x140: {  	s26 =	sshll.u32 s26, $0x6  }
0x141: {  	s26 =	sadd.s32 s25, s26;
	[tilespmem:s25+$0xC5B0] =	vst v1  }
0x142: {  	v1 =	vld [tilespmem:s26+$0x4600];
	_ =	sdelay $0x4  }
0x143: {  	(v2sf) =	vpush v0, $0x7;
	[tilespmem:s25+$0xC600] =	vst v1  }
0x144: {  	v1 =	vld [tilespmem:s26+$0x4610];
	_ =	sdelay $0x4  }
0x145: {  	[tilespmem:s25+$0xC610] =	vst v1  }
0x146: {  	v1 =	vld [tilespmem:s26+$0x4620];
	_ =	sdelay $0x4  }
0x147: {  	[tilespmem:s25+$0xC620] =	vst v1  }
0x148: {  	v1 =	vld [tilespmem:s26+$0x4630];
	_ =	sdelay $0x1  }
0x149: {  	s31 =	spop (v2sf)  }
0x14a: {  	s26 =	sand.u32 $0x1, s31  }
0x14b: {  	s26 =	sshll.u32 s26, $0x6  }
0x14c: {  	s26 =	sadd.s32 s25, s26;
	[tilespmem:s25+$0xC630] =	vst v1  }
0x14d: {  	v1 =	vld [tilespmem:s26+$0x4680];
	_ =	sdelay $0x4  }
0x14e: {  	(v2sf) =	vpush v0, $0x8;
	[tilespmem:s25+$0xC680] =	vst v1  }
0x14f: {  	v1 =	vld [tilespmem:s26+$0x4690];
	_ =	sdelay $0x4  }
0x150: {  	[tilespmem:s25+$0xC690] =	vst v1  }
0x151: {  	v1 =	vld [tilespmem:s26+$0x46A0];
	_ =	sdelay $0x4  }
0x152: {  	[tilespmem:s25+$0xC6A0] =	vst v1  }
0x153: {  	v1 =	vld [tilespmem:s26+$0x46B0];
	_ =	sdelay $0x1  }
0x154: {  	s28 =	spop (v2sf)  }
0x155: {  	s26 =	sand.u32 $0x1, s28  }
0x156: {  	s26 =	sshll.u32 s26, $0x6  }
0x157: {  	s26 =	sadd.s32 s25, s26;
	[tilespmem:s25+$0xC6B0] =	vst v1  }
0x158: {  	v1 =	vld [tilespmem:s26+$0x4700];
	_ =	sdelay $0x4  }
0x159: {  	(v2sf) =	vpush v0, $0x9;
	[tilespmem:s25+$0xC700] =	vst v1  }
0x15a: {  	v1 =	vld [tilespmem:s26+$0x4710];
	_ =	sdelay $0x4  }
0x15b: {  	[tilespmem:s25+$0xC710] =	vst v1  }
0x15c: {  	v1 =	vld [tilespmem:s26+$0x4720];
	_ =	sdelay $0x4  }
0x15d: {  	[tilespmem:s25+$0xC720] =	vst v1  }
0x15e: {  	v1 =	vld [tilespmem:s26+$0x4730];
	_ =	sdelay $0x1  }
0x15f: {  	s29 =	spop (v2sf)  }
0x160: {  	s26 =	sand.u32 $0x1, s29  }
0x161: {  	s26 =	sshll.u32 s26, $0x6  }
0x162: {  	s26 =	sadd.s32 s25, s26;
	[tilespmem:s25+$0xC730] =	vst v1  }
0x163: {  	v1 =	vld [tilespmem:s26+$0x4780];
	_ =	sdelay $0x4  }
0x164: {  	(v2sf) =	vpush v0, $0xA;
	[tilespmem:s25+$0xC780] =	vst v1  }
0x165: {  	v1 =	vld [tilespmem:s26+$0x4790];
	_ =	sdelay $0x4  }
0x166: {  	[tilespmem:s25+$0xC790] =	vst v1  }
0x167: {  	v1 =	vld [tilespmem:s26+$0x47A0];
	_ =	sdelay $0x4  }
0x168: {  	[tilespmem:s25+$0xC7A0] =	vst v1  }
0x169: {  	v1 =	vld [tilespmem:s26+$0x47B0];
	_ =	sdelay $0x1  }
0x16a: {  	s30 =	spop (v2sf)  }
0x16b: {  	s26 =	sand.u32 $0x1, s30  }
0x16c: {  	s26 =	sshll.u32 s26, $0x6  }
0x16d: {  	s26 =	sadd.s32 s25, s26;
	[tilespmem:s25+$0xC7B0] =	vst v1  }
0x16e: {  	v1 =	vld [tilespmem:s26+$0x4800];
	_ =	sdelay $0x4  }
0x16f: {  	(v2sf) =	vpush v0, $0xB;
	[tilespmem:s25+$0xC800] =	vst v1  }
0x170: {  	v1 =	vld [tilespmem:s26+$0x4810];
	_ =	sdelay $0x4  }
0x171: {  	[tilespmem:s25+$0xC810] =	vst v1  }
0x172: {  	v1 =	vld [tilespmem:s26+$0x4820];
	_ =	sdelay $0x4  }
0x173: {  	[tilespmem:s25+$0xC820] =	vst v1  }
0x174: {  	v1 =	vld [tilespmem:s26+$0x4830];
	_ =	sdelay $0x1  }
0x175: {  	s31 =	spop (v2sf)  }
0x176: {  	s26 =	sand.u32 $0x1, s31  }
0x177: {  	s26 =	sshll.u32 s26, $0x6  }
0x178: {  	s26 =	sadd.s32 s25, s26;
	[tilespmem:s25+$0xC830] =	vst v1  }
0x179: {  	v1 =	vld [tilespmem:s26+$0x4880];
	_ =	sdelay $0x4  }
0x17a: {  	(v2sf) =	vpush v0, $0xC;
	[tilespmem:s25+$0xC880] =	vst v1  }
0x17b: {  	v1 =	vld [tilespmem:s26+$0x4890];
	_ =	sdelay $0x4  }
0x17c: {  	[tilespmem:s25+$0xC890] =	vst v1  }
0x17d: {  	v1 =	vld [tilespmem:s26+$0x48A0];
	_ =	sdelay $0x4  }
0x17e: {  	[tilespmem:s25+$0xC8A0] =	vst v1  }
0x17f: {  	v1 =	vld [tilespmem:s26+$0x48B0];
	_ =	sdelay $0x1  }
0x180: {  	s28 =	spop (v2sf)  }
0x181: {  	s26 =	sand.u32 $0x1, s28  }
0x182: {  	s26 =	sshll.u32 s26, $0x6  }
0x183: {  	s26 =	sadd.s32 s25, s26;
	[tilespmem:s25+$0xC8B0] =	vst v1  }
0x184: {  	v1 =	vld [tilespmem:s26+$0x4900];
	_ =	sdelay $0x4  }
0x185: {  	(v2sf) =	vpush v0, $0xD;
	[tilespmem:s25+$0xC900] =	vst v1  }
0x186: {  	v1 =	vld [tilespmem:s26+$0x4910];
	_ =	sdelay $0x4  }
0x187: {  	[tilespmem:s25+$0xC910] =	vst v1  }
0x188: {  	v1 =	vld [tilespmem:s26+$0x4920];
	_ =	sdelay $0x4  }
0x189: {  	[tilespmem:s25+$0xC920] =	vst v1  }
0x18a: {  	v1 =	vld [tilespmem:s26+$0x4930];
	_ =	sdelay $0x1  }
0x18b: {  	s29 =	spop (v2sf)  }
0x18c: {  	s26 =	sand.u32 $0x1, s29  }
0x18d: {  	s26 =	sshll.u32 s26, $0x6  }
0x18e: {  	s26 =	sadd.s32 s25, s26;
	[tilespmem:s25+$0xC930] =	vst v1  }
0x18f: {  	v1 =	vld [tilespmem:s26+$0x4980];
	_ =	sdelay $0x4  }
0x190: {  	(v2sf) =	vpush v0, $0xE;
	[tilespmem:s25+$0xC980] =	vst v1  }
0x191: {  	v1 =	vld [tilespmem:s26+$0x4990];
	_ =	sdelay $0x4  }
0x192: {  	[tilespmem:s25+$0xC990] =	vst v1  }
0x193: {  	v1 =	vld [tilespmem:s26+$0x49A0];
	_ =	sdelay $0x4  }
0x194: {  	[tilespmem:s25+$0xC9A0] =	vst v1  }
0x195: {  	v1 =	vld [tilespmem:s26+$0x49B0];
	_ =	sdelay $0x1  }
0x196: {  	s30 =	spop (v2sf)  }
0x197: {  	s26 =	sand.u32 $0x1, s30  }
0x198: {  	s26 =	sshll.u32 s26, $0x6  }
0x199: {  	s26 =	sadd.s32 s25, s26;
	[tilespmem:s25+$0xC9B0] =	vst v1  }
0x19a: {  	v1 =	vld [tilespmem:s26+$0x4A00];
	_ =	sdelay $0x4  }
0x19b: {  	(v2sf) =	vpush v0, $0xF;
	[tilespmem:s25+$0xCA00] =	vst v1  }
0x19c: {  	v63 =	vld [tilespmem:s26+$0x4A10];
	_ =	sdelay $0x4  }
0x19d: {  	[tilespmem:s25+$0xCA10] =	vst v63  }
0x19e: {  	v0 =	vld [tilespmem:s26+$0x4A20];
	_ =	sdelay $0x4  }
0x19f: {  	[tilespmem:s25+$0xCA20] =	vst v0  }
0x1a0: {  	v0 =	vld [tilespmem:s26+$0x4A30];
	_ =	sdelay $0x1  }
0x1a1: {  	s31 =	spop (v2sf)  }
0x1a2: {  	s26 =	sand.u32 $0x1, s31  }
0x1a3: {  	s26 =	sshll.u32 s26, $0x6  }
0x1a4: {  	s26 =	sadd.s32 s25, s26;
	[tilespmem:s25+$0xCA30] =	vst v0  }
0x1a5: {  	v0 =	vld [tilespmem:s26+$0x4A80];
	_ =	sdelay $0x4  }
0x1a6: {  	[tilespmem:s25+$0xCA80] =	vst v0  }
0x1a7: {  	v0 =	vld [tilespmem:s26+$0x4A90];
	_ =	sdelay $0x4  }
0x1a8: {  	[tilespmem:s25+$0xCA90] =	vst v0  }
0x1a9: {  	v0 =	vld [tilespmem:s26+$0x4AA0];
	_ =	sdelay $0x4  }
0x1aa: {  	[tilespmem:s25+$0xCAA0] =	vst v0  }
0x1ab: {  	p0 =	sne.s32 s23, $0xE000;
	v0 =	vld [tilespmem:s26+$0x4AB0]  }
.Ltmp1:
0x1ac: {  	_ = 	snop;
	(pc) =	sbr.rel @p0 .LBB2_5-.Ltmp1, $2  }
0x1ad: {  	_ =	sdelay $0x2  }
0x1ae: {  	s24 =	sadd.s32 $0x10, s24;
	s23 =	sadd.s32 $0x2000, s23;
	[tilespmem:s25+$0xCAB0] =	vst v0  }
0x1af: {  	s21 =	sadd.s32 $0x1, s21  }
0x1b0: {  	p0 =	sne.s32 s21, $0x64  }
.Ltmp2:
0x1b1: {  	_ = 	snop;
	(pc) =	sbr.rel @p0 .LBB2_2-.Ltmp2, $4  }
0x1b2: {  	_ = 	snop  }
0x1b3: {  	s22 =	sshll.u32 s22, $0x4  }
0x1b4: {  	s22 =	sadd.s32 s5, s22  }
0x1b5: {  	[hbm4b:s22+s2] =	stream.linear.scatter [tilespmem:s17], [sflag:$0x4], $0x4000, $0x38;
	[tilespmem:$0x10300] =	vst v63  }
0x1b6: {  	s20 =	sadd.s32 $0x1, s20  }
0x1b7: {  	_ =	swait.ge [sflag:s18], $0x4000;
	p0 =	sne.s32 s20, s7  }
.Ltmp3:
0x1b8: {  	[sflag:s18] =	ssyncset.done $0x0;
	(pc) =	sbr.rel @p0 .LBB2_1-.Ltmp3, $4  }
0x1b9: {  	[sflag:s18] =	ssyncadd.s32 $0xFFFFC000  }
0x1ba: {  	_ =	swait.ge [sflag:s19], $0x4000  }
0x1bb: {  	[sflag:s19] =	ssyncset.done $0x0  }
0x1bc: {  	[sflag:s19] =	ssyncadd.s32 $0xFFFFC000  }
0x1bd: {  	_ =	sfence.sel $0x180000  }
0x1be: {  	[bflag:$0x0] =	sbarrier.arrive $0xFFFF  }
0x1bf: {  	p0 =	sne.s32 s3, $0x0;
	_ =	strace $0x90000047  }
0x1c0: {  	s0 =	sadd.s32 @!p0 $0x100000, s0;
	[bflag:$0x2] =	sbarrier.arrive $0xFFFF  }
0x1c1: {  	[sflag:s0] =	ssyncadd.tile.s32 @!p0 $0x1;
	_ =	shalt  }
.Lfunc_end2:
_tile_overlayer_lowered:
.L_overlay_start_2:
0x1c2: {  	(tag) =	ssettag $0x2  }
0x1c3: {  	s0 =	rddreg [dreg:$0x0];
	s2 =	stileid.u32  }
0x1c4: {  	s1 =	rddreg [dreg:$0x1];
	p0 =	sne.s32 s2, $0x0  }
0x1c5: {  	s3 =	rddreg [dreg:$0x2];
	[bflag:$0x3] =	sbarrier.arrive $0xFFFF;
	s2 =	simm.s32 @!p0 $0x1C05  }
0x1c6: {  	[timem:s3], [sflag:s2] =	dma.local @!p0 [hbm:s0], s1  }
0x1c7: {  	s0 =	simm.s32 @!p0 $0x5  }
0x1c8: {  	_ =	swait.ge @!p0 [sflag:s0], s1  }
0x1c9: {  	s1 =	ssub.s32 @!p0 $0x0, s1;
	[sflag:s0] =	ssyncset.done @!p0 $0x0  }
0x1ca: {  	[sflag:s0] =	ssyncadd.s32 @!p0 s1  }
0x1cb: {  	[bflag:$0x3] =	sbarrier.arrive $0xFFFF  }
0x1cc: {  	_ =	shalt  }

// kernel: sparse-core-data-format-call.cloned.1.call-start
scs
called_computation_lowered:
.L_overlay_start_0:
0x0: {  	s2 =	sld [smem:$0x3FD9]  }
0x1: {  	s3 =	sld [smem:$0x3FFE];
	_ =	sdelay $0x1  }
0x2: {  	s1 =	srdreg.scid  }
0x3: {  	s0 =	sand.u32 $0x1, s1  }
0x4: {  	s18 =	sshll.u32 s0, $0xA;
	s2 =	sadd.s32 s3, s2  }
0x5: {  	s2 =	sadd.s32 s2, s18  }
0x6: {  	[smem:$0x3FC6] =	sst s2  }
0x7: {  	_ = 	snop  }
0x8: {  	s2 =	sld [smem:$0x3FD0];
	(tm) =	ssettm $0x1  }
0x9: {  	s19 =	sld [smem:$0x3FFB];
	_ =	sdelay $0x3  }
0xa: {  	_ =	strace s19  }
0xb: {  	s3 =	sld [smem:$0x3FFC];
	_ =	sdelay $0x3  }
0xc: {  	_ =	strace s3  }
0xd: {  	s3 =	sld [smem:$0x3FFD];
	_ =	sdelay $0x3  }
0xe: {  	_ =	strace s3  }
0xf: {  	_ =	strace $0x8FFFFFFF  }
0x10: {  	s20 =	sld [smem:$0x3FDB];
	_ =	sdelay $0x1  }
0x11: {  	s4 =	simm.s32 $_scs_section_size  }
0x12: {  	s5 =	simm.s32 $_size__tile_overlayer_lowered;
	s6 =	simm.s32 $_tile_overlayer_lowered  }
0x13: {  	s23 =	simm.s32 $0x1BFF;
	s22 =	sshll.u32 s6, $0x1;
	s3 =	sadd.s32 s4, s20  }
0x14: {  	s7 =	simm.s32 $0x0;
	s21 =	sshll.u32 s5, $0x1;
	s5 =	sadd.s32 s22, s3  }
0x15: {  	[timem:s7], [sflag:s23] =	dma.local [hbm:s5], s21  }
0x16: {  	_ =	swait.ge [sflag:s23], s21  }
0x17: {  	s4 =	ssub.s32 $0x0, s21;
	[sflag:s23] =	ssyncset.done $0x0  }
0x18: {  	[sflag:s23] =	ssyncadd.s32 s4;
	_ =	sdelay $0x1  }
0x19: {  	s24 =	simm.s32 $0x1B8B  }
0x1a: {  	_ =	swait.ge [sflag:s24], $0x1  }
0x1b: {  	[sflag:s24] =	ssyncset.done $0x0  }
0x1c: {  	s26 =	simm.s32 $0x1B8E;
	s25 =	sld [smem:$0x3FFE];
	[sflag:s24] =	ssyncadd.s32 $0xFFFFFFFF  }
0x1d: {  	s27 =	simm.s32 $execute0_lowered;
	[smem:$0x3FD2] =	sst s26  }
0x1e: {  	s5 =	sshll.u32 s27, $0x1;
	_ =	strace $0x80000049;
	[dreg:$0x1] =	wrdreg $0xFFFFFFFF  }
0x1f: {  	s28 =	simm.s32 $_size_execute0_lowered;
	s3 =	sadd.s32 s3, s5;
	[dreg:$0x0] =	wrdreg $0x0  }
0x20: {  	s5 =	sshll.u32 s28, $0x1;
	[dreg:$0x2] =	wrdreg s3  }
0x21: {  	[dreg:$0x3] =	wrdreg s5  }
0x22: {  	[dreg:$0x4] =	wrdreg $0xC0  }
0x23: {  	_ =	task [dreg:s7], $0x5FFFF  }
0x24: {  	[dreg:$0x1] =	wrdreg $0xFFFFFFFF  }
0x25: {  	[dreg:$0x0] =	wrdreg $0x60  }
0x26: {  	[dreg:$0x2] =	wrdreg s25  }
0x27: {  	[dreg:$0x3] =	wrdreg s2  }
0x28: {  	[dreg:$0x4] =	wrdreg $0x9  }
0x29: {  	_ =	task.clear_ibuf [dreg:s7], $0x5FFFF;
	_ =	strace $0x90000049  }
0x2a: {  	s29 =	simm.s32 $0x9;
	_ =	strace $0x8000004B  }
0x2b: {  	_ =	swait.ge [sflag:s29], $0x1  }
0x2c: {  	[sflag:s29] =	ssyncadd.s32 $0xFFFFFFFF  }
0x2d: {  	_ =	strace $0x9000004B  }
0x2e: {  	_ =	sfence  }
0x2f: {  	s30 =	sld [smem:$0x0];
	_ =	sdelay $0x2  }
0x30: {  	s31 =	sshll.u32 s1, $0xD;
	s1 =	sshrl.u32 s1, $0x2  }
0x31: {  	s3 =	sand.u32 $0x4000, s31;
	s1 =	sadd.s32 s1, s30  }
0x32: {  	s0 =	sor.u32 s3, s0;
	s1 =	sshll.u32 s1, $0x11  }
0x33: {  	s0 =	sor.u32 s1, s0  }
0x34: {  	s0 =	sadd.s32 $0x8F2B, s0  }
0x35: {  	[sflag:s0] =	ssyncadd.remote.s32 $0x1  }
0x36: {  	_ =	sfence.sel $0xFFFF  }
0x37: {  	[dreg:$0x0] =	wrdreg $0xFFFFFFFF;
	(pc) =	sbr.abs _section_cstart, $3  }
0x38: {  	[dreg:$0x1] =	wrdreg $0xFFFFFFFF  }
0x39: {  	_ =	task.clear_ibuf [dreg:s7], $0x2FFFF;
	_ =	strace $0x9FFFFFFF  }
0x3a: {  	(tm) =	ssettm $0x7FFFFFFF  }
0x3b: {  	_ =	shalt  }
tec
execute0_lowered:
.L_overlay_start_1:
0x0: {  	(tag) =	ssettag $0x1  }
0x1: {  	s0 =	srdreg.scid  }
0x2: {  	s1 =	sshll.u32 s0, $0x4  }
0x3: {  	s0 =	stileid.u32;
	s1 =	sand.u32 $0x10, s1  }
0x4: {  	s1 =	sor.u32 s0, s1  }
0x5: {  	s6 =	rddreg [dreg:$0x0];
	s4 =	simm.s32 $0x1;
	s2 =	sshll.u32 s1, $0x7  }
0x6: {  	s7 =	simm.s32 $0x2;
	s12 =	simm.s32 $0x0;
	s1 =	ssub.s32 $0x1000, s2  }
0x7: {  	s8 =	simm.s32 $0x8000;
	s13 =	simm.s32 $0x0;
	s3 =	sand.u32 $0xF80, s1  }
0x8: {  	s9 =	simm.s32 $0x0;
	s5 =	sshrl.u32 s1, $0xC;
	p0 =	sne.s32 s3, $0x0  }
.Ltmp0:
0x9: {  	s1 =	rddreg [dreg:$0x2];
	s4 =	simm.s32 @!p0 $0x0;
	(pc) =	sbr.rel .LBB1_1-.Ltmp0, $4  }
0xa: {  	s11 =	simm.s32 $0x0;
	s3 =	rddreg [dreg:$0x1];
	s5 =	sadd.s32 s4, s5  }
0xb: {  	_ =	strace $0x8000004A;
	s4 =	simm.s32 $0x1;
	s5 =	smul.u32 $0xC8, s5  }
0xc: {  	s6 =	sadd.s32 $0xA00, s6;
	s10 =	smov.u32 s2;
	[sflag:s4] =	ssyncpa.u1 $0x0  }
0xd: {  	p0 =	por $0x0, $0x0;
	[sflag:s7] =	ssyncpa.u1 $0x0;
	s7 =	sor.u32 $0x1, s5  }
.LBB1_4:
0xe: {  	s16 =	sshll.u32 s13, $0x3;
	s17 =	sand.u32 $0x78, s13  }
0xf: {  	s30 =	sand.u32 $0x7E00, s13;
	s12 =	sshll.u32 s12, $0xF;
	s16 =	sand.u32 $0xC00, s16  }
0x10: {  	[tilespmem:s15+$0x810 ss:$0x81] =	vst.msk $0xffff, v2;
	s31 =	sand.u32 $0x7, s13;
	s16 =	sor.u32 s17, s16;
	s17 =	sadd.s32 s3, s30  }
0x11: {  	[tilespmem:s15+$0x1020 ss:$0x81] =	vst.msk $0xffff, v0;
	s13 =	sshll.u32 s31, $0x12;
	s12 =	sadd.s32 s12, s17;
	s16 =	sshrl.u32 s16, $0x3  }
0x12: {  	[tilespmem:s15+$0x0 ss:$0x81] =	vst.msk $0xffff, v1;
	s13 =	sor.u32 $0x400, s13;
	s12 =	sadd.s32 s16, s12  }
0x13: {  	[hbm4b:s12+s13] =	stream.strided.scatter [tilespmem:s14], [sflag:$0x2], $0x2000, s8, s13, $0x20;
	[tilespmem:$0x8080] =	vst v63  }
.LBB1_5:
0x14: {  	s14 =	sadd.s32 $0x1, s9  }
0x15: {  	s12 =	sadd.s32 $0x1000, s10;
	s16 =	smov.u32 s10;
	p2 =	sgt.s32 s14, $0xC7  }
0x16: {  	s16 =	smov.u32 @p2 s12  }
0x17: {  	s14 =	simm.s32 @p2 $0x0;
	p2 =	sgt.s32 s16, $0xFFF  }
0x18: {  	s16 =	smov.u32 @p2 s2;
	p2 =	sne.s32 s11, s7  }
.Ltmp1:
0x19: {  	p1 =	slt.u32 s11, $0x2;
	(pc) =	sbr.rel @!p2 .LBB1_6-.Ltmp1, $4  }
0x1a: {  	s15 =	simm.s32 @!p1 $0x2  }
0x1b: {  	s13 =	smov.u32 s10;
	p0 =	por !p0, !p0;
	_ =	swait.ge @!p1 [sflag:s15], $0x2000  }
0x1c: {  	s12 =	smov.u32 s9;
	[sflag:s15] =	ssyncset.done @!p1 $0x0;
	s9 =	smov.u32 s14  }
0x1d: {  	s11 =	sadd.s32 $0x1, s11;
	[sflag:s15] =	ssyncadd.s32 @!p1 $0xFFFFE000;
	s10 =	smov.u32 s16  }
.LBB1_1:
0x1e: {  	p1 =	sge.u32 s11, s5  }
0x1f: {  	s14 =	sand.u32 @!p1 $0x1FFFFFF, s9  }
0x20: {  	s15 =	smulhi.u32 @!p1 $0x147AE15, s14;
	_ =	sdelay $0x1  }
0x21: {  	s15 =	smul.u32 @!p1 $0xC8, s15  }
0x22: {  	s16 =	sxor.u32 @!p1 $0xFFFFFFFF, s11;
	s17 =	smul.u32 @!p1 $0xC80, s10  }
0x23: {  	s31 =	sadd.s32 $0xFFFFFFFF, s11;
	s16 =	sshll.u32 @!p1 s16, $0xD;
	s14 =	ssub.s32 @!p1 s14, s15  }
0x24: {  	s15 =	sand.u32 @!p1 $0x2000, s16;
	s16 =	sadd.s32 @!p1 s6, s17;
	s14 =	sshll.u32 @!p1 s14, $0x4  }
0x25: {  	s17 =	simm.s32 @!p1 $0x6400;
	s14 =	sadd.s32 @!p1 s14, s16;
	s16 =	simm.s32 @!p1 $0x40  }
0x26: {  	[tilespmem:s15], [sflag:$0x1] =	stream.strided.gather @!p1 [hbm4b:s14+s16], $0x2000, s17, s16, $0x38;
	[tilespmem:$0x8080] =	vst v63  }
0x27: {  	p1 =	sge.u32 s31, s5  }
.Ltmp2:
0x28: {  	_ = 	snop;
	(pc) =	sbr.rel @p1 .LBB1_5-.Ltmp2, $1  }
0x29: {  	_ =	sdelay $0x3  }
0x2a: {  	s14 =	simm.s32 $0x1  }
0x2b: {  	_ =	swait.ge [sflag:s4], $0x2000;
	s14 =	simm.s32 @!p0 $0x0  }
0x2c: {  	[sflag:s4] =	ssyncset.done $0x0;
	s15 =	sshll.u32 s14, $0xD  }
0x2d: {  	[sflag:s4] =	ssyncadd.s32 $0xFFFFE000;
	s18 =	sor.u32 $0x20, s15  }
0x2e: {  	s14 =	smul.u32 $0x8100, s14;
	v3 =	vld [tilespmem:s18+$0x10]  }
0x2f: {  	s30 =	sand.u32 $0x1, s11;
	v2 =	vld [tilespmem:s18+$0xFFFFFFF0]  }
0x30: {  	s15 =	smul.u32 $0x8100, s30;
	s14 =	sshrl.u32 s14, $0x2;
	v0 =	vld [tilespmem:s18+$0x0]  }
0x31: {  	v1 =	vld [tilespmem:s18+$0xFFFFFFE0];
	s16 =	sor.u32 $0x4000, s14  }
0x32: {  	s31 =	sshrl.u32 s15, $0x2;
	s15 =	sadd.s32 $0x0, s16  }
0x33: {  	s17 =	simm.s32 $0x4;
	s18 =	sadd.s32 $0x40, s18;
	s14 =	sor.u32 $0x4000, s31;
	[tilespmem:s15+$0x1830 ss:$0x81] =	vst.msk $0xffff, v3  }
.LBB1_3:
0x34: {  	v3 =	vld [tilespmem:s18+$0x10];
	p1 =	sne.s32 s17, $0x1FC;
	[tilespmem:s15+$0x810 ss:$0x81] =	vst.msk $0xffff, v2;
	s19 =	smov.u32 s17;
	s17 =	sadd.s32 $0x4, s17  }
.Ltmp3:
0x35: {  	v2 =	vld [tilespmem:s18+$0xFFFFFFF0];
	[tilespmem:s15+$0x1020 ss:$0x81] =	vst.msk $0xffff, v0;
	(pc) =	sbr.rel @p1 .LBB1_3-.Ltmp3, $4  }
0x36: {  	v0 =	vld [tilespmem:s18+$0x0];
	[tilespmem:s15+$0x0 ss:$0x81] =	vst.msk $0xffff, v1  }
0x37: {  	s15 =	sshra.s32 s19, $0x2;
	v1 =	vld [tilespmem:s18+$0xFFFFFFE0]  }
0x38: {  	s15 =	sadd.s32 s15, s16  }
0x39: {  	s18 =	sadd.s32 $0x40, s18;
	[tilespmem:s15+$0x1830 ss:$0x81] =	vst.msk $0xffff, v3  }
.Ltmp4:
0x3a: {  	_ = 	snop;
	(pc) =	sbr.rel .LBB1_4-.Ltmp4, $1  }
0x3b: {  	_ =	sdelay $0x3  }
.LBB1_6:
0x3c: {  	_ =	sfence.sel $0x180000  }
0x3d: {  	s2 =	simm.s32 $0x1;
	[bflag:$0x0] =	sbarrier.arrive $0xFFFF  }
0x3e: {  	s31 =	simm.s32 $0x2;
	[sflag:s2] =	ssyncpa.u1 $0x1  }
0x3f: {  	[sflag:s31] =	ssyncpa.u1 $0x1  }
0x40: {  	p0 =	sne.s32 s0, $0x0;
	_ =	strace $0x9000004A  }
0x41: {  	s0 =	sadd.s32 @!p0 $0x100000, s1;
	[bflag:$0x2] =	sbarrier.arrive $0xFFFF  }
0x42: {  	[sflag:s0] =	ssyncadd.tile.s32 @!p0 $0x1;
	_ =	shalt  }
.Lfunc_end1:
_tile_overlayer_lowered:
.L_overlay_start_2:
0x43: {  	(tag) =	ssettag $0x2  }
0x44: {  	s0 =	rddreg [dreg:$0x0];
	s2 =	stileid.u32  }
0x45: {  	s1 =	rddreg [dreg:$0x1];
	p0 =	sne.s32 s2, $0x0  }
0x46: {  	s3 =	rddreg [dreg:$0x2];
	[bflag:$0x3] =	sbarrier.arrive $0xFFFF;
	s2 =	simm.s32 @!p0 $0x1C01  }
0x47: {  	[timem:s3], [sflag:s2] =	dma.local @!p0 [hbm:s0], s1  }
0x48: {  	s0 =	simm.s32 @!p0 $0x1  }
0x49: {  	_ =	swait.ge @!p0 [sflag:s0], s1  }
0x4a: {  	s1 =	ssub.s32 @!p0 $0x0, s1;
	[sflag:s0] =	ssyncset.done @!p0 $0x0  }
0x4b: {  	[sflag:s0] =	ssyncadd.s32 @!p0 s1  }
0x4c: {  	[bflag:$0x3] =	sbarrier.arrive $0xFFFF  }
0x4d: {  	_ =	shalt  }

</sc_bundles>
